<compile_context>
chip_gen: v7x
topology: tpu7x:2x2x1
jax: 0.10.2.dev20260603
libtpu: 0.0.44.dev20260713+nightly
codegen_flags: <defaults>
</compile_context>

<pallas_src>
import jax
import jax.numpy as jnp
from jax import lax
from jax.experimental import pallas as pl
from jax.experimental.pallas import tpu as pltpu
from jax.experimental.pallas import tpu_sc as plsc

_EPS = 1e-5

_N = 50000
_E = 800000
_H = 64
_HQ = 16
_BLK = 5000
_GRID = _N // _BLK

_CW = 128
_NCHUNK = 6400
_EP = _NCHUNK * _CW
_CPT = _NCHUNK // 16
_DCPT = _NCHUNK // 32
_SUPC = 80
_SUPS = _CPT // _SUPC
_ND = 50048
_NR = _ND
_TRASH = 50000
_RPT = _ND // 16
_ZR = _NR // 16


def _dotT(a, w):
  return lax.dot_general(a, w, (((1,), (1,)), ((), ())),
                         preferred_element_type=jnp.float32)



def _deg_body(dst2d, ones_h, zeros_h, out0, out1, acc, dall, ones_v):
  c = lax.axis_index("c")
  s = lax.axis_index("s")
  wid = c * 16 + s
  pltpu.sync_copy(ones_h, ones_v)
  pltpu.sync_copy(dst2d.at[pl.ds(wid * _DCPT, _DCPT)], dall)
  pltpu.sync_copy(zeros_h, acc.at[pl.ds(s * _ZR, _ZR)])
  plsc.subcore_barrier()

  @pl.loop(0, _DCPT)
  def _(j):
    pltpu.sync_copy(ones_v, acc.at[dall.at[j]], add=True)

  plsc.subcore_barrier()

  @pl.when(c == 0)
  def _():
    pltpu.sync_copy(acc.at[pl.ds(s * _RPT, _RPT)],
                    out0.at[pl.ds(s * _RPT, _RPT)])

  @pl.when(c == 1)
  def _():
    pltpu.sync_copy(acc.at[pl.ds(s * _RPT, _RPT)],
                    out1.at[pl.ds(s * _RPT, _RPT)])


def _deg_counts(dst2d, ones_h, zeros_h):
  mesh = plsc.VectorSubcoreMesh(core_axis_name="c", subcore_axis_name="s")
  f = pl.kernel(
      _deg_body,
      compiler_params=pltpu.CompilerParams(use_tc_tiling_on_sc=False),
      out_type=[jax.ShapeDtypeStruct((_ND, 8), jnp.float32),
                jax.ShapeDtypeStruct((_ND, 8), jnp.float32)],
      mesh=mesh,
      scratch_types=[
          pltpu.VMEM_SHARED((_NR, 8), jnp.float32),
          pltpu.VMEM((_DCPT, _CW), jnp.int32),
          pltpu.VMEM((_CW, 8), jnp.float32),
      ],
  )
  return f(dst2d, ones_h, zeros_h)


def _spmm_body(tcat, src2d, dst2d, zq, ocat, tblS, accS, sall, dall,
               rowa, rowb, gsa, gsb, ssa, ssb):
  c = lax.axis_index("c")
  s = lax.axis_index("s")

  def run(q):
    rb = s * _RPT
    cb = pl.multiple_of(16 * (2 * c + q), 16)
    pltpu.sync_copy(tcat.at[pl.ds(rb, _RPT), pl.ds(cb, _HQ)],
                    tblS.at[pl.ds(rb, _RPT)])
    pltpu.sync_copy(zq, accS.at[pl.ds(rb, _RPT)])
    plsc.subcore_barrier()

    @pl.loop(0, _SUPS)
    def _(u):
      base = s * _CPT + u * _SUPC
      pltpu.sync_copy(src2d.at[pl.ds(base, _SUPC)], sall)
      pltpu.sync_copy(dst2d.at[pl.ds(base, _SUPC)], dall)
      pltpu.async_copy(tblS.at[sall.at[0]], rowa, gsa)

      @pl.loop(0, _SUPC, step=2)
      def _(j):
        pltpu.make_async_copy(tblS.at[sall.at[j]], rowa, gsa).wait()

        @pl.when(j > 0)
        def _():
          pltpu.make_async_copy(rowb, accS.at[dall.at[j]], ssb).wait()

        pltpu.async_copy(tblS.at[sall.at[j + 1]], rowb, gsb)
        pltpu.async_copy(rowa, accS.at[dall.at[j]], ssa, add=True)
        pltpu.make_async_copy(tblS.at[sall.at[j + 1]], rowb, gsb).wait()
        pltpu.make_async_copy(rowa, accS.at[dall.at[j]], ssa).wait()

        @pl.when(j + 2 < _SUPC)
        def _():
          pltpu.async_copy(tblS.at[sall.at[j + 2]], rowa, gsa)

        pltpu.async_copy(rowb, accS.at[dall.at[j + 1]], ssb, add=True)

      pltpu.make_async_copy(rowb, accS.at[dall.at[0]], ssb).wait()

    plsc.subcore_barrier()
    pltpu.sync_copy(accS.at[pl.ds(rb, _RPT)],
                    ocat.at[pl.ds(rb, _RPT), pl.ds(cb, _HQ)])

  run(0)
  run(1)


def _spmm(tcat, src2w, dst2w, zq):
  mesh = plsc.VectorSubcoreMesh(core_axis_name="c", subcore_axis_name="s")
  f = pl.kernel(
      _spmm_body,
      compiler_params=pltpu.CompilerParams(use_tc_tiling_on_sc=False),
      out_type=jax.ShapeDtypeStruct((_ND, _H), jnp.float32),
      mesh=mesh,
      scratch_types=[
          pltpu.VMEM_SHARED((_NR, _HQ), jnp.float32),
          pltpu.VMEM_SHARED((_NR, _HQ), jnp.float32),
          pltpu.VMEM((_SUPC, _CW), jnp.int32),
          pltpu.VMEM((_SUPC, _CW), jnp.int32),
          pltpu.VMEM((_CW, _HQ), jnp.float32),
          pltpu.VMEM((_CW, _HQ), jnp.float32),
          pltpu.SemaphoreType.DMA,
          pltpu.SemaphoreType.DMA,
          pltpu.SemaphoreType.DMA,
          pltpu.SemaphoreType.DMA,
      ],
  )
  return f(tcat, src2w, dst2w, zq)



def _proj_body(x_ref, d0_ref, d1_ref, wp_ref, bp_ref, wg_ref,
               g_ref, dinv_ref):
  deg = d0_ref[:, 0:1] + d1_ref[:, 0:1] + 1.0
  dinv = lax.rsqrt(deg)
  h = jnp.maximum(_dotT(x_ref[...], wp_ref[...]) + bp_ref[...], 0.0)
  g_ref[...] = _dotT(h, wg_ref[...]) * dinv
  dinv_ref[...] = jnp.broadcast_to(dinv, dinv_ref.shape)


def _proj(x, d0, d1, wp, bp, wg):
  d = x.shape[1]
  return pl.pallas_call(
      _proj_body,
      grid=(_GRID,),
      in_specs=[
          pl.BlockSpec((_BLK, d), lambda i: (i, 0)),
          pl.BlockSpec((_BLK, 8), lambda i: (i, 0)),
          pl.BlockSpec((_BLK, 8), lambda i: (i, 0)),
          pl.BlockSpec((_H, d), lambda i: (0, 0)),
          pl.BlockSpec((1, _H), lambda i: (0, 0)),
          pl.BlockSpec((_H, _H), lambda i: (0, 0)),
      ],
      out_specs=[
          pl.BlockSpec((_BLK, _H), lambda i: (i, 0)),
          pl.BlockSpec((_BLK, 8), lambda i: (i, 0)),
      ],
      out_shape=[
          jax.ShapeDtypeStruct((_ND, _H), jnp.float32),
          jax.ShapeDtypeStruct((_N, 8), jnp.float32),
      ],
  )(x, d0, d1, wp, bp, wg)


def _stats_body(a_ref, t_ref, dinv_ref, bg_ref, s_ref):
  @pl.when(pl.program_id(0) == 0)
  def _():
    s_ref[...] = jnp.zeros_like(s_ref)

  dinv = dinv_ref[:, 0:1]
  y = (a_ref[...] + t_ref[...]) * dinv + bg_ref[...]
  s1 = jnp.sum(y, axis=0, keepdims=True)
  s2 = jnp.sum(y * y, axis=0, keepdims=True)
  s_ref[...] += jnp.concatenate([s1, s2, jnp.zeros((6, _H), jnp.float32)], 0)


def _stats(a, t, dinv, bg):
  return pl.pallas_call(
      _stats_body,
      grid=(_GRID,),
      in_specs=[
          pl.BlockSpec((_BLK, _H), lambda i: (i, 0)),
          pl.BlockSpec((_BLK, _H), lambda i: (i, 0)),
          pl.BlockSpec((_BLK, 8), lambda i: (i, 0)),
          pl.BlockSpec((1, _H), lambda i: (0, 0)),
      ],
      out_specs=pl.BlockSpec((8, _H), lambda i: (0, 0)),
      out_shape=jax.ShapeDtypeStruct((8, _H), jnp.float32),
  )(a, t, dinv, bg)


def _bn_from_sums(s_ref, gam_ref, bet_ref):
  m = s_ref[0:1, :] * (1.0 / _N)
  var = s_ref[1:2, :] * (1.0 / _N) - m * m
  scale = lax.rsqrt(var + _EPS) * gam_ref[...]
  shift = bet_ref[...] - m * scale
  return scale, shift


def _mid_body(a_ref, t_ref, dinv_ref, s_ref, bg_ref, gam_ref, bet_ref,
              wn_ref, g_ref):
  dinv = dinv_ref[:, 0:1]
  scale, shift = _bn_from_sums(s_ref, gam_ref, bet_ref)
  y = (a_ref[...] + t_ref[...]) * dinv + bg_ref[...]
  h = jnp.maximum(y * scale + shift, 0.0)
  g_ref[...] = _dotT(h, wn_ref[...]) * dinv


def _mid(a, t, dinv, s, bg, gam, bet, wn):
  return pl.pallas_call(
      _mid_body,
      grid=(_GRID,),
      in_specs=[
          pl.BlockSpec((_BLK, _H), lambda i: (i, 0)),
          pl.BlockSpec((_BLK, _H), lambda i: (i, 0)),
          pl.BlockSpec((_BLK, 8), lambda i: (i, 0)),
          pl.BlockSpec((8, _H), lambda i: (0, 0)),
          pl.BlockSpec((1, _H), lambda i: (0, 0)),
          pl.BlockSpec((1, _H), lambda i: (0, 0)),
          pl.BlockSpec((1, _H), lambda i: (0, 0)),
          pl.BlockSpec((_H, _H), lambda i: (0, 0)),
      ],
      out_specs=pl.BlockSpec((_BLK, _H), lambda i: (i, 0)),
      out_shape=jax.ShapeDtypeStruct((_ND, _H), jnp.float32),
  )(a, t, dinv, s, bg, gam, bet, wn)


def _fin_body(a_ref, t_ref, dinv_ref, s_ref, bg_ref, gam_ref, bet_ref,
              wc1_ref, bc1_ref, wc2_ref, bc2_ref, o_ref):
  dinv = dinv_ref[:, 0:1]
  scale, shift = _bn_from_sums(s_ref, gam_ref, bet_ref)
  y = (a_ref[...] + t_ref[...]) * dinv + bg_ref[...]
  h = y * scale + shift
  t = jnp.maximum(_dotT(h, wc1_ref[...]) + bc1_ref[...], 0.0)
  o_ref[...] = _dotT(t, wc2_ref[...]) + bc2_ref[...]


def _fin(a, t, dinv, s, bg, gam, bet, wc1, bc1, wc2, bc2):
  hc = wc1.shape[0]
  nc = wc2.shape[0]
  return pl.pallas_call(
      _fin_body,
      grid=(_GRID,),
      in_specs=[
          pl.BlockSpec((_BLK, _H), lambda i: (i, 0)),
          pl.BlockSpec((_BLK, _H), lambda i: (i, 0)),
          pl.BlockSpec((_BLK, 8), lambda i: (i, 0)),
          pl.BlockSpec((8, _H), lambda i: (0, 0)),
          pl.BlockSpec((1, _H), lambda i: (0, 0)),
          pl.BlockSpec((1, _H), lambda i: (0, 0)),
          pl.BlockSpec((1, _H), lambda i: (0, 0)),
          pl.BlockSpec((hc, _H), lambda i: (0, 0)),
          pl.BlockSpec((1, hc), lambda i: (0, 0)),
          pl.BlockSpec((nc, hc), lambda i: (0, 0)),
          pl.BlockSpec((1, nc), lambda i: (0, 0)),
      ],
      out_specs=pl.BlockSpec((_BLK, nc), lambda i: (i, 0)),
      out_shape=jax.ShapeDtypeStruct((_N, nc), jnp.float32),
  )(a, t, dinv, s, bg, gam, bet, wc1, bc1, wc2, bc2)



def kernel(x, edge_index, Wp, bp, Wg0, bg0, Wg1, bg1, Wg2, bg2,
           gamma0, beta0, gamma1, beta1, gamma2, beta2,
           Wc1, bc1, Wc2, bc2):
  src = edge_index[0]
  dst = edge_index[1]
  pad = _EP - _E
  src2d = jnp.concatenate(
      [src, jnp.zeros((pad,), jnp.int32)]).reshape(_NCHUNK, _CW)
  dst2d = jnp.concatenate(
      [dst, jnp.full((pad,), _TRASH, jnp.int32)]).reshape(_NCHUNK, _CW)

  ones_h = jnp.ones((_CW, 8), jnp.float32)
  zeros_h = jnp.zeros((_ZR, 8), jnp.float32)
  zq = jnp.zeros((_RPT, _HQ), jnp.float32)

  bp_ = bp.reshape(1, _H)
  bg0_ = bg0.reshape(1, _H)
  bg1_ = bg1.reshape(1, _H)
  bg2_ = bg2.reshape(1, _H)
  ga0_ = gamma0.reshape(1, _H)
  be0_ = beta0.reshape(1, _H)
  ga1_ = gamma1.reshape(1, _H)
  be1_ = beta1.reshape(1, _H)
  ga2_ = gamma2.reshape(1, _H)
  be2_ = beta2.reshape(1, _H)
  bc1_ = bc1.reshape(1, -1)
  bc2_ = bc2.reshape(1, -1)

  d0, d1 = _deg_counts(dst2d, ones_h, zeros_h)

  t, dinv = _proj(x, d0, d1, Wp, bp_, Wg0)

  a = _spmm(t, src2d, dst2d, zq)
  s = _stats(a, t, dinv, bg0_)
  t = _mid(a, t, dinv, s, bg0_, ga0_, be0_, Wg1)

  a = _spmm(t, src2d, dst2d, zq)
  s = _stats(a, t, dinv, bg1_)
  t = _mid(a, t, dinv, s, bg1_, ga1_, be1_, Wg2)

  a = _spmm(t, src2d, dst2d, zq)
  s = _stats(a, t, dinv, bg2_)
  return _fin(a, t, dinv, s, bg2_, ga2_, be2_, Wc1, bc1_, Wc2, bc2_)

# --- scband reference (transcript-rebuilt; emitter-appended) ---
"""Pipeline reference for scband-face-classification-gcn-10058813407638 (READ-ONLY COPY).

The authoritative reference and input builder live on the scoring server;
editing this copy changes nothing except your own understanding.
"""

import jax, jax.numpy as jnp
import numpy as np

N = 50000
E = 800000
D = 128
H = 64
C = 2
EPS = 1e-5


def setup_inputs(seed: int = 0) -> dict:
    key = jax.random.key(seed)
    ks = jax.random.split(key, 24)
    s = 0.05
    inp = {}
    inp["x"] = jax.random.normal(ks[0], (N, D), dtype=jnp.float32)
    inp["edge_index"] = jax.random.randint(ks[1], (2, E), 0, N, dtype=jnp.int32)
    inp["Wp"] = jax.random.normal(ks[2], (H, D), dtype=jnp.float32) * s
    inp["bp"] = jnp.zeros((H,), dtype=jnp.float32)
    inp["Wg0"] = jax.random.normal(ks[3], (H, H), dtype=jnp.float32) * s
    inp["bg0"] = jnp.zeros((H,), dtype=jnp.float32)
    inp["Wg1"] = jax.random.normal(ks[4], (H, H), dtype=jnp.float32) * s
    inp["bg1"] = jnp.zeros((H,), dtype=jnp.float32)
    inp["Wg2"] = jax.random.normal(ks[5], (H, H), dtype=jnp.float32) * s
    inp["bg2"] = jnp.zeros((H,), dtype=jnp.float32)
    inp["gamma0"] = jnp.ones((H,), dtype=jnp.float32)
    inp["beta0"] = jnp.zeros((H,), dtype=jnp.float32)
    inp["gamma1"] = jnp.ones((H,), dtype=jnp.float32)
    inp["beta1"] = jnp.zeros((H,), dtype=jnp.float32)
    inp["gamma2"] = jnp.ones((H,), dtype=jnp.float32)
    inp["beta2"] = jnp.zeros((H,), dtype=jnp.float32)
    inp["Wc1"] = jax.random.normal(ks[6], (H // 2, H), dtype=jnp.float32) * s
    inp["bc1"] = jnp.zeros((H // 2,), dtype=jnp.float32)
    inp["Wc2"] = jax.random.normal(ks[7], (C, H // 2), dtype=jnp.float32) * s
    inp["bc2"] = jnp.zeros((C,), dtype=jnp.float32)
    return inp


def _gcn_conv(h, src, dst, W, b, n):
    # GCNConv: linear transform, add self-loops, symmetric normalization, scatter-add
    hw = h @ W.T
    loop = jnp.arange(n, dtype=src.dtype)
    src2 = jnp.concatenate([src, loop])
    dst2 = jnp.concatenate([dst, loop])
    deg = jnp.zeros((n,), dtype=hw.dtype).at[dst2].add(1.0)
    dinv = jnp.where(deg > 0, jax.lax.rsqrt(jnp.maximum(deg, 1e-12)), 0.0)
    norm = dinv[src2] * dinv[dst2]
    msg = hw[src2] * norm[:, None]
    out = jnp.zeros_like(hw).at[dst2].add(msg)
    return out + b


def _bn(h, gamma, beta):
    # BatchNorm1d (training mode, biased variance)
    m = jnp.mean(h, axis=0)
    v = jnp.mean((h - m) ** 2, axis=0)
    return (h - m) * jax.lax.rsqrt(v + EPS) * gamma + beta


def reference(x, edge_index, Wp, bp, Wg0, bg0, Wg1, bg1, Wg2, bg2,
              gamma0, beta0, gamma1, beta1, gamma2, beta2,
              Wc1, bc1, Wc2, bc2):
    src = edge_index[0]
    dst = edge_index[1]
    n = x.shape[0]
    h = jax.nn.relu(x @ Wp.T + bp)
    layers = [(Wg0, bg0, gamma0, beta0), (Wg1, bg1, gamma1, beta1), (Wg2, bg2, gamma2, beta2)]
    for i, (Wg, bg, gamma, beta) in enumerate(layers):
        h = _gcn_conv(h, src, dst, Wg, bg, n)
        h = _bn(h, gamma, beta)
        if i < len(layers) - 1:
            h = jax.nn.relu(h)
            # dropout is identity in deterministic reference
    h = jax.nn.relu(h @ Wc1.T + bc1)
    out = h @ Wc2.T + bc2
    return out

if __name__ == "__main__":
    import jax
    _d = setup_inputs()
    print(jax.jit(kernel)(*tuple(_d.values())))

</pallas_src>

<mosaic_0001>
#map = affine_map<(d0, d1) -> (0, 0)>
module attributes {stable_mosaic.version = 14 : i64} {
  func.func @_spmm_body(%arg0: i32, %arg1: i32, %arg2: memref<50048x64xf32, #tpu.memory_space<hbm>>, %arg3: memref<6400x128xi32, #tpu.memory_space<hbm>>, %arg4: memref<6400x128xi32, #tpu.memory_space<hbm>>, %arg5: memref<3128x16xf32, #tpu.memory_space<hbm>>, %arg6: memref<50048x64xf32, #tpu.memory_space<hbm>>, %arg7: memref<50048x16xf32, #tpu.memory_space<vmem_shared>>, %arg8: memref<50048x16xf32, #tpu.memory_space<vmem_shared>>, %arg9: memref<80x128xi32, #tpu.memory_space<vmem>>, %arg10: memref<80x128xi32, #tpu.memory_space<vmem>>, %arg11: memref<128x16xf32, #tpu.memory_space<vmem>>, %arg12: memref<128x16xf32, #tpu.memory_space<vmem>>, %arg13: memref<!tpu.dma_semaphore, #tpu.memory_space<semaphore_mem>>, %arg14: memref<!tpu.dma_semaphore, #tpu.memory_space<semaphore_mem>>, %arg15: memref<!tpu.dma_semaphore, #tpu.memory_space<semaphore_mem>>, %arg16: memref<!tpu.dma_semaphore, #tpu.memory_space<semaphore_mem>>) attributes {dimension_semantics = [#tpu.dimension_semantics<core_parallel>, #tpu.dimension_semantics<subcore_parallel>], iteration_bounds = array<i64: 2, 16>, scalar_prefetch = 0 : i64, scratch_operands = 10 : i64, tpu.core_type = #tpu.core_type<sc_vector_subcore>, window_params = [{transform_indices = #map}, {transform_indices = #map}, {transform_indices = #map}, {transform_indices = #map}, {transform_indices = #map}]} {
    %mul3A = arith.constant 3128 : i32
    %mul3A_0 = arith.muli %arg1, %mul3A : i32
    %mul3A_1 = arith.constant 2 : i32
    %mul3A_2 = arith.muli %mul3A_1, %arg0 : i32
    %add3A = arith.constant 0 : i32
    %add3A_3 = arith.addi %mul3A_2, %add3A : i32
    %mul3A_4 = arith.constant 16 : i32
    %mul3A_5 = arith.muli %mul3A_4, %add3A_3 : i32
    %multiple_of3A = tpu.assume_multiple %mul3A_5, 16 : i32
    "tpu.region"() ({
      %run_scoped3A = tpu.sem_alloc : memref<!tpu.dma_semaphore, #tpu.memory_space<semaphore_mem>>
      %dma_start3A = arith.constant 0 : i32
      %dma_start3A_27 = tpu.memref_slice %arg7[%mul3A_0, %dma_start3A] : memref<50048x16xf32, #tpu.memory_space<vmem_shared>> -> memref<3128x16xf32, #tpu.memory_space<vmem_shared>>
      %dma_start3A_28 = tpu.memref_slice %arg2[%mul3A_0, %multiple_of3A] : memref<50048x64xf32, #tpu.memory_space<hbm>> -> memref<3128x16xf32, #tpu.memory_space<hbm>>
      tpu.enqueue_dma source(%dma_start3A_28 : memref<3128x16xf32, #tpu.memory_space<hbm>>) target(%dma_start3A_27 : memref<3128x16xf32, #tpu.memory_space<vmem_shared>>) target_semaphore(%run_scoped3A : memref<!tpu.dma_semaphore, #tpu.memory_space<semaphore_mem>>)
      %dma_wait3A = arith.constant 0 : i32
      %dma_wait3A_29 = tpu.memref_slice %arg7[%mul3A_0, %dma_wait3A] : memref<50048x16xf32, #tpu.memory_space<vmem_shared>> -> memref<3128x16xf32, #tpu.memory_space<vmem_shared>>
      %dma_wait3A_30 = tpu.memref_slice %arg2[%mul3A_0, %multiple_of3A] : memref<50048x64xf32, #tpu.memory_space<hbm>> -> memref<3128x16xf32, #tpu.memory_space<hbm>>
      tpu.wait_dma2 semaphore(%run_scoped3A : memref<!tpu.dma_semaphore, #tpu.memory_space<semaphore_mem>>) src(%dma_wait3A_30 : memref<3128x16xf32, #tpu.memory_space<hbm>>) dst(%dma_wait3A_29 : memref<3128x16xf32, #tpu.memory_space<vmem_shared>>)
      tpu.yield
    }) : () -> ()
    "tpu.region"() ({
      %run_scoped3A = tpu.sem_alloc : memref<!tpu.dma_semaphore, #tpu.memory_space<semaphore_mem>>
      %dma_start3A = arith.constant 0 : i32
      %dma_start3A_27 = tpu.memref_slice %arg8[%mul3A_0, %dma_start3A] : memref<50048x16xf32, #tpu.memory_space<vmem_shared>> -> memref<3128x16xf32, #tpu.memory_space<vmem_shared>>
      tpu.enqueue_dma source(%arg5 : memref<3128x16xf32, #tpu.memory_space<hbm>>) target(%dma_start3A_27 : memref<3128x16xf32, #tpu.memory_space<vmem_shared>>) target_semaphore(%run_scoped3A : memref<!tpu.dma_semaphore, #tpu.memory_space<semaphore_mem>>)
      %dma_wait3A = arith.constant 0 : i32
      %dma_wait3A_28 = tpu.memref_slice %arg8[%mul3A_0, %dma_wait3A] : memref<50048x16xf32, #tpu.memory_space<vmem_shared>> -> memref<3128x16xf32, #tpu.memory_space<vmem_shared>>
      tpu.wait_dma2 semaphore(%run_scoped3A : memref<!tpu.dma_semaphore, #tpu.memory_space<semaphore_mem>>) src(%arg5 : memref<3128x16xf32, #tpu.memory_space<hbm>>) dst(%dma_wait3A_28 : memref<3128x16xf32, #tpu.memory_space<vmem_shared>>)
      tpu.yield
    }) : () -> ()
    %barrier3A = arith.constant 0 : index
    tpu.barrier barrier_id(%barrier3A)
    %scan3A = arith.constant 0 : i32
    %scan3A_6 = arith.constant 5 : i32
    %scan3A_7 = arith.addi %scan3A, %scan3A_6 : i32
    %scan3A_8 = arith.constant 1 : i32
    scf.for %scan3A_27 = %scan3A to %scan3A_7 step %scan3A_8  : i32 {
      %mul3A_28 = arith.constant 1 : i32
      %mul3A_29 = arith.muli %scan3A_27, %mul3A_28 : i32
      %add3A_30 = arith.constant 0 : i32
      %add3A_31 = arith.addi %add3A_30, %mul3A_29 : i32
      %mul3A_32 = arith.constant 400 : i32
      %mul3A_33 = arith.muli %arg1, %mul3A_32 : i32
      %mul3A_34 = arith.constant 80 : i32
      %mul3A_35 = arith.muli %add3A_31, %mul3A_34 : i32
      %add3A_36 = arith.addi %mul3A_33, %mul3A_35 : i32
      "tpu.region"() ({
        %run_scoped3A = tpu.sem_alloc : memref<!tpu.dma_semaphore, #tpu.memory_space<semaphore_mem>>
        %dma_start3A_54 = arith.constant 0 : i32
        %dma_start3A_55 = tpu.memref_slice %arg3[%add3A_36, %dma_start3A_54] : memref<6400x128xi32, #tpu.memory_space<hbm>> -> memref<80x128xi32, #tpu.memory_space<hbm>>
        %dma_start3A_56 = arith.constant 0 : i32
        %dma_start3A_57 = tpu.memref_slice %arg3[%add3A_36, %dma_start3A_56] : memref<6400x128xi32, #tpu.memory_space<hbm>> -> memref<80x128xi32, #tpu.memory_space<hbm>>
        tpu.enqueue_dma source(%dma_start3A_57 : memref<80x128xi32, #tpu.memory_space<hbm>>) target(%arg9 : memref<80x128xi32, #tpu.memory_space<vmem>>) target_semaphore(%run_scoped3A : memref<!tpu.dma_semaphore, #tpu.memory_space<semaphore_mem>>)
        %dma_wait3A_58 = arith.constant 0 : i32
        %dma_wait3A_59 = tpu.memref_slice %arg3[%add3A_36, %dma_wait3A_58] : memref<6400x128xi32, #tpu.memory_space<hbm>> -> memref<80x128xi32, #tpu.memory_space<hbm>>
        %dma_wait3A_60 = arith.constant 0 : i32
        %dma_wait3A_61 = tpu.memref_slice %arg3[%add3A_36, %dma_wait3A_60] : memref<6400x128xi32, #tpu.memory_space<hbm>> -> memref<80x128xi32, #tpu.memory_space<hbm>>
        tpu.wait_dma2 semaphore(%run_scoped3A : memref<!tpu.dma_semaphore, #tpu.memory_space<semaphore_mem>>) src(%dma_wait3A_61 : memref<80x128xi32, #tpu.memory_space<hbm>>) dst(%arg9 : memref<80x128xi32, #tpu.memory_space<vmem>>)
        tpu.yield
      }) : () -> ()
      "tpu.region"() ({
        %run_scoped3A = tpu.sem_alloc : memref<!tpu.dma_semaphore, #tpu.memory_space<semaphore_mem>>
        %dma_start3A_54 = arith.constant 0 : i32
        %dma_start3A_55 = tpu.memref_slice %arg4[%add3A_36, %dma_start3A_54] : memref<6400x128xi32, #tpu.memory_space<hbm>> -> memref<80x128xi32, #tpu.memory_space<hbm>>
        %dma_start3A_56 = arith.constant 0 : i32
        %dma_start3A_57 = tpu.memref_slice %arg4[%add3A_36, %dma_start3A_56] : memref<6400x128xi32, #tpu.memory_space<hbm>> -> memref<80x128xi32, #tpu.memory_space<hbm>>
        tpu.enqueue_dma source(%dma_start3A_57 : memref<80x128xi32, #tpu.memory_space<hbm>>) target(%arg10 : memref<80x128xi32, #tpu.memory_space<vmem>>) target_semaphore(%run_scoped3A : memref<!tpu.dma_semaphore, #tpu.memory_space<semaphore_mem>>)
        %dma_wait3A_58 = arith.constant 0 : i32
        %dma_wait3A_59 = tpu.memref_slice %arg4[%add3A_36, %dma_wait3A_58] : memref<6400x128xi32, #tpu.memory_space<hbm>> -> memref<80x128xi32, #tpu.memory_space<hbm>>
        %dma_wait3A_60 = arith.constant 0 : i32
        %dma_wait3A_61 = tpu.memref_slice %arg4[%add3A_36, %dma_wait3A_60] : memref<6400x128xi32, #tpu.memory_space<hbm>> -> memref<80x128xi32, #tpu.memory_space<hbm>>
        tpu.wait_dma2 semaphore(%run_scoped3A : memref<!tpu.dma_semaphore, #tpu.memory_space<semaphore_mem>>) src(%dma_wait3A_61 : memref<80x128xi32, #tpu.memory_space<hbm>>) dst(%arg10 : memref<80x128xi32, #tpu.memory_space<vmem>>)
        tpu.yield
      }) : () -> ()
      %dma_start3A = arith.constant 0 : i32
      %dma_start3A_37 = arith.constant 0 : i32
      %dma_start3A_38 = tpu.memref_slice %arg9[%dma_start3A, %dma_start3A_37] : memref<80x128xi32, #tpu.memory_space<vmem>> -> memref<1x128xi32, #tpu.memory_space<vmem>>
      %dma_start3A_39 = tpu.memref_squeeze %dma_start3A_38 : memref<1x128xi32, #tpu.memory_space<vmem>> -> memref<128xi32, #tpu.memory_space<vmem>>
      %dma_start3A_40 = arith.constant 0 : i32
      %dma_start3A_41 = arith.constant 0 : i32
      %dma_start3A_42 = tpu.memref_slice %arg7[%dma_start3A_40, %dma_start3A_41] : memref<50048x16xf32, #tpu.memory_space<vmem_shared>> -> memref<50048x16xf32, #tpu.memory_space<vmem_shared>>
      tpu.enqueue_indirect_dma source(%dma_start3A_42 : memref<50048x16xf32, #tpu.memory_space<vmem_shared>>) target(%arg11 : memref<128x16xf32, #tpu.memory_space<vmem>>) offsets(%dma_start3A_39 : memref<128xi32, #tpu.memory_space<vmem>>) semaphore(%arg13 : memref<!tpu.dma_semaphore, #tpu.memory_space<semaphore_mem>>)
      %scan3A_43 = arith.constant 0 : i32
      %scan3A_44 = arith.constant 40 : i32
      %scan3A_45 = arith.addi %scan3A_43, %scan3A_44 : i32
      %scan3A_46 = arith.constant 1 : i32
      scf.for %scan3A_54 = %scan3A_43 to %scan3A_45 step %scan3A_46  : i32 {
        %mul3A_55 = arith.constant 2 : i32
        %mul3A_56 = arith.muli %scan3A_54, %mul3A_55 : i32
        %add3A_57 = arith.constant 0 : i32
        %add3A_58 = arith.addi %add3A_57, %mul3A_56 : i32
        %dma_wait3A_59 = arith.constant 0 : i32
        %dma_wait3A_60 = tpu.memref_slice %arg9[%add3A_58, %dma_wait3A_59] : memref<80x128xi32, #tpu.memory_space<vmem>> -> memref<1x128xi32, #tpu.memory_space<vmem>>
        %dma_wait3A_61 = tpu.memref_squeeze %dma_wait3A_60 : memref<1x128xi32, #tpu.memory_space<vmem>> -> memref<128xi32, #tpu.memory_space<vmem>>
        %dma_wait3A_62 = arith.constant 0 : i32
        %dma_wait3A_63 = arith.constant 0 : i32
        %dma_wait3A_64 = tpu.memref_slice %arg7[%dma_wait3A_62, %dma_wait3A_63] : memref<50048x16xf32, #tpu.memory_space<vmem_shared>> -> memref<50048x16xf32, #tpu.memory_space<vmem_shared>>
        tpu.wait_indirect_dma semaphore(%arg13 : memref<!tpu.dma_semaphore, #tpu.memory_space<semaphore_mem>>) src(%dma_wait3A_64 : memref<50048x16xf32, #tpu.memory_space<vmem_shared>>) dst(%arg11 : memref<128x16xf32, #tpu.memory_space<vmem>>)
        %gt3A = arith.constant 0 : i32
        %gt3A_65 = arith.cmpi sgt, %add3A_58, %gt3A : i32
        %convert_element_type3A = arith.extui %gt3A_65 : i1 to i32
        %cond3A = arith.constant 0 : i32
        %cond3A_66 = arith.cmpi ne, %convert_element_type3A, %cond3A : i32
        scf.if %cond3A_66 {
          %dma_wait3A_109 = arith.constant 0 : i32
          %dma_wait3A_110 = tpu.memref_slice %arg10[%add3A_58, %dma_wait3A_109] : memref<80x128xi32, #tpu.memory_space<vmem>> -> memref<1x128xi32, #tpu.memory_space<vmem>>
          %dma_wait3A_111 = tpu.memref_squeeze %dma_wait3A_110 : memref<1x128xi32, #tpu.memory_space<vmem>> -> memref<128xi32, #tpu.memory_space<vmem>>
          %dma_wait3A_112 = arith.constant 0 : i32
          %dma_wait3A_113 = arith.constant 0 : i32
          %dma_wait3A_114 = tpu.memref_slice %arg8[%dma_wait3A_112, %dma_wait3A_113] : memref<50048x16xf32, #tpu.memory_space<vmem_shared>> -> memref<50048x16xf32, #tpu.memory_space<vmem_shared>>
          tpu.wait_indirect_dma semaphore(%arg16 : memref<!tpu.dma_semaphore, #tpu.memory_space<semaphore_mem>>) src(%arg12 : memref<128x16xf32, #tpu.memory_space<vmem>>) dst(%dma_wait3A_114 : memref<50048x16xf32, #tpu.memory_space<vmem_shared>>)
        } else {
        }
        %add3A_67 = arith.constant 1 : i32
        %add3A_68 = arith.addi %add3A_58, %add3A_67 : i32
        %dma_start3A_69 = arith.constant 0 : i32
        %dma_start3A_70 = tpu.memref_slice %arg9[%add3A_68, %dma_start3A_69] : memref<80x128xi32, #tpu.memory_space<vmem>> -> memref<1x128xi32, #tpu.memory_space<vmem>>
        %dma_start3A_71 = tpu.memref_squeeze %dma_start3A_70 : memref<1x128xi32, #tpu.memory_space<vmem>> -> memref<128xi32, #tpu.memory_space<vmem>>
        %dma_start3A_72 = arith.constant 0 : i32
        %dma_start3A_73 = arith.constant 0 : i32
        %dma_start3A_74 = tpu.memref_slice %arg7[%dma_start3A_72, %dma_start3A_73] : memref<50048x16xf32, #tpu.memory_space<vmem_shared>> -> memref<50048x16xf32, #tpu.memory_space<vmem_shared>>
        tpu.enqueue_indirect_dma source(%dma_start3A_74 : memref<50048x16xf32, #tpu.memory_space<vmem_shared>>) target(%arg12 : memref<128x16xf32, #tpu.memory_space<vmem>>) offsets(%dma_start3A_71 : memref<128xi32, #tpu.memory_space<vmem>>) semaphore(%arg14 : memref<!tpu.dma_semaphore, #tpu.memory_space<semaphore_mem>>)
        %dma_start3A_75 = arith.constant 0 : i32
        %dma_start3A_76 = tpu.memref_slice %arg10[%add3A_58, %dma_start3A_75] : memref<80x128xi32, #tpu.memory_space<vmem>> -> memref<1x128xi32, #tpu.memory_space<vmem>>
        %dma_start3A_77 = tpu.memref_squeeze %dma_start3A_76 : memref<1x128xi32, #tpu.memory_space<vmem>> -> memref<128xi32, #tpu.memory_space<vmem>>
        %dma_start3A_78 = arith.constant 0 : i32
        %dma_start3A_79 = arith.constant 0 : i32
        %dma_start3A_80 = tpu.memref_slice %arg8[%dma_start3A_78, %dma_start3A_79] : memref<50048x16xf32, #tpu.memory_space<vmem_shared>> -> memref<50048x16xf32, #tpu.memory_space<vmem_shared>>
        tpu.enqueue_indirect_dma source(%arg11 : memref<128x16xf32, #tpu.memory_space<vmem>>) target(%dma_start3A_80 : memref<50048x16xf32, #tpu.memory_space<vmem_shared>>) offsets(%dma_start3A_77 : memref<128xi32, #tpu.memory_space<vmem>>) semaphore(%arg15 : memref<!tpu.dma_semaphore, #tpu.memory_space<semaphore_mem>>) {add = true}
        %add3A_81 = arith.constant 1 : i32
        %add3A_82 = arith.addi %add3A_58, %add3A_81 : i32
        %dma_wait3A_83 = arith.constant 0 : i32
        %dma_wait3A_84 = tpu.memref_slice %arg9[%add3A_82, %dma_wait3A_83] : memref<80x128xi32, #tpu.memory_space<vmem>> -> memref<1x128xi32, #tpu.memory_space<vmem>>
        %dma_wait3A_85 = tpu.memref_squeeze %dma_wait3A_84 : memref<1x128xi32, #tpu.memory_space<vmem>> -> memref<128xi32, #tpu.memory_space<vmem>>
        %dma_wait3A_86 = arith.constant 0 : i32
        %dma_wait3A_87 = arith.constant 0 : i32
        %dma_wait3A_88 = tpu.memref_slice %arg7[%dma_wait3A_86, %dma_wait3A_87] : memref<50048x16xf32, #tpu.memory_space<vmem_shared>> -> memref<50048x16xf32, #tpu.memory_space<vmem_shared>>
        tpu.wait_indirect_dma semaphore(%arg14 : memref<!tpu.dma_semaphore, #tpu.memory_space<semaphore_mem>>) src(%dma_wait3A_88 : memref<50048x16xf32, #tpu.memory_space<vmem_shared>>) dst(%arg12 : memref<128x16xf32, #tpu.memory_space<vmem>>)
        %dma_wait3A_89 = arith.constant 0 : i32
        %dma_wait3A_90 = tpu.memref_slice %arg10[%add3A_58, %dma_wait3A_89] : memref<80x128xi32, #tpu.memory_space<vmem>> -> memref<1x128xi32, #tpu.memory_space<vmem>>
        %dma_wait3A_91 = tpu.memref_squeeze %dma_wait3A_90 : memref<1x128xi32, #tpu.memory_space<vmem>> -> memref<128xi32, #tpu.memory_space<vmem>>
        %dma_wait3A_92 = arith.constant 0 : i32
        %dma_wait3A_93 = arith.constant 0 : i32
        %dma_wait3A_94 = tpu.memref_slice %arg8[%dma_wait3A_92, %dma_wait3A_93] : memref<50048x16xf32, #tpu.memory_space<vmem_shared>> -> memref<50048x16xf32, #tpu.memory_space<vmem_shared>>
        tpu.wait_indirect_dma semaphore(%arg15 : memref<!tpu.dma_semaphore, #tpu.memory_space<semaphore_mem>>) src(%arg11 : memref<128x16xf32, #tpu.memory_space<vmem>>) dst(%dma_wait3A_94 : memref<50048x16xf32, #tpu.memory_space<vmem_shared>>)
        %add3A_95 = arith.constant 2 : i32
        %add3A_96 = arith.addi %add3A_58, %add3A_95 : i32
        %lt3A = arith.constant 80 : i32
        %lt3A_97 = arith.cmpi slt, %add3A_96, %lt3A : i32
        %convert_element_type3A_98 = arith.extui %lt3A_97 : i1 to i32
        %cond3A_99 = arith.constant 0 : i32
        %cond3A_100 = arith.cmpi ne, %convert_element_type3A_98, %cond3A_99 : i32
        scf.if %cond3A_100 {
          %add3A_109 = arith.constant 2 : i32
          %add3A_110 = arith.addi %add3A_58, %add3A_109 : i32
          %dma_start3A_111 = arith.constant 0 : i32
          %dma_start3A_112 = tpu.memref_slice %arg9[%add3A_110, %dma_start3A_111] : memref<80x128xi32, #tpu.memory_space<vmem>> -> memref<1x128xi32, #tpu.memory_space<vmem>>
          %dma_start3A_113 = tpu.memref_squeeze %dma_start3A_112 : memref<1x128xi32, #tpu.memory_space<vmem>> -> memref<128xi32, #tpu.memory_space<vmem>>
          %dma_start3A_114 = arith.constant 0 : i32
          %dma_start3A_115 = arith.constant 0 : i32
          %dma_start3A_116 = tpu.memref_slice %arg7[%dma_start3A_114, %dma_start3A_115] : memref<50048x16xf32, #tpu.memory_space<vmem_shared>> -> memref<50048x16xf32, #tpu.memory_space<vmem_shared>>
          tpu.enqueue_indirect_dma source(%dma_start3A_116 : memref<50048x16xf32, #tpu.memory_space<vmem_shared>>) target(%arg11 : memref<128x16xf32, #tpu.memory_space<vmem>>) offsets(%dma_start3A_113 : memref<128xi32, #tpu.memory_space<vmem>>) semaphore(%arg13 : memref<!tpu.dma_semaphore, #tpu.memory_space<semaphore_mem>>)
        } else {
        }
        %add3A_101 = arith.constant 1 : i32
        %add3A_102 = arith.addi %add3A_58, %add3A_101 : i32
        %dma_start3A_103 = arith.constant 0 : i32
        %dma_start3A_104 = tpu.memref_slice %arg10[%add3A_102, %dma_start3A_103] : memref<80x128xi32, #tpu.memory_space<vmem>> -> memref<1x128xi32, #tpu.memory_space<vmem>>
        %dma_start3A_105 = tpu.memref_squeeze %dma_start3A_104 : memref<1x128xi32, #tpu.memory_space<vmem>> -> memref<128xi32, #tpu.memory_space<vmem>>
        %dma_start3A_106 = arith.constant 0 : i32
        %dma_start3A_107 = arith.constant 0 : i32
        %dma_start3A_108 = tpu.memref_slice %arg8[%dma_start3A_106, %dma_start3A_107] : memref<50048x16xf32, #tpu.memory_space<vmem_shared>> -> memref<50048x16xf32, #tpu.memory_space<vmem_shared>>
        tpu.enqueue_indirect_dma source(%arg12 : memref<128x16xf32, #tpu.memory_space<vmem>>) target(%dma_start3A_108 : memref<50048x16xf32, #tpu.memory_space<vmem_shared>>) offsets(%dma_start3A_105 : memref<128xi32, #tpu.memory_space<vmem>>) semaphore(%arg16 : memref<!tpu.dma_semaphore, #tpu.memory_space<semaphore_mem>>) {add = true}
      }
      %scan3A_47 = arith.constant 40 : i32
      %dma_wait3A = arith.constant 0 : i32
      %dma_wait3A_48 = arith.constant 0 : i32
      %dma_wait3A_49 = tpu.memref_slice %arg10[%dma_wait3A, %dma_wait3A_48] : memref<80x128xi32, #tpu.memory_space<vmem>> -> memref<1x128xi32, #tpu.memory_space<vmem>>
      %dma_wait3A_50 = tpu.memref_squeeze %dma_wait3A_49 : memref<1x128xi32, #tpu.memory_space<vmem>> -> memref<128xi32, #tpu.memory_space<vmem>>
      %dma_wait3A_51 = arith.constant 0 : i32
      %dma_wait3A_52 = arith.constant 0 : i32
      %dma_wait3A_53 = tpu.memref_slice %arg8[%dma_wait3A_51, %dma_wait3A_52] : memref<50048x16xf32, #tpu.memory_space<vmem_shared>> -> memref<50048x16xf32, #tpu.memory_space<vmem_shared>>
      tpu.wait_indirect_dma semaphore(%arg16 : memref<!tpu.dma_semaphore, #tpu.memory_space<semaphore_mem>>) src(%arg12 : memref<128x16xf32, #tpu.memory_space<vmem>>) dst(%dma_wait3A_53 : memref<50048x16xf32, #tpu.memory_space<vmem_shared>>)
    }
    %scan3A_9 = arith.constant 5 : i32
    %barrier3A_10 = arith.constant 0 : index
    tpu.barrier barrier_id(%barrier3A_10)
    "tpu.region"() ({
      %run_scoped3A = tpu.sem_alloc : memref<!tpu.dma_semaphore, #tpu.memory_space<semaphore_mem>>
      %dma_start3A = tpu.memref_slice %arg6[%mul3A_0, %multiple_of3A] : memref<50048x64xf32, #tpu.memory_space<hbm>> -> memref<3128x16xf32, #tpu.memory_space<hbm>>
      %dma_start3A_27 = arith.constant 0 : i32
      %dma_start3A_28 = tpu.memref_slice %arg8[%mul3A_0, %dma_start3A_27] : memref<50048x16xf32, #tpu.memory_space<vmem_shared>> -> memref<3128x16xf32, #tpu.memory_space<vmem_shared>>
      tpu.enqueue_dma source(%dma_start3A_28 : memref<3128x16xf32, #tpu.memory_space<vmem_shared>>) target(%dma_start3A : memref<3128x16xf32, #tpu.memory_space<hbm>>) target_semaphore(%run_scoped3A : memref<!tpu.dma_semaphore, #tpu.memory_space<semaphore_mem>>)
      %dma_wait3A = tpu.memref_slice %arg6[%mul3A_0, %multiple_of3A] : memref<50048x64xf32, #tpu.memory_space<hbm>> -> memref<3128x16xf32, #tpu.memory_space<hbm>>
      %dma_wait3A_29 = arith.constant 0 : i32
      %dma_wait3A_30 = tpu.memref_slice %arg8[%mul3A_0, %dma_wait3A_29] : memref<50048x16xf32, #tpu.memory_space<vmem_shared>> -> memref<3128x16xf32, #tpu.memory_space<vmem_shared>>
      tpu.wait_dma2 semaphore(%run_scoped3A : memref<!tpu.dma_semaphore, #tpu.memory_space<semaphore_mem>>) src(%dma_wait3A_30 : memref<3128x16xf32, #tpu.memory_space<vmem_shared>>) dst(%dma_wait3A : memref<3128x16xf32, #tpu.memory_space<hbm>>)
      tpu.yield
    }) : () -> ()
    %mul3A_11 = arith.constant 3128 : i32
    %mul3A_12 = arith.muli %arg1, %mul3A_11 : i32
    %mul3A_13 = arith.constant 2 : i32
    %mul3A_14 = arith.muli %mul3A_13, %arg0 : i32
    %add3A_15 = arith.constant 1 : i32
    %add3A_16 = arith.addi %mul3A_14, %add3A_15 : i32
    %mul3A_17 = arith.constant 16 : i32
    %mul3A_18 = arith.muli %mul3A_17, %add3A_16 : i32
    %multiple_of3A_19 = tpu.assume_multiple %mul3A_18, 16 : i32
    "tpu.region"() ({
      %run_scoped3A = tpu.sem_alloc : memref<!tpu.dma_semaphore, #tpu.memory_space<semaphore_mem>>
      %dma_start3A = arith.constant 0 : i32
      %dma_start3A_27 = tpu.memref_slice %arg7[%mul3A_12, %dma_start3A] : memref<50048x16xf32, #tpu.memory_space<vmem_shared>> -> memref<3128x16xf32, #tpu.memory_space<vmem_shared>>
      %dma_start3A_28 = tpu.memref_slice %arg2[%mul3A_12, %multiple_of3A_19] : memref<50048x64xf32, #tpu.memory_space<hbm>> -> memref<3128x16xf32, #tpu.memory_space<hbm>>
      tpu.enqueue_dma source(%dma_start3A_28 : memref<3128x16xf32, #tpu.memory_space<hbm>>) target(%dma_start3A_27 : memref<3128x16xf32, #tpu.memory_space<vmem_shared>>) target_semaphore(%run_scoped3A : memref<!tpu.dma_semaphore, #tpu.memory_space<semaphore_mem>>)
      %dma_wait3A = arith.constant 0 : i32
      %dma_wait3A_29 = tpu.memref_slice %arg7[%mul3A_12, %dma_wait3A] : memref<50048x16xf32, #tpu.memory_space<vmem_shared>> -> memref<3128x16xf32, #tpu.memory_space<vmem_shared>>
      %dma_wait3A_30 = tpu.memref_slice %arg2[%mul3A_12, %multiple_of3A_19] : memref<50048x64xf32, #tpu.memory_space<hbm>> -> memref<3128x16xf32, #tpu.memory_space<hbm>>
      tpu.wait_dma2 semaphore(%run_scoped3A : memref<!tpu.dma_semaphore, #tpu.memory_space<semaphore_mem>>) src(%dma_wait3A_30 : memref<3128x16xf32, #tpu.memory_space<hbm>>) dst(%dma_wait3A_29 : memref<3128x16xf32, #tpu.memory_space<vmem_shared>>)
      tpu.yield
    }) : () -> ()
    "tpu.region"() ({
      %run_scoped3A = tpu.sem_alloc : memref<!tpu.dma_semaphore, #tpu.memory_space<semaphore_mem>>
      %dma_start3A = arith.constant 0 : i32
      %dma_start3A_27 = tpu.memref_slice %arg8[%mul3A_12, %dma_start3A] : memref<50048x16xf32, #tpu.memory_space<vmem_shared>> -> memref<3128x16xf32, #tpu.memory_space<vmem_shared>>
      tpu.enqueue_dma source(%arg5 : memref<3128x16xf32, #tpu.memory_space<hbm>>) target(%dma_start3A_27 : memref<3128x16xf32, #tpu.memory_space<vmem_shared>>) target_semaphore(%run_scoped3A : memref<!tpu.dma_semaphore, #tpu.memory_space<semaphore_mem>>)
      %dma_wait3A = arith.constant 0 : i32
      %dma_wait3A_28 = tpu.memref_slice %arg8[%mul3A_12, %dma_wait3A] : memref<50048x16xf32, #tpu.memory_space<vmem_shared>> -> memref<3128x16xf32, #tpu.memory_space<vmem_shared>>
      tpu.wait_dma2 semaphore(%run_scoped3A : memref<!tpu.dma_semaphore, #tpu.memory_space<semaphore_mem>>) src(%arg5 : memref<3128x16xf32, #tpu.memory_space<hbm>>) dst(%dma_wait3A_28 : memref<3128x16xf32, #tpu.memory_space<vmem_shared>>)
      tpu.yield
    }) : () -> ()
    %barrier3A_20 = arith.constant 0 : index
    tpu.barrier barrier_id(%barrier3A_20)
    %scan3A_21 = arith.constant 0 : i32
    %scan3A_22 = arith.constant 5 : i32
    %scan3A_23 = arith.addi %scan3A_21, %scan3A_22 : i32
    %scan3A_24 = arith.constant 1 : i32
    scf.for %scan3A_27 = %scan3A_21 to %scan3A_23 step %scan3A_24  : i32 {
      %mul3A_28 = arith.constant 1 : i32
      %mul3A_29 = arith.muli %scan3A_27, %mul3A_28 : i32
      %add3A_30 = arith.constant 0 : i32
      %add3A_31 = arith.addi %add3A_30, %mul3A_29 : i32
      %mul3A_32 = arith.constant 400 : i32
      %mul3A_33 = arith.muli %arg1, %mul3A_32 : i32
      %mul3A_34 = arith.constant 80 : i32
      %mul3A_35 = arith.muli %add3A_31, %mul3A_34 : i32
      %add3A_36 = arith.addi %mul3A_33, %mul3A_35 : i32
      "tpu.region"() ({
        %run_scoped3A = tpu.sem_alloc : memref<!tpu.dma_semaphore, #tpu.memory_space<semaphore_mem>>
        %dma_start3A_54 = arith.constant 0 : i32
        %dma_start3A_55 = tpu.memref_slice %arg3[%add3A_36, %dma_start3A_54] : memref<6400x128xi32, #tpu.memory_space<hbm>> -> memref<80x128xi32, #tpu.memory_space<hbm>>
        %dma_start3A_56 = arith.constant 0 : i32
        %dma_start3A_57 = tpu.memref_slice %arg3[%add3A_36, %dma_start3A_56] : memref<6400x128xi32, #tpu.memory_space<hbm>> -> memref<80x128xi32, #tpu.memory_space<hbm>>
        tpu.enqueue_dma source(%dma_start3A_57 : memref<80x128xi32, #tpu.memory_space<hbm>>) target(%arg9 : memref<80x128xi32, #tpu.memory_space<vmem>>) target_semaphore(%run_scoped3A : memref<!tpu.dma_semaphore, #tpu.memory_space<semaphore_mem>>)
        %dma_wait3A_58 = arith.constant 0 : i32
        %dma_wait3A_59 = tpu.memref_slice %arg3[%add3A_36, %dma_wait3A_58] : memref<6400x128xi32, #tpu.memory_space<hbm>> -> memref<80x128xi32, #tpu.memory_space<hbm>>
        %dma_wait3A_60 = arith.constant 0 : i32
        %dma_wait3A_61 = tpu.memref_slice %arg3[%add3A_36, %dma_wait3A_60] : memref<6400x128xi32, #tpu.memory_space<hbm>> -> memref<80x128xi32, #tpu.memory_space<hbm>>
        tpu.wait_dma2 semaphore(%run_scoped3A : memref<!tpu.dma_semaphore, #tpu.memory_space<semaphore_mem>>) src(%dma_wait3A_61 : memref<80x128xi32, #tpu.memory_space<hbm>>) dst(%arg9 : memref<80x128xi32, #tpu.memory_space<vmem>>)
        tpu.yield
      }) : () -> ()
      "tpu.region"() ({
        %run_scoped3A = tpu.sem_alloc : memref<!tpu.dma_semaphore, #tpu.memory_space<semaphore_mem>>
        %dma_start3A_54 = arith.constant 0 : i32
        %dma_start3A_55 = tpu.memref_slice %arg4[%add3A_36, %dma_start3A_54] : memref<6400x128xi32, #tpu.memory_space<hbm>> -> memref<80x128xi32, #tpu.memory_space<hbm>>
        %dma_start3A_56 = arith.constant 0 : i32
        %dma_start3A_57 = tpu.memref_slice %arg4[%add3A_36, %dma_start3A_56] : memref<6400x128xi32, #tpu.memory_space<hbm>> -> memref<80x128xi32, #tpu.memory_space<hbm>>
        tpu.enqueue_dma source(%dma_start3A_57 : memref<80x128xi32, #tpu.memory_space<hbm>>) target(%arg10 : memref<80x128xi32, #tpu.memory_space<vmem>>) target_semaphore(%run_scoped3A : memref<!tpu.dma_semaphore, #tpu.memory_space<semaphore_mem>>)
        %dma_wait3A_58 = arith.constant 0 : i32
        %dma_wait3A_59 = tpu.memref_slice %arg4[%add3A_36, %dma_wait3A_58] : memref<6400x128xi32, #tpu.memory_space<hbm>> -> memref<80x128xi32, #tpu.memory_space<hbm>>
        %dma_wait3A_60 = arith.constant 0 : i32
        %dma_wait3A_61 = tpu.memref_slice %arg4[%add3A_36, %dma_wait3A_60] : memref<6400x128xi32, #tpu.memory_space<hbm>> -> memref<80x128xi32, #tpu.memory_space<hbm>>
        tpu.wait_dma2 semaphore(%run_scoped3A : memref<!tpu.dma_semaphore, #tpu.memory_space<semaphore_mem>>) src(%dma_wait3A_61 : memref<80x128xi32, #tpu.memory_space<hbm>>) dst(%arg10 : memref<80x128xi32, #tpu.memory_space<vmem>>)
        tpu.yield
      }) : () -> ()
      %dma_start3A = arith.constant 0 : i32
      %dma_start3A_37 = arith.constant 0 : i32
      %dma_start3A_38 = tpu.memref_slice %arg9[%dma_start3A, %dma_start3A_37] : memref<80x128xi32, #tpu.memory_space<vmem>> -> memref<1x128xi32, #tpu.memory_space<vmem>>
      %dma_start3A_39 = tpu.memref_squeeze %dma_start3A_38 : memref<1x128xi32, #tpu.memory_space<vmem>> -> memref<128xi32, #tpu.memory_space<vmem>>
      %dma_start3A_40 = arith.constant 0 : i32
      %dma_start3A_41 = arith.constant 0 : i32
      %dma_start3A_42 = tpu.memref_slice %arg7[%dma_start3A_40, %dma_start3A_41] : memref<50048x16xf32, #tpu.memory_space<vmem_shared>> -> memref<50048x16xf32, #tpu.memory_space<vmem_shared>>
      tpu.enqueue_indirect_dma source(%dma_start3A_42 : memref<50048x16xf32, #tpu.memory_space<vmem_shared>>) target(%arg11 : memref<128x16xf32, #tpu.memory_space<vmem>>) offsets(%dma_start3A_39 : memref<128xi32, #tpu.memory_space<vmem>>) semaphore(%arg13 : memref<!tpu.dma_semaphore, #tpu.memory_space<semaphore_mem>>)
      %scan3A_43 = arith.constant 0 : i32
      %scan3A_44 = arith.constant 40 : i32
      %scan3A_45 = arith.addi %scan3A_43, %scan3A_44 : i32
      %scan3A_46 = arith.constant 1 : i32
      scf.for %scan3A_54 = %scan3A_43 to %scan3A_45 step %scan3A_46  : i32 {
        %mul3A_55 = arith.constant 2 : i32
        %mul3A_56 = arith.muli %scan3A_54, %mul3A_55 : i32
        %add3A_57 = arith.constant 0 : i32
        %add3A_58 = arith.addi %add3A_57, %mul3A_56 : i32
        %dma_wait3A_59 = arith.constant 0 : i32
        %dma_wait3A_60 = tpu.memref_slice %arg9[%add3A_58, %dma_wait3A_59] : memref<80x128xi32, #tpu.memory_space<vmem>> -> memref<1x128xi32, #tpu.memory_space<vmem>>
        %dma_wait3A_61 = tpu.memref_squeeze %dma_wait3A_60 : memref<1x128xi32, #tpu.memory_space<vmem>> -> memref<128xi32, #tpu.memory_space<vmem>>
        %dma_wait3A_62 = arith.constant 0 : i32
        %dma_wait3A_63 = arith.constant 0 : i32
        %dma_wait3A_64 = tpu.memref_slice %arg7[%dma_wait3A_62, %dma_wait3A_63] : memref<50048x16xf32, #tpu.memory_space<vmem_shared>> -> memref<50048x16xf32, #tpu.memory_space<vmem_shared>>
        tpu.wait_indirect_dma semaphore(%arg13 : memref<!tpu.dma_semaphore, #tpu.memory_space<semaphore_mem>>) src(%dma_wait3A_64 : memref<50048x16xf32, #tpu.memory_space<vmem_shared>>) dst(%arg11 : memref<128x16xf32, #tpu.memory_space<vmem>>)
        %gt3A = arith.constant 0 : i32
        %gt3A_65 = arith.cmpi sgt, %add3A_58, %gt3A : i32
        %convert_element_type3A = arith.extui %gt3A_65 : i1 to i32
        %cond3A = arith.constant 0 : i32
        %cond3A_66 = arith.cmpi ne, %convert_element_type3A, %cond3A : i32
        scf.if %cond3A_66 {
          %dma_wait3A_109 = arith.constant 0 : i32
          %dma_wait3A_110 = tpu.memref_slice %arg10[%add3A_58, %dma_wait3A_109] : memref<80x128xi32, #tpu.memory_space<vmem>> -> memref<1x128xi32, #tpu.memory_space<vmem>>
          %dma_wait3A_111 = tpu.memref_squeeze %dma_wait3A_110 : memref<1x128xi32, #tpu.memory_space<vmem>> -> memref<128xi32, #tpu.memory_space<vmem>>
          %dma_wait3A_112 = arith.constant 0 : i32
          %dma_wait3A_113 = arith.constant 0 : i32
          %dma_wait3A_114 = tpu.memref_slice %arg8[%dma_wait3A_112, %dma_wait3A_113] : memref<50048x16xf32, #tpu.memory_space<vmem_shared>> -> memref<50048x16xf32, #tpu.memory_space<vmem_shared>>
          tpu.wait_indirect_dma semaphore(%arg16 : memref<!tpu.dma_semaphore, #tpu.memory_space<semaphore_mem>>) src(%arg12 : memref<128x16xf32, #tpu.memory_space<vmem>>) dst(%dma_wait3A_114 : memref<50048x16xf32, #tpu.memory_space<vmem_shared>>)
        } else {
        }
        %add3A_67 = arith.constant 1 : i32
        %add3A_68 = arith.addi %add3A_58, %add3A_67 : i32
        %dma_start3A_69 = arith.constant 0 : i32
        %dma_start3A_70 = tpu.memref_slice %arg9[%add3A_68, %dma_start3A_69] : memref<80x128xi32, #tpu.memory_space<vmem>> -> memref<1x128xi32, #tpu.memory_space<vmem>>
        %dma_start3A_71 = tpu.memref_squeeze %dma_start3A_70 : memref<1x128xi32, #tpu.memory_space<vmem>> -> memref<128xi32, #tpu.memory_space<vmem>>
        %dma_start3A_72 = arith.constant 0 : i32
        %dma_start3A_73 = arith.constant 0 : i32
        %dma_start3A_74 = tpu.memref_slice %arg7[%dma_start3A_72, %dma_start3A_73] : memref<50048x16xf32, #tpu.memory_space<vmem_shared>> -> memref<50048x16xf32, #tpu.memory_space<vmem_shared>>
        tpu.enqueue_indirect_dma source(%dma_start3A_74 : memref<50048x16xf32, #tpu.memory_space<vmem_shared>>) target(%arg12 : memref<128x16xf32, #tpu.memory_space<vmem>>) offsets(%dma_start3A_71 : memref<128xi32, #tpu.memory_space<vmem>>) semaphore(%arg14 : memref<!tpu.dma_semaphore, #tpu.memory_space<semaphore_mem>>)
        %dma_start3A_75 = arith.constant 0 : i32
        %dma_start3A_76 = tpu.memref_slice %arg10[%add3A_58, %dma_start3A_75] : memref<80x128xi32, #tpu.memory_space<vmem>> -> memref<1x128xi32, #tpu.memory_space<vmem>>
        %dma_start3A_77 = tpu.memref_squeeze %dma_start3A_76 : memref<1x128xi32, #tpu.memory_space<vmem>> -> memref<128xi32, #tpu.memory_space<vmem>>
        %dma_start3A_78 = arith.constant 0 : i32
        %dma_start3A_79 = arith.constant 0 : i32
        %dma_start3A_80 = tpu.memref_slice %arg8[%dma_start3A_78, %dma_start3A_79] : memref<50048x16xf32, #tpu.memory_space<vmem_shared>> -> memref<50048x16xf32, #tpu.memory_space<vmem_shared>>
        tpu.enqueue_indirect_dma source(%arg11 : memref<128x16xf32, #tpu.memory_space<vmem>>) target(%dma_start3A_80 : memref<50048x16xf32, #tpu.memory_space<vmem_shared>>) offsets(%dma_start3A_77 : memref<128xi32, #tpu.memory_space<vmem>>) semaphore(%arg15 : memref<!tpu.dma_semaphore, #tpu.memory_space<semaphore_mem>>) {add = true}
        %add3A_81 = arith.constant 1 : i32
        %add3A_82 = arith.addi %add3A_58, %add3A_81 : i32
        %dma_wait3A_83 = arith.constant 0 : i32
        %dma_wait3A_84 = tpu.memref_slice %arg9[%add3A_82, %dma_wait3A_83] : memref<80x128xi32, #tpu.memory_space<vmem>> -> memref<1x128xi32, #tpu.memory_space<vmem>>
        %dma_wait3A_85 = tpu.memref_squeeze %dma_wait3A_84 : memref<1x128xi32, #tpu.memory_space<vmem>> -> memref<128xi32, #tpu.memory_space<vmem>>
        %dma_wait3A_86 = arith.constant 0 : i32
        %dma_wait3A_87 = arith.constant 0 : i32
        %dma_wait3A_88 = tpu.memref_slice %arg7[%dma_wait3A_86, %dma_wait3A_87] : memref<50048x16xf32, #tpu.memory_space<vmem_shared>> -> memref<50048x16xf32, #tpu.memory_space<vmem_shared>>
        tpu.wait_indirect_dma semaphore(%arg14 : memref<!tpu.dma_semaphore, #tpu.memory_space<semaphore_mem>>) src(%dma_wait3A_88 : memref<50048x16xf32, #tpu.memory_space<vmem_shared>>) dst(%arg12 : memref<128x16xf32, #tpu.memory_space<vmem>>)
        %dma_wait3A_89 = arith.constant 0 : i32
        %dma_wait3A_90 = tpu.memref_slice %arg10[%add3A_58, %dma_wait3A_89] : memref<80x128xi32, #tpu.memory_space<vmem>> -> memref<1x128xi32, #tpu.memory_space<vmem>>
        %dma_wait3A_91 = tpu.memref_squeeze %dma_wait3A_90 : memref<1x128xi32, #tpu.memory_space<vmem>> -> memref<128xi32, #tpu.memory_space<vmem>>
        %dma_wait3A_92 = arith.constant 0 : i32
        %dma_wait3A_93 = arith.constant 0 : i32
        %dma_wait3A_94 = tpu.memref_slice %arg8[%dma_wait3A_92, %dma_wait3A_93] : memref<50048x16xf32, #tpu.memory_space<vmem_shared>> -> memref<50048x16xf32, #tpu.memory_space<vmem_shared>>
        tpu.wait_indirect_dma semaphore(%arg15 : memref<!tpu.dma_semaphore, #tpu.memory_space<semaphore_mem>>) src(%arg11 : memref<128x16xf32, #tpu.memory_space<vmem>>) dst(%dma_wait3A_94 : memref<50048x16xf32, #tpu.memory_space<vmem_shared>>)
        %add3A_95 = arith.constant 2 : i32
        %add3A_96 = arith.addi %add3A_58, %add3A_95 : i32
        %lt3A = arith.constant 80 : i32
        %lt3A_97 = arith.cmpi slt, %add3A_96, %lt3A : i32
        %convert_element_type3A_98 = arith.extui %lt3A_97 : i1 to i32
        %cond3A_99 = arith.constant 0 : i32
        %cond3A_100 = arith.cmpi ne, %convert_element_type3A_98, %cond3A_99 : i32
        scf.if %cond3A_100 {
          %add3A_109 = arith.constant 2 : i32
          %add3A_110 = arith.addi %add3A_58, %add3A_109 : i32
          %dma_start3A_111 = arith.constant 0 : i32
          %dma_start3A_112 = tpu.memref_slice %arg9[%add3A_110, %dma_start3A_111] : memref<80x128xi32, #tpu.memory_space<vmem>> -> memref<1x128xi32, #tpu.memory_space<vmem>>
          %dma_start3A_113 = tpu.memref_squeeze %dma_start3A_112 : memref<1x128xi32, #tpu.memory_space<vmem>> -> memref<128xi32, #tpu.memory_space<vmem>>
          %dma_start3A_114 = arith.constant 0 : i32
          %dma_start3A_115 = arith.constant 0 : i32
          %dma_start3A_116 = tpu.memref_slice %arg7[%dma_start3A_114, %dma_start3A_115] : memref<50048x16xf32, #tpu.memory_space<vmem_shared>> -> memref<50048x16xf32, #tpu.memory_space<vmem_shared>>
          tpu.enqueue_indirect_dma source(%dma_start3A_116 : memref<50048x16xf32, #tpu.memory_space<vmem_shared>>) target(%arg11 : memref<128x16xf32, #tpu.memory_space<vmem>>) offsets(%dma_start3A_113 : memref<128xi32, #tpu.memory_space<vmem>>) semaphore(%arg13 : memref<!tpu.dma_semaphore, #tpu.memory_space<semaphore_mem>>)
        } else {
        }
        %add3A_101 = arith.constant 1 : i32
        %add3A_102 = arith.addi %add3A_58, %add3A_101 : i32
        %dma_start3A_103 = arith.constant 0 : i32
        %dma_start3A_104 = tpu.memref_slice %arg10[%add3A_102, %dma_start3A_103] : memref<80x128xi32, #tpu.memory_space<vmem>> -> memref<1x128xi32, #tpu.memory_space<vmem>>
        %dma_start3A_105 = tpu.memref_squeeze %dma_start3A_104 : memref<1x128xi32, #tpu.memory_space<vmem>> -> memref<128xi32, #tpu.memory_space<vmem>>
        %dma_start3A_106 = arith.constant 0 : i32
        %dma_start3A_107 = arith.constant 0 : i32
        %dma_start3A_108 = tpu.memref_slice %arg8[%dma_start3A_106, %dma_start3A_107] : memref<50048x16xf32, #tpu.memory_space<vmem_shared>> -> memref<50048x16xf32, #tpu.memory_space<vmem_shared>>
        tpu.enqueue_indirect_dma source(%arg12 : memref<128x16xf32, #tpu.memory_space<vmem>>) target(%dma_start3A_108 : memref<50048x16xf32, #tpu.memory_space<vmem_shared>>) offsets(%dma_start3A_105 : memref<128xi32, #tpu.memory_space<vmem>>) semaphore(%arg16 : memref<!tpu.dma_semaphore, #tpu.memory_space<semaphore_mem>>) {add = true}
      }
      %scan3A_47 = arith.constant 40 : i32
      %dma_wait3A = arith.constant 0 : i32
      %dma_wait3A_48 = arith.constant 0 : i32
      %dma_wait3A_49 = tpu.memref_slice %arg10[%dma_wait3A, %dma_wait3A_48] : memref<80x128xi32, #tpu.memory_space<vmem>> -> memref<1x128xi32, #tpu.memory_space<vmem>>
      %dma_wait3A_50 = tpu.memref_squeeze %dma_wait3A_49 : memref<1x128xi32, #tpu.memory_space<vmem>> -> memref<128xi32, #tpu.memory_space<vmem>>
      %dma_wait3A_51 = arith.constant 0 : i32
      %dma_wait3A_52 = arith.constant 0 : i32
      %dma_wait3A_53 = tpu.memref_slice %arg8[%dma_wait3A_51, %dma_wait3A_52] : memref<50048x16xf32, #tpu.memory_space<vmem_shared>> -> memref<50048x16xf32, #tpu.memory_space<vmem_shared>>
      tpu.wait_indirect_dma semaphore(%arg16 : memref<!tpu.dma_semaphore, #tpu.memory_space<semaphore_mem>>) src(%arg12 : memref<128x16xf32, #tpu.memory_space<vmem>>) dst(%dma_wait3A_53 : memref<50048x16xf32, #tpu.memory_space<vmem_shared>>)
    }
    %scan3A_25 = arith.constant 5 : i32
    %barrier3A_26 = arith.constant 0 : index
    tpu.barrier barrier_id(%barrier3A_26)
    "tpu.region"() ({
      %run_scoped3A = tpu.sem_alloc : memref<!tpu.dma_semaphore, #tpu.memory_space<semaphore_mem>>
      %dma_start3A = tpu.memref_slice %arg6[%mul3A_12, %multiple_of3A_19] : memref<50048x64xf32, #tpu.memory_space<hbm>> -> memref<3128x16xf32, #tpu.memory_space<hbm>>
      %dma_start3A_27 = arith.constant 0 : i32
      %dma_start3A_28 = tpu.memref_slice %arg8[%mul3A_12, %dma_start3A_27] : memref<50048x16xf32, #tpu.memory_space<vmem_shared>> -> memref<3128x16xf32, #tpu.memory_space<vmem_shared>>
      tpu.enqueue_dma source(%dma_start3A_28 : memref<3128x16xf32, #tpu.memory_space<vmem_shared>>) target(%dma_start3A : memref<3128x16xf32, #tpu.memory_space<hbm>>) target_semaphore(%run_scoped3A : memref<!tpu.dma_semaphore, #tpu.memory_space<semaphore_mem>>)
      %dma_wait3A = tpu.memref_slice %arg6[%mul3A_12, %multiple_of3A_19] : memref<50048x64xf32, #tpu.memory_space<hbm>> -> memref<3128x16xf32, #tpu.memory_space<hbm>>
      %dma_wait3A_29 = arith.constant 0 : i32
      %dma_wait3A_30 = tpu.memref_slice %arg8[%mul3A_12, %dma_wait3A_29] : memref<50048x16xf32, #tpu.memory_space<vmem_shared>> -> memref<3128x16xf32, #tpu.memory_space<vmem_shared>>
      tpu.wait_dma2 semaphore(%run_scoped3A : memref<!tpu.dma_semaphore, #tpu.memory_space<semaphore_mem>>) src(%dma_wait3A_30 : memref<3128x16xf32, #tpu.memory_space<vmem_shared>>) dst(%dma_wait3A : memref<3128x16xf32, #tpu.memory_space<hbm>>)
      tpu.yield
    }) : () -> ()
    return
  }
}

#map = affine_map<(d0, d1) -> (0, 0)>
module attributes {stable_mosaic.version = 14 : i64} {
  func.func @_deg_body(%arg0: i32, %arg1: i32, %arg2: memref<6400x128xi32, #tpu.memory_space<hbm>>, %arg3: memref<128x8xf32, #tpu.memory_space<hbm>>, %arg4: memref<3128x8xf32, #tpu.memory_space<hbm>>, %arg5: memref<50048x8xf32, #tpu.memory_space<hbm>>, %arg6: memref<50048x8xf32, #tpu.memory_space<hbm>>, %arg7: memref<50048x8xf32, #tpu.memory_space<vmem_shared>>, %arg8: memref<200x128xi32, #tpu.memory_space<vmem>>, %arg9: memref<128x8xf32, #tpu.memory_space<vmem>>) attributes {dimension_semantics = [#tpu.dimension_semantics<core_parallel>, #tpu.dimension_semantics<subcore_parallel>], iteration_bounds = array<i64: 2, 16>, scalar_prefetch = 0 : i64, scratch_operands = 3 : i64, tpu.core_type = #tpu.core_type<sc_vector_subcore>, window_params = [{transform_indices = #map}, {transform_indices = #map}, {transform_indices = #map}, {transform_indices = #map}, {transform_indices = #map}]} {
    %mul3A = arith.constant 16 : i32
    %mul3A_0 = arith.muli %arg0, %mul3A : i32
    %add3A = arith.addi %mul3A_0, %arg1 : i32
    "tpu.region"() ({
      %run_scoped3A = tpu.sem_alloc : memref<!tpu.dma_semaphore, #tpu.memory_space<semaphore_mem>>
      tpu.enqueue_dma source(%arg3 : memref<128x8xf32, #tpu.memory_space<hbm>>) target(%arg9 : memref<128x8xf32, #tpu.memory_space<vmem>>) target_semaphore(%run_scoped3A : memref<!tpu.dma_semaphore, #tpu.memory_space<semaphore_mem>>)
      tpu.wait_dma2 semaphore(%run_scoped3A : memref<!tpu.dma_semaphore, #tpu.memory_space<semaphore_mem>>) src(%arg3 : memref<128x8xf32, #tpu.memory_space<hbm>>) dst(%arg9 : memref<128x8xf32, #tpu.memory_space<vmem>>)
      tpu.yield
    }) : () -> ()
    %mul3A_1 = arith.constant 200 : i32
    %mul3A_2 = arith.muli %add3A, %mul3A_1 : i32
    "tpu.region"() ({
      %run_scoped3A = tpu.sem_alloc : memref<!tpu.dma_semaphore, #tpu.memory_space<semaphore_mem>>
      %dma_start3A = arith.constant 0 : i32
      %dma_start3A_17 = tpu.memref_slice %arg2[%mul3A_2, %dma_start3A] : memref<6400x128xi32, #tpu.memory_space<hbm>> -> memref<200x128xi32, #tpu.memory_space<hbm>>
      %dma_start3A_18 = arith.constant 0 : i32
      %dma_start3A_19 = tpu.memref_slice %arg2[%mul3A_2, %dma_start3A_18] : memref<6400x128xi32, #tpu.memory_space<hbm>> -> memref<200x128xi32, #tpu.memory_space<hbm>>
      tpu.enqueue_dma source(%dma_start3A_19 : memref<200x128xi32, #tpu.memory_space<hbm>>) target(%arg8 : memref<200x128xi32, #tpu.memory_space<vmem>>) target_semaphore(%run_scoped3A : memref<!tpu.dma_semaphore, #tpu.memory_space<semaphore_mem>>)
      %dma_wait3A = arith.constant 0 : i32
      %dma_wait3A_20 = tpu.memref_slice %arg2[%mul3A_2, %dma_wait3A] : memref<6400x128xi32, #tpu.memory_space<hbm>> -> memref<200x128xi32, #tpu.memory_space<hbm>>
      %dma_wait3A_21 = arith.constant 0 : i32
      %dma_wait3A_22 = tpu.memref_slice %arg2[%mul3A_2, %dma_wait3A_21] : memref<6400x128xi32, #tpu.memory_space<hbm>> -> memref<200x128xi32, #tpu.memory_space<hbm>>
      tpu.wait_dma2 semaphore(%run_scoped3A : memref<!tpu.dma_semaphore, #tpu.memory_space<semaphore_mem>>) src(%dma_wait3A_22 : memref<200x128xi32, #tpu.memory_space<hbm>>) dst(%arg8 : memref<200x128xi32, #tpu.memory_space<vmem>>)
      tpu.yield
    }) : () -> ()
    %mul3A_3 = arith.constant 3128 : i32
    %mul3A_4 = arith.muli %arg1, %mul3A_3 : i32
    "tpu.region"() ({
      %run_scoped3A = tpu.sem_alloc : memref<!tpu.dma_semaphore, #tpu.memory_space<semaphore_mem>>
      %dma_start3A = arith.constant 0 : i32
      %dma_start3A_17 = tpu.memref_slice %arg7[%mul3A_4, %dma_start3A] : memref<50048x8xf32, #tpu.memory_space<vmem_shared>> -> memref<3128x8xf32, #tpu.memory_space<vmem_shared>>
      tpu.enqueue_dma source(%arg4 : memref<3128x8xf32, #tpu.memory_space<hbm>>) target(%dma_start3A_17 : memref<3128x8xf32, #tpu.memory_space<vmem_shared>>) target_semaphore(%run_scoped3A : memref<!tpu.dma_semaphore, #tpu.memory_space<semaphore_mem>>)
      %dma_wait3A = arith.constant 0 : i32
      %dma_wait3A_18 = tpu.memref_slice %arg7[%mul3A_4, %dma_wait3A] : memref<50048x8xf32, #tpu.memory_space<vmem_shared>> -> memref<3128x8xf32, #tpu.memory_space<vmem_shared>>
      tpu.wait_dma2 semaphore(%run_scoped3A : memref<!tpu.dma_semaphore, #tpu.memory_space<semaphore_mem>>) src(%arg4 : memref<3128x8xf32, #tpu.memory_space<hbm>>) dst(%dma_wait3A_18 : memref<3128x8xf32, #tpu.memory_space<vmem_shared>>)
      tpu.yield
    }) : () -> ()
    %barrier3A = arith.constant 0 : index
    tpu.barrier barrier_id(%barrier3A)
    %scan3A = arith.constant 0 : i32
    %scan3A_5 = arith.constant 200 : i32
    %scan3A_6 = arith.addi %scan3A, %scan3A_5 : i32
    %scan3A_7 = arith.constant 1 : i32
    scf.for %scan3A_17 = %scan3A to %scan3A_6 step %scan3A_7  : i32 {
      %mul3A_18 = arith.constant 1 : i32
      %mul3A_19 = arith.muli %scan3A_17, %mul3A_18 : i32
      %add3A_20 = arith.constant 0 : i32
      %add3A_21 = arith.addi %add3A_20, %mul3A_19 : i32
      "tpu.region"() ({
        %run_scoped3A = tpu.sem_alloc : memref<!tpu.dma_semaphore, #tpu.memory_space<semaphore_mem>>
        %dma_start3A = arith.constant 0 : i32
        %dma_start3A_22 = tpu.memref_slice %arg8[%add3A_21, %dma_start3A] : memref<200x128xi32, #tpu.memory_space<vmem>> -> memref<1x128xi32, #tpu.memory_space<vmem>>
        %dma_start3A_23 = tpu.memref_squeeze %dma_start3A_22 : memref<1x128xi32, #tpu.memory_space<vmem>> -> memref<128xi32, #tpu.memory_space<vmem>>
        %dma_start3A_24 = arith.constant 0 : i32
        %dma_start3A_25 = arith.constant 0 : i32
        %dma_start3A_26 = tpu.memref_slice %arg7[%dma_start3A_24, %dma_start3A_25] : memref<50048x8xf32, #tpu.memory_space<vmem_shared>> -> memref<50048x8xf32, #tpu.memory_space<vmem_shared>>
        tpu.enqueue_indirect_dma source(%arg9 : memref<128x8xf32, #tpu.memory_space<vmem>>) target(%dma_start3A_26 : memref<50048x8xf32, #tpu.memory_space<vmem_shared>>) offsets(%dma_start3A_23 : memref<128xi32, #tpu.memory_space<vmem>>) semaphore(%run_scoped3A : memref<!tpu.dma_semaphore, #tpu.memory_space<semaphore_mem>>) {add = true}
        %dma_wait3A = arith.constant 0 : i32
        %dma_wait3A_27 = tpu.memref_slice %arg8[%add3A_21, %dma_wait3A] : memref<200x128xi32, #tpu.memory_space<vmem>> -> memref<1x128xi32, #tpu.memory_space<vmem>>
        %dma_wait3A_28 = tpu.memref_squeeze %dma_wait3A_27 : memref<1x128xi32, #tpu.memory_space<vmem>> -> memref<128xi32, #tpu.memory_space<vmem>>
        %dma_wait3A_29 = arith.constant 0 : i32
        %dma_wait3A_30 = arith.constant 0 : i32
        %dma_wait3A_31 = tpu.memref_slice %arg7[%dma_wait3A_29, %dma_wait3A_30] : memref<50048x8xf32, #tpu.memory_space<vmem_shared>> -> memref<50048x8xf32, #tpu.memory_space<vmem_shared>>
        tpu.wait_indirect_dma semaphore(%run_scoped3A : memref<!tpu.dma_semaphore, #tpu.memory_space<semaphore_mem>>) src(%arg9 : memref<128x8xf32, #tpu.memory_space<vmem>>) dst(%dma_wait3A_31 : memref<50048x8xf32, #tpu.memory_space<vmem_shared>>)
        tpu.yield
      }) : () -> ()
    }
    %scan3A_8 = arith.constant 200 : i32
    %barrier3A_9 = arith.constant 0 : index
    tpu.barrier barrier_id(%barrier3A_9)
    %eq3A = arith.constant 0 : i32
    %eq3A_10 = arith.cmpi eq, %arg0, %eq3A : i32
    %convert_element_type3A = arith.extui %eq3A_10 : i1 to i32
    %cond3A = arith.constant 0 : i32
    %cond3A_11 = arith.cmpi ne, %convert_element_type3A, %cond3A : i32
    scf.if %cond3A_11 {
      %mul3A_17 = arith.constant 3128 : i32
      %mul3A_18 = arith.muli %arg1, %mul3A_17 : i32
      %mul3A_19 = arith.constant 3128 : i32
      %mul3A_20 = arith.muli %arg1, %mul3A_19 : i32
      "tpu.region"() ({
        %run_scoped3A = tpu.sem_alloc : memref<!tpu.dma_semaphore, #tpu.memory_space<semaphore_mem>>
        %dma_start3A = arith.constant 0 : i32
        %dma_start3A_21 = tpu.memref_slice %arg5[%mul3A_20, %dma_start3A] : memref<50048x8xf32, #tpu.memory_space<hbm>> -> memref<3128x8xf32, #tpu.memory_space<hbm>>
        %dma_start3A_22 = arith.constant 0 : i32
        %dma_start3A_23 = tpu.memref_slice %arg7[%mul3A_18, %dma_start3A_22] : memref<50048x8xf32, #tpu.memory_space<vmem_shared>> -> memref<3128x8xf32, #tpu.memory_space<vmem_shared>>
        tpu.enqueue_dma source(%dma_start3A_23 : memref<3128x8xf32, #tpu.memory_space<vmem_shared>>) target(%dma_start3A_21 : memref<3128x8xf32, #tpu.memory_space<hbm>>) target_semaphore(%run_scoped3A : memref<!tpu.dma_semaphore, #tpu.memory_space<semaphore_mem>>)
        %dma_wait3A = arith.constant 0 : i32
        %dma_wait3A_24 = tpu.memref_slice %arg5[%mul3A_20, %dma_wait3A] : memref<50048x8xf32, #tpu.memory_space<hbm>> -> memref<3128x8xf32, #tpu.memory_space<hbm>>
        %dma_wait3A_25 = arith.constant 0 : i32
        %dma_wait3A_26 = tpu.memref_slice %arg7[%mul3A_18, %dma_wait3A_25] : memref<50048x8xf32, #tpu.memory_space<vmem_shared>> -> memref<3128x8xf32, #tpu.memory_space<vmem_shared>>
        tpu.wait_dma2 semaphore(%run_scoped3A : memref<!tpu.dma_semaphore, #tpu.memory_space<semaphore_mem>>) src(%dma_wait3A_26 : memref<3128x8xf32, #tpu.memory_space<vmem_shared>>) dst(%dma_wait3A_24 : memref<3128x8xf32, #tpu.memory_space<hbm>>)
        tpu.yield
      }) : () -> ()
    } else {
    }
    %eq3A_12 = arith.constant 1 : i32
    %eq3A_13 = arith.cmpi eq, %arg0, %eq3A_12 : i32
    %convert_element_type3A_14 = arith.extui %eq3A_13 : i1 to i32
    %cond3A_15 = arith.constant 0 : i32
    %cond3A_16 = arith.cmpi ne, %convert_element_type3A_14, %cond3A_15 : i32
    scf.if %cond3A_16 {
      %mul3A_17 = arith.constant 3128 : i32
      %mul3A_18 = arith.muli %arg1, %mul3A_17 : i32
      %mul3A_19 = arith.constant 3128 : i32
      %mul3A_20 = arith.muli %arg1, %mul3A_19 : i32
      "tpu.region"() ({
        %run_scoped3A = tpu.sem_alloc : memref<!tpu.dma_semaphore, #tpu.memory_space<semaphore_mem>>
        %dma_start3A = arith.constant 0 : i32
        %dma_start3A_21 = tpu.memref_slice %arg6[%mul3A_20, %dma_start3A] : memref<50048x8xf32, #tpu.memory_space<hbm>> -> memref<3128x8xf32, #tpu.memory_space<hbm>>
        %dma_start3A_22 = arith.constant 0 : i32
        %dma_start3A_23 = tpu.memref_slice %arg7[%mul3A_18, %dma_start3A_22] : memref<50048x8xf32, #tpu.memory_space<vmem_shared>> -> memref<3128x8xf32, #tpu.memory_space<vmem_shared>>
        tpu.enqueue_dma source(%dma_start3A_23 : memref<3128x8xf32, #tpu.memory_space<vmem_shared>>) target(%dma_start3A_21 : memref<3128x8xf32, #tpu.memory_space<hbm>>) target_semaphore(%run_scoped3A : memref<!tpu.dma_semaphore, #tpu.memory_space<semaphore_mem>>)
        %dma_wait3A = arith.constant 0 : i32
        %dma_wait3A_24 = tpu.memref_slice %arg6[%mul3A_20, %dma_wait3A] : memref<50048x8xf32, #tpu.memory_space<hbm>> -> memref<3128x8xf32, #tpu.memory_space<hbm>>
        %dma_wait3A_25 = arith.constant 0 : i32
        %dma_wait3A_26 = tpu.memref_slice %arg7[%mul3A_18, %dma_wait3A_25] : memref<50048x8xf32, #tpu.memory_space<vmem_shared>> -> memref<3128x8xf32, #tpu.memory_space<vmem_shared>>
        tpu.wait_dma2 semaphore(%run_scoped3A : memref<!tpu.dma_semaphore, #tpu.memory_space<semaphore_mem>>) src(%dma_wait3A_26 : memref<3128x8xf32, #tpu.memory_space<vmem_shared>>) dst(%dma_wait3A_24 : memref<3128x8xf32, #tpu.memory_space<hbm>>)
        tpu.yield
      }) : () -> ()
    } else {
    }
    return
  }
}

#map = affine_map<(d0, d1) -> (0, 0)>
module attributes {stable_mosaic.version = 14 : i64} {
  func.func @_spmm_body(%arg0: i32, %arg1: i32, %arg2: memref<50048x64xf32, #tpu.memory_space<hbm>>, %arg3: memref<6400x128xi32, #tpu.memory_space<hbm>>, %arg4: memref<6400x128xi32, #tpu.memory_space<hbm>>, %arg5: memref<3128x16xf32, #tpu.memory_space<hbm>>, %arg6: memref<50048x64xf32, #tpu.memory_space<hbm>>, %arg7: memref<50048x16xf32, #tpu.memory_space<vmem_shared>>, %arg8: memref<50048x16xf32, #tpu.memory_space<vmem_shared>>, %arg9: memref<80x128xi32, #tpu.memory_space<vmem>>, %arg10: memref<80x128xi32, #tpu.memory_space<vmem>>, %arg11: memref<128x16xf32, #tpu.memory_space<vmem>>, %arg12: memref<128x16xf32, #tpu.memory_space<vmem>>, %arg13: memref<!tpu.dma_semaphore, #tpu.memory_space<semaphore_mem>>, %arg14: memref<!tpu.dma_semaphore, #tpu.memory_space<semaphore_mem>>, %arg15: memref<!tpu.dma_semaphore, #tpu.memory_space<semaphore_mem>>, %arg16: memref<!tpu.dma_semaphore, #tpu.memory_space<semaphore_mem>>) attributes {dimension_semantics = [#tpu.dimension_semantics<core_parallel>, #tpu.dimension_semantics<subcore_parallel>], iteration_bounds = array<i64: 2, 16>, scalar_prefetch = 0 : i64, scratch_operands = 10 : i64, tpu.core_type = #tpu.core_type<sc_vector_subcore>, window_params = [{transform_indices = #map}, {transform_indices = #map}, {transform_indices = #map}, {transform_indices = #map}, {transform_indices = #map}]} {
    %mul3A = arith.constant 3128 : i32
    %mul3A_0 = arith.muli %arg1, %mul3A : i32
    %mul3A_1 = arith.constant 2 : i32
    %mul3A_2 = arith.muli %mul3A_1, %arg0 : i32
    %add3A = arith.constant 0 : i32
    %add3A_3 = arith.addi %mul3A_2, %add3A : i32
    %mul3A_4 = arith.constant 16 : i32
    %mul3A_5 = arith.muli %mul3A_4, %add3A_3 : i32
    %multiple_of3A = tpu.assume_multiple %mul3A_5, 16 : i32
    "tpu.region"() ({
      %run_scoped3A = tpu.sem_alloc : memref<!tpu.dma_semaphore, #tpu.memory_space<semaphore_mem>>
      %dma_start3A = arith.constant 0 : i32
      %dma_start3A_27 = tpu.memref_slice %arg7[%mul3A_0, %dma_start3A] : memref<50048x16xf32, #tpu.memory_space<vmem_shared>> -> memref<3128x16xf32, #tpu.memory_space<vmem_shared>>
      %dma_start3A_28 = tpu.memref_slice %arg2[%mul3A_0, %multiple_of3A] : memref<50048x64xf32, #tpu.memory_space<hbm>> -> memref<3128x16xf32, #tpu.memory_space<hbm>>
      tpu.enqueue_dma source(%dma_start3A_28 : memref<3128x16xf32, #tpu.memory_space<hbm>>) target(%dma_start3A_27 : memref<3128x16xf32, #tpu.memory_space<vmem_shared>>) target_semaphore(%run_scoped3A : memref<!tpu.dma_semaphore, #tpu.memory_space<semaphore_mem>>)
      %dma_wait3A = arith.constant 0 : i32
      %dma_wait3A_29 = tpu.memref_slice %arg7[%mul3A_0, %dma_wait3A] : memref<50048x16xf32, #tpu.memory_space<vmem_shared>> -> memref<3128x16xf32, #tpu.memory_space<vmem_shared>>
      %dma_wait3A_30 = tpu.memref_slice %arg2[%mul3A_0, %multiple_of3A] : memref<50048x64xf32, #tpu.memory_space<hbm>> -> memref<3128x16xf32, #tpu.memory_space<hbm>>
      tpu.wait_dma2 semaphore(%run_scoped3A : memref<!tpu.dma_semaphore, #tpu.memory_space<semaphore_mem>>) src(%dma_wait3A_30 : memref<3128x16xf32, #tpu.memory_space<hbm>>) dst(%dma_wait3A_29 : memref<3128x16xf32, #tpu.memory_space<vmem_shared>>)
      tpu.yield
    }) : () -> ()
    "tpu.region"() ({
      %run_scoped3A = tpu.sem_alloc : memref<!tpu.dma_semaphore, #tpu.memory_space<semaphore_mem>>
      %dma_start3A = arith.constant 0 : i32
      %dma_start3A_27 = tpu.memref_slice %arg8[%mul3A_0, %dma_start3A] : memref<50048x16xf32, #tpu.memory_space<vmem_shared>> -> memref<3128x16xf32, #tpu.memory_space<vmem_shared>>
      tpu.enqueue_dma source(%arg5 : memref<3128x16xf32, #tpu.memory_space<hbm>>) target(%dma_start3A_27 : memref<3128x16xf32, #tpu.memory_space<vmem_shared>>) target_semaphore(%run_scoped3A : memref<!tpu.dma_semaphore, #tpu.memory_space<semaphore_mem>>)
      %dma_wait3A = arith.constant 0 : i32
      %dma_wait3A_28 = tpu.memref_slice %arg8[%mul3A_0, %dma_wait3A] : memref<50048x16xf32, #tpu.memory_space<vmem_shared>> -> memref<3128x16xf32, #tpu.memory_space<vmem_shared>>
      tpu.wait_dma2 semaphore(%run_scoped3A : memref<!tpu.dma_semaphore, #tpu.memory_space<semaphore_mem>>) src(%arg5 : memref<3128x16xf32, #tpu.memory_space<hbm>>) dst(%dma_wait3A_28 : memref<3128x16xf32, #tpu.memory_space<vmem_shared>>)
      tpu.yield
    }) : () -> ()
    %barrier3A = arith.constant 0 : index
    tpu.barrier barrier_id(%barrier3A)
    %scan3A = arith.constant 0 : i32
    %scan3A_6 = arith.constant 5 : i32
    %scan3A_7 = arith.addi %scan3A, %scan3A_6 : i32
    %scan3A_8 = arith.constant 1 : i32
    scf.for %scan3A_27 = %scan3A to %scan3A_7 step %scan3A_8  : i32 {
      %mul3A_28 = arith.constant 1 : i32
      %mul3A_29 = arith.muli %scan3A_27, %mul3A_28 : i32
      %add3A_30 = arith.constant 0 : i32
      %add3A_31 = arith.addi %add3A_30, %mul3A_29 : i32
      %mul3A_32 = arith.constant 400 : i32
      %mul3A_33 = arith.muli %arg1, %mul3A_32 : i32
      %mul3A_34 = arith.constant 80 : i32
      %mul3A_35 = arith.muli %add3A_31, %mul3A_34 : i32
      %add3A_36 = arith.addi %mul3A_33, %mul3A_35 : i32
      "tpu.region"() ({
        %run_scoped3A = tpu.sem_alloc : memref<!tpu.dma_semaphore, #tpu.memory_space<semaphore_mem>>
        %dma_start3A_54 = arith.constant 0 : i32
        %dma_start3A_55 = tpu.memref_slice %arg3[%add3A_36, %dma_start3A_54] : memref<6400x128xi32, #tpu.memory_space<hbm>> -> memref<80x128xi32, #tpu.memory_space<hbm>>
        %dma_start3A_56 = arith.constant 0 : i32
        %dma_start3A_57 = tpu.memref_slice %arg3[%add3A_36, %dma_start3A_56] : memref<6400x128xi32, #tpu.memory_space<hbm>> -> memref<80x128xi32, #tpu.memory_space<hbm>>
        tpu.enqueue_dma source(%dma_start3A_57 : memref<80x128xi32, #tpu.memory_space<hbm>>) target(%arg9 : memref<80x128xi32, #tpu.memory_space<vmem>>) target_semaphore(%run_scoped3A : memref<!tpu.dma_semaphore, #tpu.memory_space<semaphore_mem>>)
        %dma_wait3A_58 = arith.constant 0 : i32
        %dma_wait3A_59 = tpu.memref_slice %arg3[%add3A_36, %dma_wait3A_58] : memref<6400x128xi32, #tpu.memory_space<hbm>> -> memref<80x128xi32, #tpu.memory_space<hbm>>
        %dma_wait3A_60 = arith.constant 0 : i32
        %dma_wait3A_61 = tpu.memref_slice %arg3[%add3A_36, %dma_wait3A_60] : memref<6400x128xi32, #tpu.memory_space<hbm>> -> memref<80x128xi32, #tpu.memory_space<hbm>>
        tpu.wait_dma2 semaphore(%run_scoped3A : memref<!tpu.dma_semaphore, #tpu.memory_space<semaphore_mem>>) src(%dma_wait3A_61 : memref<80x128xi32, #tpu.memory_space<hbm>>) dst(%arg9 : memref<80x128xi32, #tpu.memory_space<vmem>>)
        tpu.yield
      }) : () -> ()
      "tpu.region"() ({
        %run_scoped3A = tpu.sem_alloc : memref<!tpu.dma_semaphore, #tpu.memory_space<semaphore_mem>>
        %dma_start3A_54 = arith.constant 0 : i32
        %dma_start3A_55 = tpu.memref_slice %arg4[%add3A_36, %dma_start3A_54] : memref<6400x128xi32, #tpu.memory_space<hbm>> -> memref<80x128xi32, #tpu.memory_space<hbm>>
        %dma_start3A_56 = arith.constant 0 : i32
        %dma_start3A_57 = tpu.memref_slice %arg4[%add3A_36, %dma_start3A_56] : memref<6400x128xi32, #tpu.memory_space<hbm>> -> memref<80x128xi32, #tpu.memory_space<hbm>>
        tpu.enqueue_dma source(%dma_start3A_57 : memref<80x128xi32, #tpu.memory_space<hbm>>) target(%arg10 : memref<80x128xi32, #tpu.memory_space<vmem>>) target_semaphore(%run_scoped3A : memref<!tpu.dma_semaphore, #tpu.memory_space<semaphore_mem>>)
        %dma_wait3A_58 = arith.constant 0 : i32
        %dma_wait3A_59 = tpu.memref_slice %arg4[%add3A_36, %dma_wait3A_58] : memref<6400x128xi32, #tpu.memory_space<hbm>> -> memref<80x128xi32, #tpu.memory_space<hbm>>
        %dma_wait3A_60 = arith.constant 0 : i32
        %dma_wait3A_61 = tpu.memref_slice %arg4[%add3A_36, %dma_wait3A_60] : memref<6400x128xi32, #tpu.memory_space<hbm>> -> memref<80x128xi32, #tpu.memory_space<hbm>>
        tpu.wait_dma2 semaphore(%run_scoped3A : memref<!tpu.dma_semaphore, #tpu.memory_space<semaphore_mem>>) src(%dma_wait3A_61 : memref<80x128xi32, #tpu.memory_space<hbm>>) dst(%arg10 : memref<80x128xi32, #tpu.memory_space<vmem>>)
        tpu.yield
      }) : () -> ()
      %dma_start3A = arith.constant 0 : i32
      %dma_start3A_37 = arith.constant 0 : i32
      %dma_start3A_38 = tpu.memref_slice %arg9[%dma_start3A, %dma_start3A_37] : memref<80x128xi32, #tpu.memory_space<vmem>> -> memref<1x128xi32, #tpu.memory_space<vmem>>
      %dma_start3A_39 = tpu.memref_squeeze %dma_start3A_38 : memref<1x128xi32, #tpu.memory_space<vmem>> -> memref<128xi32, #tpu.memory_space<vmem>>
      %dma_start3A_40 = arith.constant 0 : i32
      %dma_start3A_41 = arith.constant 0 : i32
      %dma_start3A_42 = tpu.memref_slice %arg7[%dma_start3A_40, %dma_start3A_41] : memref<50048x16xf32, #tpu.memory_space<vmem_shared>> -> memref<50048x16xf32, #tpu.memory_space<vmem_shared>>
      tpu.enqueue_indirect_dma source(%dma_start3A_42 : memref<50048x16xf32, #tpu.memory_space<vmem_shared>>) target(%arg11 : memref<128x16xf32, #tpu.memory_space<vmem>>) offsets(%dma_start3A_39 : memref<128xi32, #tpu.memory_space<vmem>>) semaphore(%arg13 : memref<!tpu.dma_semaphore, #tpu.memory_space<semaphore_mem>>)
      %scan3A_43 = arith.constant 0 : i32
      %scan3A_44 = arith.constant 40 : i32
      %scan3A_45 = arith.addi %scan3A_43, %scan3A_44 : i32
      %scan3A_46 = arith.constant 1 : i32
      scf.for %scan3A_54 = %scan3A_43 to %scan3A_45 step %scan3A_46  : i32 {
        %mul3A_55 = arith.constant 2 : i32
        %mul3A_56 = arith.muli %scan3A_54, %mul3A_55 : i32
        %add3A_57 = arith.constant 0 : i32
        %add3A_58 = arith.addi %add3A_57, %mul3A_56 : i32
        %dma_wait3A_59 = arith.constant 0 : i32
        %dma_wait3A_60 = tpu.memref_slice %arg9[%add3A_58, %dma_wait3A_59] : memref<80x128xi32, #tpu.memory_space<vmem>> -> memref<1x128xi32, #tpu.memory_space<vmem>>
        %dma_wait3A_61 = tpu.memref_squeeze %dma_wait3A_60 : memref<1x128xi32, #tpu.memory_space<vmem>> -> memref<128xi32, #tpu.memory_space<vmem>>
        %dma_wait3A_62 = arith.constant 0 : i32
        %dma_wait3A_63 = arith.constant 0 : i32
        %dma_wait3A_64 = tpu.memref_slice %arg7[%dma_wait3A_62, %dma_wait3A_63] : memref<50048x16xf32, #tpu.memory_space<vmem_shared>> -> memref<50048x16xf32, #tpu.memory_space<vmem_shared>>
        tpu.wait_indirect_dma semaphore(%arg13 : memref<!tpu.dma_semaphore, #tpu.memory_space<semaphore_mem>>) src(%dma_wait3A_64 : memref<50048x16xf32, #tpu.memory_space<vmem_shared>>) dst(%arg11 : memref<128x16xf32, #tpu.memory_space<vmem>>)
        %gt3A = arith.constant 0 : i32
        %gt3A_65 = arith.cmpi sgt, %add3A_58, %gt3A : i32
        %convert_element_type3A = arith.extui %gt3A_65 : i1 to i32
        %cond3A = arith.constant 0 : i32
        %cond3A_66 = arith.cmpi ne, %convert_element_type3A, %cond3A : i32
        scf.if %cond3A_66 {
          %dma_wait3A_109 = arith.constant 0 : i32
          %dma_wait3A_110 = tpu.memref_slice %arg10[%add3A_58, %dma_wait3A_109] : memref<80x128xi32, #tpu.memory_space<vmem>> -> memref<1x128xi32, #tpu.memory_space<vmem>>
          %dma_wait3A_111 = tpu.memref_squeeze %dma_wait3A_110 : memref<1x128xi32, #tpu.memory_space<vmem>> -> memref<128xi32, #tpu.memory_space<vmem>>
          %dma_wait3A_112 = arith.constant 0 : i32
          %dma_wait3A_113 = arith.constant 0 : i32
          %dma_wait3A_114 = tpu.memref_slice %arg8[%dma_wait3A_112, %dma_wait3A_113] : memref<50048x16xf32, #tpu.memory_space<vmem_shared>> -> memref<50048x16xf32, #tpu.memory_space<vmem_shared>>
          tpu.wait_indirect_dma semaphore(%arg16 : memref<!tpu.dma_semaphore, #tpu.memory_space<semaphore_mem>>) src(%arg12 : memref<128x16xf32, #tpu.memory_space<vmem>>) dst(%dma_wait3A_114 : memref<50048x16xf32, #tpu.memory_space<vmem_shared>>)
        } else {
        }
        %add3A_67 = arith.constant 1 : i32
        %add3A_68 = arith.addi %add3A_58, %add3A_67 : i32
        %dma_start3A_69 = arith.constant 0 : i32
        %dma_start3A_70 = tpu.memref_slice %arg9[%add3A_68, %dma_start3A_69] : memref<80x128xi32, #tpu.memory_space<vmem>> -> memref<1x128xi32, #tpu.memory_space<vmem>>
        %dma_start3A_71 = tpu.memref_squeeze %dma_start3A_70 : memref<1x128xi32, #tpu.memory_space<vmem>> -> memref<128xi32, #tpu.memory_space<vmem>>
        %dma_start3A_72 = arith.constant 0 : i32
        %dma_start3A_73 = arith.constant 0 : i32
        %dma_start3A_74 = tpu.memref_slice %arg7[%dma_start3A_72, %dma_start3A_73] : memref<50048x16xf32, #tpu.memory_space<vmem_shared>> -> memref<50048x16xf32, #tpu.memory_space<vmem_shared>>
        tpu.enqueue_indirect_dma source(%dma_start3A_74 : memref<50048x16xf32, #tpu.memory_space<vmem_shared>>) target(%arg12 : memref<128x16xf32, #tpu.memory_space<vmem>>) offsets(%dma_start3A_71 : memref<128xi32, #tpu.memory_space<vmem>>) semaphore(%arg14 : memref<!tpu.dma_semaphore, #tpu.memory_space<semaphore_mem>>)
        %dma_start3A_75 = arith.constant 0 : i32
        %dma_start3A_76 = tpu.memref_slice %arg10[%add3A_58, %dma_start3A_75] : memref<80x128xi32, #tpu.memory_space<vmem>> -> memref<1x128xi32, #tpu.memory_space<vmem>>
        %dma_start3A_77 = tpu.memref_squeeze %dma_start3A_76 : memref<1x128xi32, #tpu.memory_space<vmem>> -> memref<128xi32, #tpu.memory_space<vmem>>
        %dma_start3A_78 = arith.constant 0 : i32
        %dma_start3A_79 = arith.constant 0 : i32
        %dma_start3A_80 = tpu.memref_slice %arg8[%dma_start3A_78, %dma_start3A_79] : memref<50048x16xf32, #tpu.memory_space<vmem_shared>> -> memref<50048x16xf32, #tpu.memory_space<vmem_shared>>
        tpu.enqueue_indirect_dma source(%arg11 : memref<128x16xf32, #tpu.memory_space<vmem>>) target(%dma_start3A_80 : memref<50048x16xf32, #tpu.memory_space<vmem_shared>>) offsets(%dma_start3A_77 : memref<128xi32, #tpu.memory_space<vmem>>) semaphore(%arg15 : memref<!tpu.dma_semaphore, #tpu.memory_space<semaphore_mem>>) {add = true}
        %add3A_81 = arith.constant 1 : i32
        %add3A_82 = arith.addi %add3A_58, %add3A_81 : i32
        %dma_wait3A_83 = arith.constant 0 : i32
        %dma_wait3A_84 = tpu.memref_slice %arg9[%add3A_82, %dma_wait3A_83] : memref<80x128xi32, #tpu.memory_space<vmem>> -> memref<1x128xi32, #tpu.memory_space<vmem>>
        %dma_wait3A_85 = tpu.memref_squeeze %dma_wait3A_84 : memref<1x128xi32, #tpu.memory_space<vmem>> -> memref<128xi32, #tpu.memory_space<vmem>>
        %dma_wait3A_86 = arith.constant 0 : i32
        %dma_wait3A_87 = arith.constant 0 : i32
        %dma_wait3A_88 = tpu.memref_slice %arg7[%dma_wait3A_86, %dma_wait3A_87] : memref<50048x16xf32, #tpu.memory_space<vmem_shared>> -> memref<50048x16xf32, #tpu.memory_space<vmem_shared>>
        tpu.wait_indirect_dma semaphore(%arg14 : memref<!tpu.dma_semaphore, #tpu.memory_space<semaphore_mem>>) src(%dma_wait3A_88 : memref<50048x16xf32, #tpu.memory_space<vmem_shared>>) dst(%arg12 : memref<128x16xf32, #tpu.memory_space<vmem>>)
        %dma_wait3A_89 = arith.constant 0 : i32
        %dma_wait3A_90 = tpu.memref_slice %arg10[%add3A_58, %dma_wait3A_89] : memref<80x128xi32, #tpu.memory_space<vmem>> -> memref<1x128xi32, #tpu.memory_space<vmem>>
        %dma_wait3A_91 = tpu.memref_squeeze %dma_wait3A_90 : memref<1x128xi32, #tpu.memory_space<vmem>> -> memref<128xi32, #tpu.memory_space<vmem>>
        %dma_wait3A_92 = arith.constant 0 : i32
        %dma_wait3A_93 = arith.constant 0 : i32
        %dma_wait3A_94 = tpu.memref_slice %arg8[%dma_wait3A_92, %dma_wait3A_93] : memref<50048x16xf32, #tpu.memory_space<vmem_shared>> -> memref<50048x16xf32, #tpu.memory_space<vmem_shared>>
        tpu.wait_indirect_dma semaphore(%arg15 : memref<!tpu.dma_semaphore, #tpu.memory_space<semaphore_mem>>) src(%arg11 : memref<128x16xf32, #tpu.memory_space<vmem>>) dst(%dma_wait3A_94 : memref<50048x16xf32, #tpu.memory_space<vmem_shared>>)
        %add3A_95 = arith.constant 2 : i32
        %add3A_96 = arith.addi %add3A_58, %add3A_95 : i32
        %lt3A = arith.constant 80 : i32
        %lt3A_97 = arith.cmpi slt, %add3A_96, %lt3A : i32
        %convert_element_type3A_98 = arith.extui %lt3A_97 : i1 to i32
        %cond3A_99 = arith.constant 0 : i32
        %cond3A_100 = arith.cmpi ne, %convert_element_type3A_98, %cond3A_99 : i32
        scf.if %cond3A_100 {
          %add3A_109 = arith.constant 2 : i32
          %add3A_110 = arith.addi %add3A_58, %add3A_109 : i32
          %dma_start3A_111 = arith.constant 0 : i32
          %dma_start3A_112 = tpu.memref_slice %arg9[%add3A_110, %dma_start3A_111] : memref<80x128xi32, #tpu.memory_space<vmem>> -> memref<1x128xi32, #tpu.memory_space<vmem>>
          %dma_start3A_113 = tpu.memref_squeeze %dma_start3A_112 : memref<1x128xi32, #tpu.memory_space<vmem>> -> memref<128xi32, #tpu.memory_space<vmem>>
          %dma_start3A_114 = arith.constant 0 : i32
          %dma_start3A_115 = arith.constant 0 : i32
          %dma_start3A_116 = tpu.memref_slice %arg7[%dma_start3A_114, %dma_start3A_115] : memref<50048x16xf32, #tpu.memory_space<vmem_shared>> -> memref<50048x16xf32, #tpu.memory_space<vmem_shared>>
          tpu.enqueue_indirect_dma source(%dma_start3A_116 : memref<50048x16xf32, #tpu.memory_space<vmem_shared>>) target(%arg11 : memref<128x16xf32, #tpu.memory_space<vmem>>) offsets(%dma_start3A_113 : memref<128xi32, #tpu.memory_space<vmem>>) semaphore(%arg13 : memref<!tpu.dma_semaphore, #tpu.memory_space<semaphore_mem>>)
        } else {
        }
        %add3A_101 = arith.constant 1 : i32
        %add3A_102 = arith.addi %add3A_58, %add3A_101 : i32
        %dma_start3A_103 = arith.constant 0 : i32
        %dma_start3A_104 = tpu.memref_slice %arg10[%add3A_102, %dma_start3A_103] : memref<80x128xi32, #tpu.memory_space<vmem>> -> memref<1x128xi32, #tpu.memory_space<vmem>>
        %dma_start3A_105 = tpu.memref_squeeze %dma_start3A_104 : memref<1x128xi32, #tpu.memory_space<vmem>> -> memref<128xi32, #tpu.memory_space<vmem>>
        %dma_start3A_106 = arith.constant 0 : i32
        %dma_start3A_107 = arith.constant 0 : i32
        %dma_start3A_108 = tpu.memref_slice %arg8[%dma_start3A_106, %dma_start3A_107] : memref<50048x16xf32, #tpu.memory_space<vmem_shared>> -> memref<50048x16xf32, #tpu.memory_space<vmem_shared>>
        tpu.enqueue_indirect_dma source(%arg12 : memref<128x16xf32, #tpu.memory_space<vmem>>) target(%dma_start3A_108 : memref<50048x16xf32, #tpu.memory_space<vmem_shared>>) offsets(%dma_start3A_105 : memref<128xi32, #tpu.memory_space<vmem>>) semaphore(%arg16 : memref<!tpu.dma_semaphore, #tpu.memory_space<semaphore_mem>>) {add = true}
      }
      %scan3A_47 = arith.constant 40 : i32
      %dma_wait3A = arith.constant 0 : i32
      %dma_wait3A_48 = arith.constant 0 : i32
      %dma_wait3A_49 = tpu.memref_slice %arg10[%dma_wait3A, %dma_wait3A_48] : memref<80x128xi32, #tpu.memory_space<vmem>> -> memref<1x128xi32, #tpu.memory_space<vmem>>
      %dma_wait3A_50 = tpu.memref_squeeze %dma_wait3A_49 : memref<1x128xi32, #tpu.memory_space<vmem>> -> memref<128xi32, #tpu.memory_space<vmem>>
      %dma_wait3A_51 = arith.constant 0 : i32
      %dma_wait3A_52 = arith.constant 0 : i32
      %dma_wait3A_53 = tpu.memref_slice %arg8[%dma_wait3A_51, %dma_wait3A_52] : memref<50048x16xf32, #tpu.memory_space<vmem_shared>> -> memref<50048x16xf32, #tpu.memory_space<vmem_shared>>
      tpu.wait_indirect_dma semaphore(%arg16 : memref<!tpu.dma_semaphore, #tpu.memory_space<semaphore_mem>>) src(%arg12 : memref<128x16xf32, #tpu.memory_space<vmem>>) dst(%dma_wait3A_53 : memref<50048x16xf32, #tpu.memory_space<vmem_shared>>)
    }
    %scan3A_9 = arith.constant 5 : i32
    %barrier3A_10 = arith.constant 0 : index
    tpu.barrier barrier_id(%barrier3A_10)
    "tpu.region"() ({
      %run_scoped3A = tpu.sem_alloc : memref<!tpu.dma_semaphore, #tpu.memory_space<semaphore_mem>>
      %dma_start3A = tpu.memref_slice %arg6[%mul3A_0, %multiple_of3A] : memref<50048x64xf32, #tpu.memory_space<hbm>> -> memref<3128x16xf32, #tpu.memory_space<hbm>>
      %dma_start3A_27 = arith.constant 0 : i32
      %dma_start3A_28 = tpu.memref_slice %arg8[%mul3A_0, %dma_start3A_27] : memref<50048x16xf32, #tpu.memory_space<vmem_shared>> -> memref<3128x16xf32, #tpu.memory_space<vmem_shared>>
      tpu.enqueue_dma source(%dma_start3A_28 : memref<3128x16xf32, #tpu.memory_space<vmem_shared>>) target(%dma_start3A : memref<3128x16xf32, #tpu.memory_space<hbm>>) target_semaphore(%run_scoped3A : memref<!tpu.dma_semaphore, #tpu.memory_space<semaphore_mem>>)
      %dma_wait3A = tpu.memref_slice %arg6[%mul3A_0, %multiple_of3A] : memref<50048x64xf32, #tpu.memory_space<hbm>> -> memref<3128x16xf32, #tpu.memory_space<hbm>>
      %dma_wait3A_29 = arith.constant 0 : i32
      %dma_wait3A_30 = tpu.memref_slice %arg8[%mul3A_0, %dma_wait3A_29] : memref<50048x16xf32, #tpu.memory_space<vmem_shared>> -> memref<3128x16xf32, #tpu.memory_space<vmem_shared>>
      tpu.wait_dma2 semaphore(%run_scoped3A : memref<!tpu.dma_semaphore, #tpu.memory_space<semaphore_mem>>) src(%dma_wait3A_30 : memref<3128x16xf32, #tpu.memory_space<vmem_shared>>) dst(%dma_wait3A : memref<3128x16xf32, #tpu.memory_space<hbm>>)
      tpu.yield
    }) : () -> ()
    %mul3A_11 = arith.constant 3128 : i32
    %mul3A_12 = arith.muli %arg1, %mul3A_11 : i32
    %mul3A_13 = arith.constant 2 : i32
    %mul3A_14 = arith.muli %mul3A_13, %arg0 : i32
    %add3A_15 = arith.constant 1 : i32
    %add3A_16 = arith.addi %mul3A_14, %add3A_15 : i32
    %mul3A_17 = arith.constant 16 : i32
    %mul3A_18 = arith.muli %mul3A_17, %add3A_16 : i32
    %multiple_of3A_19 = tpu.assume_multiple %mul3A_18, 16 : i32
    "tpu.region"() ({
      %run_scoped3A = tpu.sem_alloc : memref<!tpu.dma_semaphore, #tpu.memory_space<semaphore_mem>>
      %dma_start3A = arith.constant 0 : i32
      %dma_start3A_27 = tpu.memref_slice %arg7[%mul3A_12, %dma_start3A] : memref<50048x16xf32, #tpu.memory_space<vmem_shared>> -> memref<3128x16xf32, #tpu.memory_space<vmem_shared>>
      %dma_start3A_28 = tpu.memref_slice %arg2[%mul3A_12, %multiple_of3A_19] : memref<50048x64xf32, #tpu.memory_space<hbm>> -> memref<3128x16xf32, #tpu.memory_space<hbm>>
      tpu.enqueue_dma source(%dma_start3A_28 : memref<3128x16xf32, #tpu.memory_space<hbm>>) target(%dma_start3A_27 : memref<3128x16xf32, #tpu.memory_space<vmem_shared>>) target_semaphore(%run_scoped3A : memref<!tpu.dma_semaphore, #tpu.memory_space<semaphore_mem>>)
      %dma_wait3A = arith.constant 0 : i32
      %dma_wait3A_29 = tpu.memref_slice %arg7[%mul3A_12, %dma_wait3A] : memref<50048x16xf32, #tpu.memory_space<vmem_shared>> -> memref<3128x16xf32, #tpu.memory_space<vmem_shared>>
      %dma_wait3A_30 = tpu.memref_slice %arg2[%mul3A_12, %multiple_of3A_19] : memref<50048x64xf32, #tpu.memory_space<hbm>> -> memref<3128x16xf32, #tpu.memory_space<hbm>>
      tpu.wait_dma2 semaphore(%run_scoped3A : memref<!tpu.dma_semaphore, #tpu.memory_space<semaphore_mem>>) src(%dma_wait3A_30 : memref<3128x16xf32, #tpu.memory_space<hbm>>) dst(%dma_wait3A_29 : memref<3128x16xf32, #tpu.memory_space<vmem_shared>>)
      tpu.yield
    }) : () -> ()
    "tpu.region"() ({
      %run_scoped3A = tpu.sem_alloc : memref<!tpu.dma_semaphore, #tpu.memory_space<semaphore_mem>>
      %dma_start3A = arith.constant 0 : i32
      %dma_start3A_27 = tpu.memref_slice %arg8[%mul3A_12, %dma_start3A] : memref<50048x16xf32, #tpu.memory_space<vmem_shared>> -> memref<3128x16xf32, #tpu.memory_space<vmem_shared>>
      tpu.enqueue_dma source(%arg5 : memref<3128x16xf32, #tpu.memory_space<hbm>>) target(%dma_start3A_27 : memref<3128x16xf32, #tpu.memory_space<vmem_shared>>) target_semaphore(%run_scoped3A : memref<!tpu.dma_semaphore, #tpu.memory_space<semaphore_mem>>)
      %dma_wait3A = arith.constant 0 : i32
      %dma_wait3A_28 = tpu.memref_slice %arg8[%mul3A_12, %dma_wait3A] : memref<50048x16xf32, #tpu.memory_space<vmem_shared>> -> memref<3128x16xf32, #tpu.memory_space<vmem_shared>>
      tpu.wait_dma2 semaphore(%run_scoped3A : memref<!tpu.dma_semaphore, #tpu.memory_space<semaphore_mem>>) src(%arg5 : memref<3128x16xf32, #tpu.memory_space<hbm>>) dst(%dma_wait3A_28 : memref<3128x16xf32, #tpu.memory_space<vmem_shared>>)
      tpu.yield
    }) : () -> ()
    %barrier3A_20 = arith.constant 0 : index
    tpu.barrier barrier_id(%barrier3A_20)
    %scan3A_21 = arith.constant 0 : i32
    %scan3A_22 = arith.constant 5 : i32
    %scan3A_23 = arith.addi %scan3A_21, %scan3A_22 : i32
    %scan3A_24 = arith.constant 1 : i32
    scf.for %scan3A_27 = %scan3A_21 to %scan3A_23 step %scan3A_24  : i32 {
      %mul3A_28 = arith.constant 1 : i32
      %mul3A_29 = arith.muli %scan3A_27, %mul3A_28 : i32
      %add3A_30 = arith.constant 0 : i32
      %add3A_31 = arith.addi %add3A_30, %mul3A_29 : i32
      %mul3A_32 = arith.constant 400 : i32
      %mul3A_33 = arith.muli %arg1, %mul3A_32 : i32
      %mul3A_34 = arith.constant 80 : i32
      %mul3A_35 = arith.muli %add3A_31, %mul3A_34 : i32
      %add3A_36 = arith.addi %mul3A_33, %mul3A_35 : i32
      "tpu.region"() ({
        %run_scoped3A = tpu.sem_alloc : memref<!tpu.dma_semaphore, #tpu.memory_space<semaphore_mem>>
        %dma_start3A_54 = arith.constant 0 : i32
        %dma_start3A_55 = tpu.memref_slice %arg3[%add3A_36, %dma_start3A_54] : memref<6400x128xi32, #tpu.memory_space<hbm>> -> memref<80x128xi32, #tpu.memory_space<hbm>>
        %dma_start3A_56 = arith.constant 0 : i32
        %dma_start3A_57 = tpu.memref_slice %arg3[%add3A_36, %dma_start3A_56] : memref<6400x128xi32, #tpu.memory_space<hbm>> -> memref<80x128xi32, #tpu.memory_space<hbm>>
        tpu.enqueue_dma source(%dma_start3A_57 : memref<80x128xi32, #tpu.memory_space<hbm>>) target(%arg9 : memref<80x128xi32, #tpu.memory_space<vmem>>) target_semaphore(%run_scoped3A : memref<!tpu.dma_semaphore, #tpu.memory_space<semaphore_mem>>)
        %dma_wait3A_58 = arith.constant 0 : i32
        %dma_wait3A_59 = tpu.memref_slice %arg3[%add3A_36, %dma_wait3A_58] : memref<6400x128xi32, #tpu.memory_space<hbm>> -> memref<80x128xi32, #tpu.memory_space<hbm>>
        %dma_wait3A_60 = arith.constant 0 : i32
        %dma_wait3A_61 = tpu.memref_slice %arg3[%add3A_36, %dma_wait3A_60] : memref<6400x128xi32, #tpu.memory_space<hbm>> -> memref<80x128xi32, #tpu.memory_space<hbm>>
        tpu.wait_dma2 semaphore(%run_scoped3A : memref<!tpu.dma_semaphore, #tpu.memory_space<semaphore_mem>>) src(%dma_wait3A_61 : memref<80x128xi32, #tpu.memory_space<hbm>>) dst(%arg9 : memref<80x128xi32, #tpu.memory_space<vmem>>)
        tpu.yield
      }) : () -> ()
      "tpu.region"() ({
        %run_scoped3A = tpu.sem_alloc : memref<!tpu.dma_semaphore, #tpu.memory_space<semaphore_mem>>
        %dma_start3A_54 = arith.constant 0 : i32
        %dma_start3A_55 = tpu.memref_slice %arg4[%add3A_36, %dma_start3A_54] : memref<6400x128xi32, #tpu.memory_space<hbm>> -> memref<80x128xi32, #tpu.memory_space<hbm>>
        %dma_start3A_56 = arith.constant 0 : i32
        %dma_start3A_57 = tpu.memref_slice %arg4[%add3A_36, %dma_start3A_56] : memref<6400x128xi32, #tpu.memory_space<hbm>> -> memref<80x128xi32, #tpu.memory_space<hbm>>
        tpu.enqueue_dma source(%dma_start3A_57 : memref<80x128xi32, #tpu.memory_space<hbm>>) target(%arg10 : memref<80x128xi32, #tpu.memory_space<vmem>>) target_semaphore(%run_scoped3A : memref<!tpu.dma_semaphore, #tpu.memory_space<semaphore_mem>>)
        %dma_wait3A_58 = arith.constant 0 : i32
        %dma_wait3A_59 = tpu.memref_slice %arg4[%add3A_36, %dma_wait3A_58] : memref<6400x128xi32, #tpu.memory_space<hbm>> -> memref<80x128xi32, #tpu.memory_space<hbm>>
        %dma_wait3A_60 = arith.constant 0 : i32
        %dma_wait3A_61 = tpu.memref_slice %arg4[%add3A_36, %dma_wait3A_60] : memref<6400x128xi32, #tpu.memory_space<hbm>> -> memref<80x128xi32, #tpu.memory_space<hbm>>
        tpu.wait_dma2 semaphore(%run_scoped3A : memref<!tpu.dma_semaphore, #tpu.memory_space<semaphore_mem>>) src(%dma_wait3A_61 : memref<80x128xi32, #tpu.memory_space<hbm>>) dst(%arg10 : memref<80x128xi32, #tpu.memory_space<vmem>>)
        tpu.yield
      }) : () -> ()
      %dma_start3A = arith.constant 0 : i32
      %dma_start3A_37 = arith.constant 0 : i32
      %dma_start3A_38 = tpu.memref_slice %arg9[%dma_start3A, %dma_start3A_37] : memref<80x128xi32, #tpu.memory_space<vmem>> -> memref<1x128xi32, #tpu.memory_space<vmem>>
      %dma_start3A_39 = tpu.memref_squeeze %dma_start3A_38 : memref<1x128xi32, #tpu.memory_space<vmem>> -> memref<128xi32, #tpu.memory_space<vmem>>
      %dma_start3A_40 = arith.constant 0 : i32
      %dma_start3A_41 = arith.constant 0 : i32
      %dma_start3A_42 = tpu.memref_slice %arg7[%dma_start3A_40, %dma_start3A_41] : memref<50048x16xf32, #tpu.memory_space<vmem_shared>> -> memref<50048x16xf32, #tpu.memory_space<vmem_shared>>
      tpu.enqueue_indirect_dma source(%dma_start3A_42 : memref<50048x16xf32, #tpu.memory_space<vmem_shared>>) target(%arg11 : memref<128x16xf32, #tpu.memory_space<vmem>>) offsets(%dma_start3A_39 : memref<128xi32, #tpu.memory_space<vmem>>) semaphore(%arg13 : memref<!tpu.dma_semaphore, #tpu.memory_space<semaphore_mem>>)
      %scan3A_43 = arith.constant 0 : i32
      %scan3A_44 = arith.constant 40 : i32
      %scan3A_45 = arith.addi %scan3A_43, %scan3A_44 : i32
      %scan3A_46 = arith.constant 1 : i32
      scf.for %scan3A_54 = %scan3A_43 to %scan3A_45 step %scan3A_46  : i32 {
        %mul3A_55 = arith.constant 2 : i32
        %mul3A_56 = arith.muli %scan3A_54, %mul3A_55 : i32
        %add3A_57 = arith.constant 0 : i32
        %add3A_58 = arith.addi %add3A_57, %mul3A_56 : i32
        %dma_wait3A_59 = arith.constant 0 : i32
        %dma_wait3A_60 = tpu.memref_slice %arg9[%add3A_58, %dma_wait3A_59] : memref<80x128xi32, #tpu.memory_space<vmem>> -> memref<1x128xi32, #tpu.memory_space<vmem>>
        %dma_wait3A_61 = tpu.memref_squeeze %dma_wait3A_60 : memref<1x128xi32, #tpu.memory_space<vmem>> -> memref<128xi32, #tpu.memory_space<vmem>>
        %dma_wait3A_62 = arith.constant 0 : i32
        %dma_wait3A_63 = arith.constant 0 : i32
        %dma_wait3A_64 = tpu.memref_slice %arg7[%dma_wait3A_62, %dma_wait3A_63] : memref<50048x16xf32, #tpu.memory_space<vmem_shared>> -> memref<50048x16xf32, #tpu.memory_space<vmem_shared>>
        tpu.wait_indirect_dma semaphore(%arg13 : memref<!tpu.dma_semaphore, #tpu.memory_space<semaphore_mem>>) src(%dma_wait3A_64 : memref<50048x16xf32, #tpu.memory_space<vmem_shared>>) dst(%arg11 : memref<128x16xf32, #tpu.memory_space<vmem>>)
        %gt3A = arith.constant 0 : i32
        %gt3A_65 = arith.cmpi sgt, %add3A_58, %gt3A : i32
        %convert_element_type3A = arith.extui %gt3A_65 : i1 to i32
        %cond3A = arith.constant 0 : i32
        %cond3A_66 = arith.cmpi ne, %convert_element_type3A, %cond3A : i32
        scf.if %cond3A_66 {
          %dma_wait3A_109 = arith.constant 0 : i32
          %dma_wait3A_110 = tpu.memref_slice %arg10[%add3A_58, %dma_wait3A_109] : memref<80x128xi32, #tpu.memory_space<vmem>> -> memref<1x128xi32, #tpu.memory_space<vmem>>
          %dma_wait3A_111 = tpu.memref_squeeze %dma_wait3A_110 : memref<1x128xi32, #tpu.memory_space<vmem>> -> memref<128xi32, #tpu.memory_space<vmem>>
          %dma_wait3A_112 = arith.constant 0 : i32
          %dma_wait3A_113 = arith.constant 0 : i32
          %dma_wait3A_114 = tpu.memref_slice %arg8[%dma_wait3A_112, %dma_wait3A_113] : memref<50048x16xf32, #tpu.memory_space<vmem_shared>> -> memref<50048x16xf32, #tpu.memory_space<vmem_shared>>
          tpu.wait_indirect_dma semaphore(%arg16 : memref<!tpu.dma_semaphore, #tpu.memory_space<semaphore_mem>>) src(%arg12 : memref<128x16xf32, #tpu.memory_space<vmem>>) dst(%dma_wait3A_114 : memref<50048x16xf32, #tpu.memory_space<vmem_shared>>)
        } else {
        }
        %add3A_67 = arith.constant 1 : i32
        %add3A_68 = arith.addi %add3A_58, %add3A_67 : i32
        %dma_start3A_69 = arith.constant 0 : i32
        %dma_start3A_70 = tpu.memref_slice %arg9[%add3A_68, %dma_start3A_69] : memref<80x128xi32, #tpu.memory_space<vmem>> -> memref<1x128xi32, #tpu.memory_space<vmem>>
        %dma_start3A_71 = tpu.memref_squeeze %dma_start3A_70 : memref<1x128xi32, #tpu.memory_space<vmem>> -> memref<128xi32, #tpu.memory_space<vmem>>
        %dma_start3A_72 = arith.constant 0 : i32
        %dma_start3A_73 = arith.constant 0 : i32
        %dma_start3A_74 = tpu.memref_slice %arg7[%dma_start3A_72, %dma_start3A_73] : memref<50048x16xf32, #tpu.memory_space<vmem_shared>> -> memref<50048x16xf32, #tpu.memory_space<vmem_shared>>
        tpu.enqueue_indirect_dma source(%dma_start3A_74 : memref<50048x16xf32, #tpu.memory_space<vmem_shared>>) target(%arg12 : memref<128x16xf32, #tpu.memory_space<vmem>>) offsets(%dma_start3A_71 : memref<128xi32, #tpu.memory_space<vmem>>) semaphore(%arg14 : memref<!tpu.dma_semaphore, #tpu.memory_space<semaphore_mem>>)
        %dma_start3A_75 = arith.constant 0 : i32
        %dma_start3A_76 = tpu.memref_slice %arg10[%add3A_58, %dma_start3A_75] : memref<80x128xi32, #tpu.memory_space<vmem>> -> memref<1x128xi32, #tpu.memory_space<vmem>>
        %dma_start3A_77 = tpu.memref_squeeze %dma_start3A_76 : memref<1x128xi32, #tpu.memory_space<vmem>> -> memref<128xi32, #tpu.memory_space<vmem>>
        %dma_start3A_78 = arith.constant 0 : i32
        %dma_start3A_79 = arith.constant 0 : i32
        %dma_start3A_80 = tpu.memref_slice %arg8[%dma_start3A_78, %dma_start3A_79] : memref<50048x16xf32, #tpu.memory_space<vmem_shared>> -> memref<50048x16xf32, #tpu.memory_space<vmem_shared>>
        tpu.enqueue_indirect_dma source(%arg11 : memref<128x16xf32, #tpu.memory_space<vmem>>) target(%dma_start3A_80 : memref<50048x16xf32, #tpu.memory_space<vmem_shared>>) offsets(%dma_start3A_77 : memref<128xi32, #tpu.memory_space<vmem>>) semaphore(%arg15 : memref<!tpu.dma_semaphore, #tpu.memory_space<semaphore_mem>>) {add = true}
        %add3A_81 = arith.constant 1 : i32
        %add3A_82 = arith.addi %add3A_58, %add3A_81 : i32
        %dma_wait3A_83 = arith.constant 0 : i32
        %dma_wait3A_84 = tpu.memref_slice %arg9[%add3A_82, %dma_wait3A_83] : memref<80x128xi32, #tpu.memory_space<vmem>> -> memref<1x128xi32, #tpu.memory_space<vmem>>
        %dma_wait3A_85 = tpu.memref_squeeze %dma_wait3A_84 : memref<1x128xi32, #tpu.memory_space<vmem>> -> memref<128xi32, #tpu.memory_space<vmem>>
        %dma_wait3A_86 = arith.constant 0 : i32
        %dma_wait3A_87 = arith.constant 0 : i32
        %dma_wait3A_88 = tpu.memref_slice %arg7[%dma_wait3A_86, %dma_wait3A_87] : memref<50048x16xf32, #tpu.memory_space<vmem_shared>> -> memref<50048x16xf32, #tpu.memory_space<vmem_shared>>
        tpu.wait_indirect_dma semaphore(%arg14 : memref<!tpu.dma_semaphore, #tpu.memory_space<semaphore_mem>>) src(%dma_wait3A_88 : memref<50048x16xf32, #tpu.memory_space<vmem_shared>>) dst(%arg12 : memref<128x16xf32, #tpu.memory_space<vmem>>)
        %dma_wait3A_89 = arith.constant 0 : i32
        %dma_wait3A_90 = tpu.memref_slice %arg10[%add3A_58, %dma_wait3A_89] : memref<80x128xi32, #tpu.memory_space<vmem>> -> memref<1x128xi32, #tpu.memory_space<vmem>>
        %dma_wait3A_91 = tpu.memref_squeeze %dma_wait3A_90 : memref<1x128xi32, #tpu.memory_space<vmem>> -> memref<128xi32, #tpu.memory_space<vmem>>
        %dma_wait3A_92 = arith.constant 0 : i32
        %dma_wait3A_93 = arith.constant 0 : i32
        %dma_wait3A_94 = tpu.memref_slice %arg8[%dma_wait3A_92, %dma_wait3A_93] : memref<50048x16xf32, #tpu.memory_space<vmem_shared>> -> memref<50048x16xf32, #tpu.memory_space<vmem_shared>>
        tpu.wait_indirect_dma semaphore(%arg15 : memref<!tpu.dma_semaphore, #tpu.memory_space<semaphore_mem>>) src(%arg11 : memref<128x16xf32, #tpu.memory_space<vmem>>) dst(%dma_wait3A_94 : memref<50048x16xf32, #tpu.memory_space<vmem_shared>>)
        %add3A_95 = arith.constant 2 : i32
        %add3A_96 = arith.addi %add3A_58, %add3A_95 : i32
        %lt3A = arith.constant 80 : i32
        %lt3A_97 = arith.cmpi slt, %add3A_96, %lt3A : i32
        %convert_element_type3A_98 = arith.extui %lt3A_97 : i1 to i32
        %cond3A_99 = arith.constant 0 : i32
        %cond3A_100 = arith.cmpi ne, %convert_element_type3A_98, %cond3A_99 : i32
        scf.if %cond3A_100 {
          %add3A_109 = arith.constant 2 : i32
          %add3A_110 = arith.addi %add3A_58, %add3A_109 : i32
          %dma_start3A_111 = arith.constant 0 : i32
          %dma_start3A_112 = tpu.memref_slice %arg9[%add3A_110, %dma_start3A_111] : memref<80x128xi32, #tpu.memory_space<vmem>> -> memref<1x128xi32, #tpu.memory_space<vmem>>
          %dma_start3A_113 = tpu.memref_squeeze %dma_start3A_112 : memref<1x128xi32, #tpu.memory_space<vmem>> -> memref<128xi32, #tpu.memory_space<vmem>>
          %dma_start3A_114 = arith.constant 0 : i32
          %dma_start3A_115 = arith.constant 0 : i32
          %dma_start3A_116 = tpu.memref_slice %arg7[%dma_start3A_114, %dma_start3A_115] : memref<50048x16xf32, #tpu.memory_space<vmem_shared>> -> memref<50048x16xf32, #tpu.memory_space<vmem_shared>>
          tpu.enqueue_indirect_dma source(%dma_start3A_116 : memref<50048x16xf32, #tpu.memory_space<vmem_shared>>) target(%arg11 : memref<128x16xf32, #tpu.memory_space<vmem>>) offsets(%dma_start3A_113 : memref<128xi32, #tpu.memory_space<vmem>>) semaphore(%arg13 : memref<!tpu.dma_semaphore, #tpu.memory_space<semaphore_mem>>)
        } else {
        }
        %add3A_101 = arith.constant 1 : i32
        %add3A_102 = arith.addi %add3A_58, %add3A_101 : i32
        %dma_start3A_103 = arith.constant 0 : i32
        %dma_start3A_104 = tpu.memref_slice %arg10[%add3A_102, %dma_start3A_103] : memref<80x128xi32, #tpu.memory_space<vmem>> -> memref<1x128xi32, #tpu.memory_space<vmem>>
        %dma_start3A_105 = tpu.memref_squeeze %dma_start3A_104 : memref<1x128xi32, #tpu.memory_space<vmem>> -> memref<128xi32, #tpu.memory_space<vmem>>
        %dma_start3A_106 = arith.constant 0 : i32
        %dma_start3A_107 = arith.constant 0 : i32
        %dma_start3A_108 = tpu.memref_slice %arg8[%dma_start3A_106, %dma_start3A_107] : memref<50048x16xf32, #tpu.memory_space<vmem_shared>> -> memref<50048x16xf32, #tpu.memory_space<vmem_shared>>
        tpu.enqueue_indirect_dma source(%arg12 : memref<128x16xf32, #tpu.memory_space<vmem>>) target(%dma_start3A_108 : memref<50048x16xf32, #tpu.memory_space<vmem_shared>>) offsets(%dma_start3A_105 : memref<128xi32, #tpu.memory_space<vmem>>) semaphore(%arg16 : memref<!tpu.dma_semaphore, #tpu.memory_space<semaphore_mem>>) {add = true}
      }
      %scan3A_47 = arith.constant 40 : i32
      %dma_wait3A = arith.constant 0 : i32
      %dma_wait3A_48 = arith.constant 0 : i32
      %dma_wait3A_49 = tpu.memref_slice %arg10[%dma_wait3A, %dma_wait3A_48] : memref<80x128xi32, #tpu.memory_space<vmem>> -> memref<1x128xi32, #tpu.memory_space<vmem>>
      %dma_wait3A_50 = tpu.memref_squeeze %dma_wait3A_49 : memref<1x128xi32, #tpu.memory_space<vmem>> -> memref<128xi32, #tpu.memory_space<vmem>>
      %dma_wait3A_51 = arith.constant 0 : i32
      %dma_wait3A_52 = arith.constant 0 : i32
      %dma_wait3A_53 = tpu.memref_slice %arg8[%dma_wait3A_51, %dma_wait3A_52] : memref<50048x16xf32, #tpu.memory_space<vmem_shared>> -> memref<50048x16xf32, #tpu.memory_space<vmem_shared>>
      tpu.wait_indirect_dma semaphore(%arg16 : memref<!tpu.dma_semaphore, #tpu.memory_space<semaphore_mem>>) src(%arg12 : memref<128x16xf32, #tpu.memory_space<vmem>>) dst(%dma_wait3A_53 : memref<50048x16xf32, #tpu.memory_space<vmem_shared>>)
    }
    %scan3A_25 = arith.constant 5 : i32
    %barrier3A_26 = arith.constant 0 : index
    tpu.barrier barrier_id(%barrier3A_26)
    "tpu.region"() ({
      %run_scoped3A = tpu.sem_alloc : memref<!tpu.dma_semaphore, #tpu.memory_space<semaphore_mem>>
      %dma_start3A = tpu.memref_slice %arg6[%mul3A_12, %multiple_of3A_19] : memref<50048x64xf32, #tpu.memory_space<hbm>> -> memref<3128x16xf32, #tpu.memory_space<hbm>>
      %dma_start3A_27 = arith.constant 0 : i32
      %dma_start3A_28 = tpu.memref_slice %arg8[%mul3A_12, %dma_start3A_27] : memref<50048x16xf32, #tpu.memory_space<vmem_shared>> -> memref<3128x16xf32, #tpu.memory_space<vmem_shared>>
      tpu.enqueue_dma source(%dma_start3A_28 : memref<3128x16xf32, #tpu.memory_space<vmem_shared>>) target(%dma_start3A : memref<3128x16xf32, #tpu.memory_space<hbm>>) target_semaphore(%run_scoped3A : memref<!tpu.dma_semaphore, #tpu.memory_space<semaphore_mem>>)
      %dma_wait3A = tpu.memref_slice %arg6[%mul3A_12, %multiple_of3A_19] : memref<50048x64xf32, #tpu.memory_space<hbm>> -> memref<3128x16xf32, #tpu.memory_space<hbm>>
      %dma_wait3A_29 = arith.constant 0 : i32
      %dma_wait3A_30 = tpu.memref_slice %arg8[%mul3A_12, %dma_wait3A_29] : memref<50048x16xf32, #tpu.memory_space<vmem_shared>> -> memref<3128x16xf32, #tpu.memory_space<vmem_shared>>
      tpu.wait_dma2 semaphore(%run_scoped3A : memref<!tpu.dma_semaphore, #tpu.memory_space<semaphore_mem>>) src(%dma_wait3A_30 : memref<3128x16xf32, #tpu.memory_space<vmem_shared>>) dst(%dma_wait3A : memref<3128x16xf32, #tpu.memory_space<hbm>>)
      tpu.yield
    }) : () -> ()
    return
  }
}

#map = affine_map<(d0, d1) -> (0, 0)>
module attributes {stable_mosaic.version = 14 : i64} {
  func.func @_spmm_body(%arg0: i32, %arg1: i32, %arg2: memref<50048x64xf32, #tpu.memory_space<hbm>>, %arg3: memref<6400x128xi32, #tpu.memory_space<hbm>>, %arg4: memref<6400x128xi32, #tpu.memory_space<hbm>>, %arg5: memref<3128x16xf32, #tpu.memory_space<hbm>>, %arg6: memref<50048x64xf32, #tpu.memory_space<hbm>>, %arg7: memref<50048x16xf32, #tpu.memory_space<vmem_shared>>, %arg8: memref<50048x16xf32, #tpu.memory_space<vmem_shared>>, %arg9: memref<80x128xi32, #tpu.memory_space<vmem>>, %arg10: memref<80x128xi32, #tpu.memory_space<vmem>>, %arg11: memref<128x16xf32, #tpu.memory_space<vmem>>, %arg12: memref<128x16xf32, #tpu.memory_space<vmem>>, %arg13: memref<!tpu.dma_semaphore, #tpu.memory_space<semaphore_mem>>, %arg14: memref<!tpu.dma_semaphore, #tpu.memory_space<semaphore_mem>>, %arg15: memref<!tpu.dma_semaphore, #tpu.memory_space<semaphore_mem>>, %arg16: memref<!tpu.dma_semaphore, #tpu.memory_space<semaphore_mem>>) attributes {dimension_semantics = [#tpu.dimension_semantics<core_parallel>, #tpu.dimension_semantics<subcore_parallel>], iteration_bounds = array<i64: 2, 16>, scalar_prefetch = 0 : i64, scratch_operands = 10 : i64, tpu.core_type = #tpu.core_type<sc_vector_subcore>, window_params = [{transform_indices = #map}, {transform_indices = #map}, {transform_indices = #map}, {transform_indices = #map}, {transform_indices = #map}]} {
    %mul3A = arith.constant 3128 : i32
    %mul3A_0 = arith.muli %arg1, %mul3A : i32
    %mul3A_1 = arith.constant 2 : i32
    %mul3A_2 = arith.muli %mul3A_1, %arg0 : i32
    %add3A = arith.constant 0 : i32
    %add3A_3 = arith.addi %mul3A_2, %add3A : i32
    %mul3A_4 = arith.constant 16 : i32
    %mul3A_5 = arith.muli %mul3A_4, %add3A_3 : i32
    %multiple_of3A = tpu.assume_multiple %mul3A_5, 16 : i32
    "tpu.region"() ({
      %run_scoped3A = tpu.sem_alloc : memref<!tpu.dma_semaphore, #tpu.memory_space<semaphore_mem>>
      %dma_start3A = arith.constant 0 : i32
      %dma_start3A_27 = tpu.memref_slice %arg7[%mul3A_0, %dma_start3A] : memref<50048x16xf32, #tpu.memory_space<vmem_shared>> -> memref<3128x16xf32, #tpu.memory_space<vmem_shared>>
      %dma_start3A_28 = tpu.memref_slice %arg2[%mul3A_0, %multiple_of3A] : memref<50048x64xf32, #tpu.memory_space<hbm>> -> memref<3128x16xf32, #tpu.memory_space<hbm>>
      tpu.enqueue_dma source(%dma_start3A_28 : memref<3128x16xf32, #tpu.memory_space<hbm>>) target(%dma_start3A_27 : memref<3128x16xf32, #tpu.memory_space<vmem_shared>>) target_semaphore(%run_scoped3A : memref<!tpu.dma_semaphore, #tpu.memory_space<semaphore_mem>>)
      %dma_wait3A = arith.constant 0 : i32
      %dma_wait3A_29 = tpu.memref_slice %arg7[%mul3A_0, %dma_wait3A] : memref<50048x16xf32, #tpu.memory_space<vmem_shared>> -> memref<3128x16xf32, #tpu.memory_space<vmem_shared>>
      %dma_wait3A_30 = tpu.memref_slice %arg2[%mul3A_0, %multiple_of3A] : memref<50048x64xf32, #tpu.memory_space<hbm>> -> memref<3128x16xf32, #tpu.memory_space<hbm>>
      tpu.wait_dma2 semaphore(%run_scoped3A : memref<!tpu.dma_semaphore, #tpu.memory_space<semaphore_mem>>) src(%dma_wait3A_30 : memref<3128x16xf32, #tpu.memory_space<hbm>>) dst(%dma_wait3A_29 : memref<3128x16xf32, #tpu.memory_space<vmem_shared>>)
      tpu.yield
    }) : () -> ()
    "tpu.region"() ({
      %run_scoped3A = tpu.sem_alloc : memref<!tpu.dma_semaphore, #tpu.memory_space<semaphore_mem>>
      %dma_start3A = arith.constant 0 : i32
      %dma_start3A_27 = tpu.memref_slice %arg8[%mul3A_0, %dma_start3A] : memref<50048x16xf32, #tpu.memory_space<vmem_shared>> -> memref<3128x16xf32, #tpu.memory_space<vmem_shared>>
      tpu.enqueue_dma source(%arg5 : memref<3128x16xf32, #tpu.memory_space<hbm>>) target(%dma_start3A_27 : memref<3128x16xf32, #tpu.memory_space<vmem_shared>>) target_semaphore(%run_scoped3A : memref<!tpu.dma_semaphore, #tpu.memory_space<semaphore_mem>>)
      %dma_wait3A = arith.constant 0 : i32
      %dma_wait3A_28 = tpu.memref_slice %arg8[%mul3A_0, %dma_wait3A] : memref<50048x16xf32, #tpu.memory_space<vmem_shared>> -> memref<3128x16xf32, #tpu.memory_space<vmem_shared>>
      tpu.wait_dma2 semaphore(%run_scoped3A : memref<!tpu.dma_semaphore, #tpu.memory_space<semaphore_mem>>) src(%arg5 : memref<3128x16xf32, #tpu.memory_space<hbm>>) dst(%dma_wait3A_28 : memref<3128x16xf32, #tpu.memory_space<vmem_shared>>)
      tpu.yield
    }) : () -> ()
    %barrier3A = arith.constant 0 : index
    tpu.barrier barrier_id(%barrier3A)
    %scan3A = arith.constant 0 : i32
    %scan3A_6 = arith.constant 5 : i32
    %scan3A_7 = arith.addi %scan3A, %scan3A_6 : i32
    %scan3A_8 = arith.constant 1 : i32
    scf.for %scan3A_27 = %scan3A to %scan3A_7 step %scan3A_8  : i32 {
      %mul3A_28 = arith.constant 1 : i32
      %mul3A_29 = arith.muli %scan3A_27, %mul3A_28 : i32
      %add3A_30 = arith.constant 0 : i32
      %add3A_31 = arith.addi %add3A_30, %mul3A_29 : i32
      %mul3A_32 = arith.constant 400 : i32
      %mul3A_33 = arith.muli %arg1, %mul3A_32 : i32
      %mul3A_34 = arith.constant 80 : i32
      %mul3A_35 = arith.muli %add3A_31, %mul3A_34 : i32
      %add3A_36 = arith.addi %mul3A_33, %mul3A_35 : i32
      "tpu.region"() ({
        %run_scoped3A = tpu.sem_alloc : memref<!tpu.dma_semaphore, #tpu.memory_space<semaphore_mem>>
        %dma_start3A_54 = arith.constant 0 : i32
        %dma_start3A_55 = tpu.memref_slice %arg3[%add3A_36, %dma_start3A_54] : memref<6400x128xi32, #tpu.memory_space<hbm>> -> memref<80x128xi32, #tpu.memory_space<hbm>>
        %dma_start3A_56 = arith.constant 0 : i32
        %dma_start3A_57 = tpu.memref_slice %arg3[%add3A_36, %dma_start3A_56] : memref<6400x128xi32, #tpu.memory_space<hbm>> -> memref<80x128xi32, #tpu.memory_space<hbm>>
        tpu.enqueue_dma source(%dma_start3A_57 : memref<80x128xi32, #tpu.memory_space<hbm>>) target(%arg9 : memref<80x128xi32, #tpu.memory_space<vmem>>) target_semaphore(%run_scoped3A : memref<!tpu.dma_semaphore, #tpu.memory_space<semaphore_mem>>)
        %dma_wait3A_58 = arith.constant 0 : i32
        %dma_wait3A_59 = tpu.memref_slice %arg3[%add3A_36, %dma_wait3A_58] : memref<6400x128xi32, #tpu.memory_space<hbm>> -> memref<80x128xi32, #tpu.memory_space<hbm>>
        %dma_wait3A_60 = arith.constant 0 : i32
        %dma_wait3A_61 = tpu.memref_slice %arg3[%add3A_36, %dma_wait3A_60] : memref<6400x128xi32, #tpu.memory_space<hbm>> -> memref<80x128xi32, #tpu.memory_space<hbm>>
        tpu.wait_dma2 semaphore(%run_scoped3A : memref<!tpu.dma_semaphore, #tpu.memory_space<semaphore_mem>>) src(%dma_wait3A_61 : memref<80x128xi32, #tpu.memory_space<hbm>>) dst(%arg9 : memref<80x128xi32, #tpu.memory_space<vmem>>)
        tpu.yield
      }) : () -> ()
      "tpu.region"() ({
        %run_scoped3A = tpu.sem_alloc : memref<!tpu.dma_semaphore, #tpu.memory_space<semaphore_mem>>
        %dma_start3A_54 = arith.constant 0 : i32
        %dma_start3A_55 = tpu.memref_slice %arg4[%add3A_36, %dma_start3A_54] : memref<6400x128xi32, #tpu.memory_space<hbm>> -> memref<80x128xi32, #tpu.memory_space<hbm>>
        %dma_start3A_56 = arith.constant 0 : i32
        %dma_start3A_57 = tpu.memref_slice %arg4[%add3A_36, %dma_start3A_56] : memref<6400x128xi32, #tpu.memory_space<hbm>> -> memref<80x128xi32, #tpu.memory_space<hbm>>
        tpu.enqueue_dma source(%dma_start3A_57 : memref<80x128xi32, #tpu.memory_space<hbm>>) target(%arg10 : memref<80x128xi32, #tpu.memory_space<vmem>>) target_semaphore(%run_scoped3A : memref<!tpu.dma_semaphore, #tpu.memory_space<semaphore_mem>>)
        %dma_wait3A_58 = arith.constant 0 : i32
        %dma_wait3A_59 = tpu.memref_slice %arg4[%add3A_36, %dma_wait3A_58] : memref<6400x128xi32, #tpu.memory_space<hbm>> -> memref<80x128xi32, #tpu.memory_space<hbm>>
        %dma_wait3A_60 = arith.constant 0 : i32
        %dma_wait3A_61 = tpu.memref_slice %arg4[%add3A_36, %dma_wait3A_60] : memref<6400x128xi32, #tpu.memory_space<hbm>> -> memref<80x128xi32, #tpu.memory_space<hbm>>
        tpu.wait_dma2 semaphore(%run_scoped3A : memref<!tpu.dma_semaphore, #tpu.memory_space<semaphore_mem>>) src(%dma_wait3A_61 : memref<80x128xi32, #tpu.memory_space<hbm>>) dst(%arg10 : memref<80x128xi32, #tpu.memory_space<vmem>>)
        tpu.yield
      }) : () -> ()
      %dma_start3A = arith.constant 0 : i32
      %dma_start3A_37 = arith.constant 0 : i32
      %dma_start3A_38 = tpu.memref_slice %arg9[%dma_start3A, %dma_start3A_37] : memref<80x128xi32, #tpu.memory_space<vmem>> -> memref<1x128xi32, #tpu.memory_space<vmem>>
      %dma_start3A_39 = tpu.memref_squeeze %dma_start3A_38 : memref<1x128xi32, #tpu.memory_space<vmem>> -> memref<128xi32, #tpu.memory_space<vmem>>
      %dma_start3A_40 = arith.constant 0 : i32
      %dma_start3A_41 = arith.constant 0 : i32
      %dma_start3A_42 = tpu.memref_slice %arg7[%dma_start3A_40, %dma_start3A_41] : memref<50048x16xf32, #tpu.memory_space<vmem_shared>> -> memref<50048x16xf32, #tpu.memory_space<vmem_shared>>
      tpu.enqueue_indirect_dma source(%dma_start3A_42 : memref<50048x16xf32, #tpu.memory_space<vmem_shared>>) target(%arg11 : memref<128x16xf32, #tpu.memory_space<vmem>>) offsets(%dma_start3A_39 : memref<128xi32, #tpu.memory_space<vmem>>) semaphore(%arg13 : memref<!tpu.dma_semaphore, #tpu.memory_space<semaphore_mem>>)
      %scan3A_43 = arith.constant 0 : i32
      %scan3A_44 = arith.constant 40 : i32
      %scan3A_45 = arith.addi %scan3A_43, %scan3A_44 : i32
      %scan3A_46 = arith.constant 1 : i32
      scf.for %scan3A_54 = %scan3A_43 to %scan3A_45 step %scan3A_46  : i32 {
        %mul3A_55 = arith.constant 2 : i32
        %mul3A_56 = arith.muli %scan3A_54, %mul3A_55 : i32
        %add3A_57 = arith.constant 0 : i32
        %add3A_58 = arith.addi %add3A_57, %mul3A_56 : i32
        %dma_wait3A_59 = arith.constant 0 : i32
        %dma_wait3A_60 = tpu.memref_slice %arg9[%add3A_58, %dma_wait3A_59] : memref<80x128xi32, #tpu.memory_space<vmem>> -> memref<1x128xi32, #tpu.memory_space<vmem>>
        %dma_wait3A_61 = tpu.memref_squeeze %dma_wait3A_60 : memref<1x128xi32, #tpu.memory_space<vmem>> -> memref<128xi32, #tpu.memory_space<vmem>>
        %dma_wait3A_62 = arith.constant 0 : i32
        %dma_wait3A_63 = arith.constant 0 : i32
        %dma_wait3A_64 = tpu.memref_slice %arg7[%dma_wait3A_62, %dma_wait3A_63] : memref<50048x16xf32, #tpu.memory_space<vmem_shared>> -> memref<50048x16xf32, #tpu.memory_space<vmem_shared>>
        tpu.wait_indirect_dma semaphore(%arg13 : memref<!tpu.dma_semaphore, #tpu.memory_space<semaphore_mem>>) src(%dma_wait3A_64 : memref<50048x16xf32, #tpu.memory_space<vmem_shared>>) dst(%arg11 : memref<128x16xf32, #tpu.memory_space<vmem>>)
        %gt3A = arith.constant 0 : i32
        %gt3A_65 = arith.cmpi sgt, %add3A_58, %gt3A : i32
        %convert_element_type3A = arith.extui %gt3A_65 : i1 to i32
        %cond3A = arith.constant 0 : i32
        %cond3A_66 = arith.cmpi ne, %convert_element_type3A, %cond3A : i32
        scf.if %cond3A_66 {
          %dma_wait3A_109 = arith.constant 0 : i32
          %dma_wait3A_110 = tpu.memref_slice %arg10[%add3A_58, %dma_wait3A_109] : memref<80x128xi32, #tpu.memory_space<vmem>> -> memref<1x128xi32, #tpu.memory_space<vmem>>
          %dma_wait3A_111 = tpu.memref_squeeze %dma_wait3A_110 : memref<1x128xi32, #tpu.memory_space<vmem>> -> memref<128xi32, #tpu.memory_space<vmem>>
          %dma_wait3A_112 = arith.constant 0 : i32
          %dma_wait3A_113 = arith.constant 0 : i32
          %dma_wait3A_114 = tpu.memref_slice %arg8[%dma_wait3A_112, %dma_wait3A_113] : memref<50048x16xf32, #tpu.memory_space<vmem_shared>> -> memref<50048x16xf32, #tpu.memory_space<vmem_shared>>
          tpu.wait_indirect_dma semaphore(%arg16 : memref<!tpu.dma_semaphore, #tpu.memory_space<semaphore_mem>>) src(%arg12 : memref<128x16xf32, #tpu.memory_space<vmem>>) dst(%dma_wait3A_114 : memref<50048x16xf32, #tpu.memory_space<vmem_shared>>)
        } else {
        }
        %add3A_67 = arith.constant 1 : i32
        %add3A_68 = arith.addi %add3A_58, %add3A_67 : i32
        %dma_start3A_69 = arith.constant 0 : i32
        %dma_start3A_70 = tpu.memref_slice %arg9[%add3A_68, %dma_start3A_69] : memref<80x128xi32, #tpu.memory_space<vmem>> -> memref<1x128xi32, #tpu.memory_space<vmem>>
        %dma_start3A_71 = tpu.memref_squeeze %dma_start3A_70 : memref<1x128xi32, #tpu.memory_space<vmem>> -> memref<128xi32, #tpu.memory_space<vmem>>
        %dma_start3A_72 = arith.constant 0 : i32
        %dma_start3A_73 = arith.constant 0 : i32
        %dma_start3A_74 = tpu.memref_slice %arg7[%dma_start3A_72, %dma_start3A_73] : memref<50048x16xf32, #tpu.memory_space<vmem_shared>> -> memref<50048x16xf32, #tpu.memory_space<vmem_shared>>
        tpu.enqueue_indirect_dma source(%dma_start3A_74 : memref<50048x16xf32, #tpu.memory_space<vmem_shared>>) target(%arg12 : memref<128x16xf32, #tpu.memory_space<vmem>>) offsets(%dma_start3A_71 : memref<128xi32, #tpu.memory_space<vmem>>) semaphore(%arg14 : memref<!tpu.dma_semaphore, #tpu.memory_space<semaphore_mem>>)
        %dma_start3A_75 = arith.constant 0 : i32
        %dma_start3A_76 = tpu.memref_slice %arg10[%add3A_58, %dma_start3A_75] : memref<80x128xi32, #tpu.memory_space<vmem>> -> memref<1x128xi32, #tpu.memory_space<vmem>>
        %dma_start3A_77 = tpu.memref_squeeze %dma_start3A_76 : memref<1x128xi32, #tpu.memory_space<vmem>> -> memref<128xi32, #tpu.memory_space<vmem>>
        %dma_start3A_78 = arith.constant 0 : i32
        %dma_start3A_79 = arith.constant 0 : i32
        %dma_start3A_80 = tpu.memref_slice %arg8[%dma_start3A_78, %dma_start3A_79] : memref<50048x16xf32, #tpu.memory_space<vmem_shared>> -> memref<50048x16xf32, #tpu.memory_space<vmem_shared>>
        tpu.enqueue_indirect_dma source(%arg11 : memref<128x16xf32, #tpu.memory_space<vmem>>) target(%dma_start3A_80 : memref<50048x16xf32, #tpu.memory_space<vmem_shared>>) offsets(%dma_start3A_77 : memref<128xi32, #tpu.memory_space<vmem>>) semaphore(%arg15 : memref<!tpu.dma_semaphore, #tpu.memory_space<semaphore_mem>>) {add = true}
        %add3A_81 = arith.constant 1 : i32
        %add3A_82 = arith.addi %add3A_58, %add3A_81 : i32
        %dma_wait3A_83 = arith.constant 0 : i32
        %dma_wait3A_84 = tpu.memref_slice %arg9[%add3A_82, %dma_wait3A_83] : memref<80x128xi32, #tpu.memory_space<vmem>> -> memref<1x128xi32, #tpu.memory_space<vmem>>
        %dma_wait3A_85 = tpu.memref_squeeze %dma_wait3A_84 : memref<1x128xi32, #tpu.memory_space<vmem>> -> memref<128xi32, #tpu.memory_space<vmem>>
        %dma_wait3A_86 = arith.constant 0 : i32
        %dma_wait3A_87 = arith.constant 0 : i32
        %dma_wait3A_88 = tpu.memref_slice %arg7[%dma_wait3A_86, %dma_wait3A_87] : memref<50048x16xf32, #tpu.memory_space<vmem_shared>> -> memref<50048x16xf32, #tpu.memory_space<vmem_shared>>
        tpu.wait_indirect_dma semaphore(%arg14 : memref<!tpu.dma_semaphore, #tpu.memory_space<semaphore_mem>>) src(%dma_wait3A_88 : memref<50048x16xf32, #tpu.memory_space<vmem_shared>>) dst(%arg12 : memref<128x16xf32, #tpu.memory_space<vmem>>)
        %dma_wait3A_89 = arith.constant 0 : i32
        %dma_wait3A_90 = tpu.memref_slice %arg10[%add3A_58, %dma_wait3A_89] : memref<80x128xi32, #tpu.memory_space<vmem>> -> memref<1x128xi32, #tpu.memory_space<vmem>>
        %dma_wait3A_91 = tpu.memref_squeeze %dma_wait3A_90 : memref<1x128xi32, #tpu.memory_space<vmem>> -> memref<128xi32, #tpu.memory_space<vmem>>
        %dma_wait3A_92 = arith.constant 0 : i32
        %dma_wait3A_93 = arith.constant 0 : i32
        %dma_wait3A_94 = tpu.memref_slice %arg8[%dma_wait3A_92, %dma_wait3A_93] : memref<50048x16xf32, #tpu.memory_space<vmem_shared>> -> memref<50048x16xf32, #tpu.memory_space<vmem_shared>>
        tpu.wait_indirect_dma semaphore(%arg15 : memref<!tpu.dma_semaphore, #tpu.memory_space<semaphore_mem>>) src(%arg11 : memref<128x16xf32, #tpu.memory_space<vmem>>) dst(%dma_wait3A_94 : memref<50048x16xf32, #tpu.memory_space<vmem_shared>>)
        %add3A_95 = arith.constant 2 : i32
        %add3A_96 = arith.addi %add3A_58, %add3A_95 : i32
        %lt3A = arith.constant 80 : i32
        %lt3A_97 = arith.cmpi slt, %add3A_96, %lt3A : i32
        %convert_element_type3A_98 = arith.extui %lt3A_97 : i1 to i32
        %cond3A_99 = arith.constant 0 : i32
        %cond3A_100 = arith.cmpi ne, %convert_element_type3A_98, %cond3A_99 : i32
        scf.if %cond3A_100 {
          %add3A_109 = arith.constant 2 : i32
          %add3A_110 = arith.addi %add3A_58, %add3A_109 : i32
          %dma_start3A_111 = arith.constant 0 : i32
          %dma_start3A_112 = tpu.memref_slice %arg9[%add3A_110, %dma_start3A_111] : memref<80x128xi32, #tpu.memory_space<vmem>> -> memref<1x128xi32, #tpu.memory_space<vmem>>
          %dma_start3A_113 = tpu.memref_squeeze %dma_start3A_112 : memref<1x128xi32, #tpu.memory_space<vmem>> -> memref<128xi32, #tpu.memory_space<vmem>>
          %dma_start3A_114 = arith.constant 0 : i32
          %dma_start3A_115 = arith.constant 0 : i32
          %dma_start3A_116 = tpu.memref_slice %arg7[%dma_start3A_114, %dma_start3A_115] : memref<50048x16xf32, #tpu.memory_space<vmem_shared>> -> memref<50048x16xf32, #tpu.memory_space<vmem_shared>>
          tpu.enqueue_indirect_dma source(%dma_start3A_116 : memref<50048x16xf32, #tpu.memory_space<vmem_shared>>) target(%arg11 : memref<128x16xf32, #tpu.memory_space<vmem>>) offsets(%dma_start3A_113 : memref<128xi32, #tpu.memory_space<vmem>>) semaphore(%arg13 : memref<!tpu.dma_semaphore, #tpu.memory_space<semaphore_mem>>)
        } else {
        }
        %add3A_101 = arith.constant 1 : i32
        %add3A_102 = arith.addi %add3A_58, %add3A_101 : i32
        %dma_start3A_103 = arith.constant 0 : i32
        %dma_start3A_104 = tpu.memref_slice %arg10[%add3A_102, %dma_start3A_103] : memref<80x128xi32, #tpu.memory_space<vmem>> -> memref<1x128xi32, #tpu.memory_space<vmem>>
        %dma_start3A_105 = tpu.memref_squeeze %dma_start3A_104 : memref<1x128xi32, #tpu.memory_space<vmem>> -> memref<128xi32, #tpu.memory_space<vmem>>
        %dma_start3A_106 = arith.constant 0 : i32
        %dma_start3A_107 = arith.constant 0 : i32
        %dma_start3A_108 = tpu.memref_slice %arg8[%dma_start3A_106, %dma_start3A_107] : memref<50048x16xf32, #tpu.memory_space<vmem_shared>> -> memref<50048x16xf32, #tpu.memory_space<vmem_shared>>
        tpu.enqueue_indirect_dma source(%arg12 : memref<128x16xf32, #tpu.memory_space<vmem>>) target(%dma_start3A_108 : memref<50048x16xf32, #tpu.memory_space<vmem_shared>>) offsets(%dma_start3A_105 : memref<128xi32, #tpu.memory_space<vmem>>) semaphore(%arg16 : memref<!tpu.dma_semaphore, #tpu.memory_space<semaphore_mem>>) {add = true}
      }
      %scan3A_47 = arith.constant 40 : i32
      %dma_wait3A = arith.constant 0 : i32
      %dma_wait3A_48 = arith.constant 0 : i32
      %dma_wait3A_49 = tpu.memref_slice %arg10[%dma_wait3A, %dma_wait3A_48] : memref<80x128xi32, #tpu.memory_space<vmem>> -> memref<1x128xi32, #tpu.memory_space<vmem>>
      %dma_wait3A_50 = tpu.memref_squeeze %dma_wait3A_49 : memref<1x128xi32, #tpu.memory_space<vmem>> -> memref<128xi32, #tpu.memory_space<vmem>>
      %dma_wait3A_51 = arith.constant 0 : i32
      %dma_wait3A_52 = arith.constant 0 : i32
      %dma_wait3A_53 = tpu.memref_slice %arg8[%dma_wait3A_51, %dma_wait3A_52] : memref<50048x16xf32, #tpu.memory_space<vmem_shared>> -> memref<50048x16xf32, #tpu.memory_space<vmem_shared>>
      tpu.wait_indirect_dma semaphore(%arg16 : memref<!tpu.dma_semaphore, #tpu.memory_space<semaphore_mem>>) src(%arg12 : memref<128x16xf32, #tpu.memory_space<vmem>>) dst(%dma_wait3A_53 : memref<50048x16xf32, #tpu.memory_space<vmem_shared>>)
    }
    %scan3A_9 = arith.constant 5 : i32
    %barrier3A_10 = arith.constant 0 : index
    tpu.barrier barrier_id(%barrier3A_10)
    "tpu.region"() ({
      %run_scoped3A = tpu.sem_alloc : memref<!tpu.dma_semaphore, #tpu.memory_space<semaphore_mem>>
      %dma_start3A = tpu.memref_slice %arg6[%mul3A_0, %multiple_of3A] : memref<50048x64xf32, #tpu.memory_space<hbm>> -> memref<3128x16xf32, #tpu.memory_space<hbm>>
      %dma_start3A_27 = arith.constant 0 : i32
      %dma_start3A_28 = tpu.memref_slice %arg8[%mul3A_0, %dma_start3A_27] : memref<50048x16xf32, #tpu.memory_space<vmem_shared>> -> memref<3128x16xf32, #tpu.memory_space<vmem_shared>>
      tpu.enqueue_dma source(%dma_start3A_28 : memref<3128x16xf32, #tpu.memory_space<vmem_shared>>) target(%dma_start3A : memref<3128x16xf32, #tpu.memory_space<hbm>>) target_semaphore(%run_scoped3A : memref<!tpu.dma_semaphore, #tpu.memory_space<semaphore_mem>>)
      %dma_wait3A = tpu.memref_slice %arg6[%mul3A_0, %multiple_of3A] : memref<50048x64xf32, #tpu.memory_space<hbm>> -> memref<3128x16xf32, #tpu.memory_space<hbm>>
      %dma_wait3A_29 = arith.constant 0 : i32
      %dma_wait3A_30 = tpu.memref_slice %arg8[%mul3A_0, %dma_wait3A_29] : memref<50048x16xf32, #tpu.memory_space<vmem_shared>> -> memref<3128x16xf32, #tpu.memory_space<vmem_shared>>
      tpu.wait_dma2 semaphore(%run_scoped3A : memref<!tpu.dma_semaphore, #tpu.memory_space<semaphore_mem>>) src(%dma_wait3A_30 : memref<3128x16xf32, #tpu.memory_space<vmem_shared>>) dst(%dma_wait3A : memref<3128x16xf32, #tpu.memory_space<hbm>>)
      tpu.yield
    }) : () -> ()
    %mul3A_11 = arith.constant 3128 : i32
    %mul3A_12 = arith.muli %arg1, %mul3A_11 : i32
    %mul3A_13 = arith.constant 2 : i32
    %mul3A_14 = arith.muli %mul3A_13, %arg0 : i32
    %add3A_15 = arith.constant 1 : i32
    %add3A_16 = arith.addi %mul3A_14, %add3A_15 : i32
    %mul3A_17 = arith.constant 16 : i32
    %mul3A_18 = arith.muli %mul3A_17, %add3A_16 : i32
    %multiple_of3A_19 = tpu.assume_multiple %mul3A_18, 16 : i32
    "tpu.region"() ({
      %run_scoped3A = tpu.sem_alloc : memref<!tpu.dma_semaphore, #tpu.memory_space<semaphore_mem>>
      %dma_start3A = arith.constant 0 : i32
      %dma_start3A_27 = tpu.memref_slice %arg7[%mul3A_12, %dma_start3A] : memref<50048x16xf32, #tpu.memory_space<vmem_shared>> -> memref<3128x16xf32, #tpu.memory_space<vmem_shared>>
      %dma_start3A_28 = tpu.memref_slice %arg2[%mul3A_12, %multiple_of3A_19] : memref<50048x64xf32, #tpu.memory_space<hbm>> -> memref<3128x16xf32, #tpu.memory_space<hbm>>
      tpu.enqueue_dma source(%dma_start3A_28 : memref<3128x16xf32, #tpu.memory_space<hbm>>) target(%dma_start3A_27 : memref<3128x16xf32, #tpu.memory_space<vmem_shared>>) target_semaphore(%run_scoped3A : memref<!tpu.dma_semaphore, #tpu.memory_space<semaphore_mem>>)
      %dma_wait3A = arith.constant 0 : i32
      %dma_wait3A_29 = tpu.memref_slice %arg7[%mul3A_12, %dma_wait3A] : memref<50048x16xf32, #tpu.memory_space<vmem_shared>> -> memref<3128x16xf32, #tpu.memory_space<vmem_shared>>
      %dma_wait3A_30 = tpu.memref_slice %arg2[%mul3A_12, %multiple_of3A_19] : memref<50048x64xf32, #tpu.memory_space<hbm>> -> memref<3128x16xf32, #tpu.memory_space<hbm>>
      tpu.wait_dma2 semaphore(%run_scoped3A : memref<!tpu.dma_semaphore, #tpu.memory_space<semaphore_mem>>) src(%dma_wait3A_30 : memref<3128x16xf32, #tpu.memory_space<hbm>>) dst(%dma_wait3A_29 : memref<3128x16xf32, #tpu.memory_space<vmem_shared>>)
      tpu.yield
    }) : () -> ()
    "tpu.region"() ({
      %run_scoped3A = tpu.sem_alloc : memref<!tpu.dma_semaphore, #tpu.memory_space<semaphore_mem>>
      %dma_start3A = arith.constant 0 : i32
      %dma_start3A_27 = tpu.memref_slice %arg8[%mul3A_12, %dma_start3A] : memref<50048x16xf32, #tpu.memory_space<vmem_shared>> -> memref<3128x16xf32, #tpu.memory_space<vmem_shared>>
      tpu.enqueue_dma source(%arg5 : memref<3128x16xf32, #tpu.memory_space<hbm>>) target(%dma_start3A_27 : memref<3128x16xf32, #tpu.memory_space<vmem_shared>>) target_semaphore(%run_scoped3A : memref<!tpu.dma_semaphore, #tpu.memory_space<semaphore_mem>>)
      %dma_wait3A = arith.constant 0 : i32
      %dma_wait3A_28 = tpu.memref_slice %arg8[%mul3A_12, %dma_wait3A] : memref<50048x16xf32, #tpu.memory_space<vmem_shared>> -> memref<3128x16xf32, #tpu.memory_space<vmem_shared>>
      tpu.wait_dma2 semaphore(%run_scoped3A : memref<!tpu.dma_semaphore, #tpu.memory_space<semaphore_mem>>) src(%arg5 : memref<3128x16xf32, #tpu.memory_space<hbm>>) dst(%dma_wait3A_28 : memref<3128x16xf32, #tpu.memory_space<vmem_shared>>)
      tpu.yield
    }) : () -> ()
    %barrier3A_20 = arith.constant 0 : index
    tpu.barrier barrier_id(%barrier3A_20)
    %scan3A_21 = arith.constant 0 : i32
    %scan3A_22 = arith.constant 5 : i32
    %scan3A_23 = arith.addi %scan3A_21, %scan3A_22 : i32
    %scan3A_24 = arith.constant 1 : i32
    scf.for %scan3A_27 = %scan3A_21 to %scan3A_23 step %scan3A_24  : i32 {
      %mul3A_28 = arith.constant 1 : i32
      %mul3A_29 = arith.muli %scan3A_27, %mul3A_28 : i32
      %add3A_30 = arith.constant 0 : i32
      %add3A_31 = arith.addi %add3A_30, %mul3A_29 : i32
      %mul3A_32 = arith.constant 400 : i32
      %mul3A_33 = arith.muli %arg1, %mul3A_32 : i32
      %mul3A_34 = arith.constant 80 : i32
      %mul3A_35 = arith.muli %add3A_31, %mul3A_34 : i32
      %add3A_36 = arith.addi %mul3A_33, %mul3A_35 : i32
      "tpu.region"() ({
        %run_scoped3A = tpu.sem_alloc : memref<!tpu.dma_semaphore, #tpu.memory_space<semaphore_mem>>
        %dma_start3A_54 = arith.constant 0 : i32
        %dma_start3A_55 = tpu.memref_slice %arg3[%add3A_36, %dma_start3A_54] : memref<6400x128xi32, #tpu.memory_space<hbm>> -> memref<80x128xi32, #tpu.memory_space<hbm>>
        %dma_start3A_56 = arith.constant 0 : i32
        %dma_start3A_57 = tpu.memref_slice %arg3[%add3A_36, %dma_start3A_56] : memref<6400x128xi32, #tpu.memory_space<hbm>> -> memref<80x128xi32, #tpu.memory_space<hbm>>
        tpu.enqueue_dma source(%dma_start3A_57 : memref<80x128xi32, #tpu.memory_space<hbm>>) target(%arg9 : memref<80x128xi32, #tpu.memory_space<vmem>>) target_semaphore(%run_scoped3A : memref<!tpu.dma_semaphore, #tpu.memory_space<semaphore_mem>>)
        %dma_wait3A_58 = arith.constant 0 : i32
        %dma_wait3A_59 = tpu.memref_slice %arg3[%add3A_36, %dma_wait3A_58] : memref<6400x128xi32, #tpu.memory_space<hbm>> -> memref<80x128xi32, #tpu.memory_space<hbm>>
        %dma_wait3A_60 = arith.constant 0 : i32
        %dma_wait3A_61 = tpu.memref_slice %arg3[%add3A_36, %dma_wait3A_60] : memref<6400x128xi32, #tpu.memory_space<hbm>> -> memref<80x128xi32, #tpu.memory_space<hbm>>
        tpu.wait_dma2 semaphore(%run_scoped3A : memref<!tpu.dma_semaphore, #tpu.memory_space<semaphore_mem>>) src(%dma_wait3A_61 : memref<80x128xi32, #tpu.memory_space<hbm>>) dst(%arg9 : memref<80x128xi32, #tpu.memory_space<vmem>>)
        tpu.yield
      }) : () -> ()
      "tpu.region"() ({
        %run_scoped3A = tpu.sem_alloc : memref<!tpu.dma_semaphore, #tpu.memory_space<semaphore_mem>>
        %dma_start3A_54 = arith.constant 0 : i32
        %dma_start3A_55 = tpu.memref_slice %arg4[%add3A_36, %dma_start3A_54] : memref<6400x128xi32, #tpu.memory_space<hbm>> -> memref<80x128xi32, #tpu.memory_space<hbm>>
        %dma_start3A_56 = arith.constant 0 : i32
        %dma_start3A_57 = tpu.memref_slice %arg4[%add3A_36, %dma_start3A_56] : memref<6400x128xi32, #tpu.memory_space<hbm>> -> memref<80x128xi32, #tpu.memory_space<hbm>>
        tpu.enqueue_dma source(%dma_start3A_57 : memref<80x128xi32, #tpu.memory_space<hbm>>) target(%arg10 : memref<80x128xi32, #tpu.memory_space<vmem>>) target_semaphore(%run_scoped3A : memref<!tpu.dma_semaphore, #tpu.memory_space<semaphore_mem>>)
        %dma_wait3A_58 = arith.constant 0 : i32
        %dma_wait3A_59 = tpu.memref_slice %arg4[%add3A_36, %dma_wait3A_58] : memref<6400x128xi32, #tpu.memory_space<hbm>> -> memref<80x128xi32, #tpu.memory_space<hbm>>
        %dma_wait3A_60 = arith.constant 0 : i32
        %dma_wait3A_61 = tpu.memref_slice %arg4[%add3A_36, %dma_wait3A_60] : memref<6400x128xi32, #tpu.memory_space<hbm>> -> memref<80x128xi32, #tpu.memory_space<hbm>>
        tpu.wait_dma2 semaphore(%run_scoped3A : memref<!tpu.dma_semaphore, #tpu.memory_space<semaphore_mem>>) src(%dma_wait3A_61 : memref<80x128xi32, #tpu.memory_space<hbm>>) dst(%arg10 : memref<80x128xi32, #tpu.memory_space<vmem>>)
        tpu.yield
      }) : () -> ()
      %dma_start3A = arith.constant 0 : i32
      %dma_start3A_37 = arith.constant 0 : i32
      %dma_start3A_38 = tpu.memref_slice %arg9[%dma_start3A, %dma_start3A_37] : memref<80x128xi32, #tpu.memory_space<vmem>> -> memref<1x128xi32, #tpu.memory_space<vmem>>
      %dma_start3A_39 = tpu.memref_squeeze %dma_start3A_38 : memref<1x128xi32, #tpu.memory_space<vmem>> -> memref<128xi32, #tpu.memory_space<vmem>>
      %dma_start3A_40 = arith.constant 0 : i32
      %dma_start3A_41 = arith.constant 0 : i32
      %dma_start3A_42 = tpu.memref_slice %arg7[%dma_start3A_40, %dma_start3A_41] : memref<50048x16xf32, #tpu.memory_space<vmem_shared>> -> memref<50048x16xf32, #tpu.memory_space<vmem_shared>>
      tpu.enqueue_indirect_dma source(%dma_start3A_42 : memref<50048x16xf32, #tpu.memory_space<vmem_shared>>) target(%arg11 : memref<128x16xf32, #tpu.memory_space<vmem>>) offsets(%dma_start3A_39 : memref<128xi32, #tpu.memory_space<vmem>>) semaphore(%arg13 : memref<!tpu.dma_semaphore, #tpu.memory_space<semaphore_mem>>)
      %scan3A_43 = arith.constant 0 : i32
      %scan3A_44 = arith.constant 40 : i32
      %scan3A_45 = arith.addi %scan3A_43, %scan3A_44 : i32
      %scan3A_46 = arith.constant 1 : i32
      scf.for %scan3A_54 = %scan3A_43 to %scan3A_45 step %scan3A_46  : i32 {
        %mul3A_55 = arith.constant 2 : i32
        %mul3A_56 = arith.muli %scan3A_54, %mul3A_55 : i32
        %add3A_57 = arith.constant 0 : i32
        %add3A_58 = arith.addi %add3A_57, %mul3A_56 : i32
        %dma_wait3A_59 = arith.constant 0 : i32
        %dma_wait3A_60 = tpu.memref_slice %arg9[%add3A_58, %dma_wait3A_59] : memref<80x128xi32, #tpu.memory_space<vmem>> -> memref<1x128xi32, #tpu.memory_space<vmem>>
        %dma_wait3A_61 = tpu.memref_squeeze %dma_wait3A_60 : memref<1x128xi32, #tpu.memory_space<vmem>> -> memref<128xi32, #tpu.memory_space<vmem>>
        %dma_wait3A_62 = arith.constant 0 : i32
        %dma_wait3A_63 = arith.constant 0 : i32
        %dma_wait3A_64 = tpu.memref_slice %arg7[%dma_wait3A_62, %dma_wait3A_63] : memref<50048x16xf32, #tpu.memory_space<vmem_shared>> -> memref<50048x16xf32, #tpu.memory_space<vmem_shared>>
        tpu.wait_indirect_dma semaphore(%arg13 : memref<!tpu.dma_semaphore, #tpu.memory_space<semaphore_mem>>) src(%dma_wait3A_64 : memref<50048x16xf32, #tpu.memory_space<vmem_shared>>) dst(%arg11 : memref<128x16xf32, #tpu.memory_space<vmem>>)
        %gt3A = arith.constant 0 : i32
        %gt3A_65 = arith.cmpi sgt, %add3A_58, %gt3A : i32
        %convert_element_type3A = arith.extui %gt3A_65 : i1 to i32
        %cond3A = arith.constant 0 : i32
        %cond3A_66 = arith.cmpi ne, %convert_element_type3A, %cond3A : i32
        scf.if %cond3A_66 {
          %dma_wait3A_109 = arith.constant 0 : i32
          %dma_wait3A_110 = tpu.memref_slice %arg10[%add3A_58, %dma_wait3A_109] : memref<80x128xi32, #tpu.memory_space<vmem>> -> memref<1x128xi32, #tpu.memory_space<vmem>>
          %dma_wait3A_111 = tpu.memref_squeeze %dma_wait3A_110 : memref<1x128xi32, #tpu.memory_space<vmem>> -> memref<128xi32, #tpu.memory_space<vmem>>
          %dma_wait3A_112 = arith.constant 0 : i32
          %dma_wait3A_113 = arith.constant 0 : i32
          %dma_wait3A_114 = tpu.memref_slice %arg8[%dma_wait3A_112, %dma_wait3A_113] : memref<50048x16xf32, #tpu.memory_space<vmem_shared>> -> memref<50048x16xf32, #tpu.memory_space<vmem_shared>>
          tpu.wait_indirect_dma semaphore(%arg16 : memref<!tpu.dma_semaphore, #tpu.memory_space<semaphore_mem>>) src(%arg12 : memref<128x16xf32, #tpu.memory_space<vmem>>) dst(%dma_wait3A_114 : memref<50048x16xf32, #tpu.memory_space<vmem_shared>>)
        } else {
        }
        %add3A_67 = arith.constant 1 : i32
        %add3A_68 = arith.addi %add3A_58, %add3A_67 : i32
        %dma_start3A_69 = arith.constant 0 : i32
        %dma_start3A_70 = tpu.memref_slice %arg9[%add3A_68, %dma_start3A_69] : memref<80x128xi32, #tpu.memory_space<vmem>> -> memref<1x128xi32, #tpu.memory_space<vmem>>
        %dma_start3A_71 = tpu.memref_squeeze %dma_start3A_70 : memref<1x128xi32, #tpu.memory_space<vmem>> -> memref<128xi32, #tpu.memory_space<vmem>>
        %dma_start3A_72 = arith.constant 0 : i32
        %dma_start3A_73 = arith.constant 0 : i32
        %dma_start3A_74 = tpu.memref_slice %arg7[%dma_start3A_72, %dma_start3A_73] : memref<50048x16xf32, #tpu.memory_space<vmem_shared>> -> memref<50048x16xf32, #tpu.memory_space<vmem_shared>>
        tpu.enqueue_indirect_dma source(%dma_start3A_74 : memref<50048x16xf32, #tpu.memory_space<vmem_shared>>) target(%arg12 : memref<128x16xf32, #tpu.memory_space<vmem>>) offsets(%dma_start3A_71 : memref<128xi32, #tpu.memory_space<vmem>>) semaphore(%arg14 : memref<!tpu.dma_semaphore, #tpu.memory_space<semaphore_mem>>)
        %dma_start3A_75 = arith.constant 0 : i32
        %dma_start3A_76 = tpu.memref_slice %arg10[%add3A_58, %dma_start3A_75] : memref<80x128xi32, #tpu.memory_space<vmem>> -> memref<1x128xi32, #tpu.memory_space<vmem>>
        %dma_start3A_77 = tpu.memref_squeeze %dma_start3A_76 : memref<1x128xi32, #tpu.memory_space<vmem>> -> memref<128xi32, #tpu.memory_space<vmem>>
        %dma_start3A_78 = arith.constant 0 : i32
        %dma_start3A_79 = arith.constant 0 : i32
        %dma_start3A_80 = tpu.memref_slice %arg8[%dma_start3A_78, %dma_start3A_79] : memref<50048x16xf32, #tpu.memory_space<vmem_shared>> -> memref<50048x16xf32, #tpu.memory_space<vmem_shared>>
        tpu.enqueue_indirect_dma source(%arg11 : memref<128x16xf32, #tpu.memory_space<vmem>>) target(%dma_start3A_80 : memref<50048x16xf32, #tpu.memory_space<vmem_shared>>) offsets(%dma_start3A_77 : memref<128xi32, #tpu.memory_space<vmem>>) semaphore(%arg15 : memref<!tpu.dma_semaphore, #tpu.memory_space<semaphore_mem>>) {add = true}
        %add3A_81 = arith.constant 1 : i32
        %add3A_82 = arith.addi %add3A_58, %add3A_81 : i32
        %dma_wait3A_83 = arith.constant 0 : i32
        %dma_wait3A_84 = tpu.memref_slice %arg9[%add3A_82, %dma_wait3A_83] : memref<80x128xi32, #tpu.memory_space<vmem>> -> memref<1x128xi32, #tpu.memory_space<vmem>>
        %dma_wait3A_85 = tpu.memref_squeeze %dma_wait3A_84 : memref<1x128xi32, #tpu.memory_space<vmem>> -> memref<128xi32, #tpu.memory_space<vmem>>
        %dma_wait3A_86 = arith.constant 0 : i32
        %dma_wait3A_87 = arith.constant 0 : i32
        %dma_wait3A_88 = tpu.memref_slice %arg7[%dma_wait3A_86, %dma_wait3A_87] : memref<50048x16xf32, #tpu.memory_space<vmem_shared>> -> memref<50048x16xf32, #tpu.memory_space<vmem_shared>>
        tpu.wait_indirect_dma semaphore(%arg14 : memref<!tpu.dma_semaphore, #tpu.memory_space<semaphore_mem>>) src(%dma_wait3A_88 : memref<50048x16xf32, #tpu.memory_space<vmem_shared>>) dst(%arg12 : memref<128x16xf32, #tpu.memory_space<vmem>>)
        %dma_wait3A_89 = arith.constant 0 : i32
        %dma_wait3A_90 = tpu.memref_slice %arg10[%add3A_58, %dma_wait3A_89] : memref<80x128xi32, #tpu.memory_space<vmem>> -> memref<1x128xi32, #tpu.memory_space<vmem>>
        %dma_wait3A_91 = tpu.memref_squeeze %dma_wait3A_90 : memref<1x128xi32, #tpu.memory_space<vmem>> -> memref<128xi32, #tpu.memory_space<vmem>>
        %dma_wait3A_92 = arith.constant 0 : i32
        %dma_wait3A_93 = arith.constant 0 : i32
        %dma_wait3A_94 = tpu.memref_slice %arg8[%dma_wait3A_92, %dma_wait3A_93] : memref<50048x16xf32, #tpu.memory_space<vmem_shared>> -> memref<50048x16xf32, #tpu.memory_space<vmem_shared>>
        tpu.wait_indirect_dma semaphore(%arg15 : memref<!tpu.dma_semaphore, #tpu.memory_space<semaphore_mem>>) src(%arg11 : memref<128x16xf32, #tpu.memory_space<vmem>>) dst(%dma_wait3A_94 : memref<50048x16xf32, #tpu.memory_space<vmem_shared>>)
        %add3A_95 = arith.constant 2 : i32
        %add3A_96 = arith.addi %add3A_58, %add3A_95 : i32
        %lt3A = arith.constant 80 : i32
        %lt3A_97 = arith.cmpi slt, %add3A_96, %lt3A : i32
        %convert_element_type3A_98 = arith.extui %lt3A_97 : i1 to i32
        %cond3A_99 = arith.constant 0 : i32
        %cond3A_100 = arith.cmpi ne, %convert_element_type3A_98, %cond3A_99 : i32
        scf.if %cond3A_100 {
          %add3A_109 = arith.constant 2 : i32
          %add3A_110 = arith.addi %add3A_58, %add3A_109 : i32
          %dma_start3A_111 = arith.constant 0 : i32
          %dma_start3A_112 = tpu.memref_slice %arg9[%add3A_110, %dma_start3A_111] : memref<80x128xi32, #tpu.memory_space<vmem>> -> memref<1x128xi32, #tpu.memory_space<vmem>>
          %dma_start3A_113 = tpu.memref_squeeze %dma_start3A_112 : memref<1x128xi32, #tpu.memory_space<vmem>> -> memref<128xi32, #tpu.memory_space<vmem>>
          %dma_start3A_114 = arith.constant 0 : i32
          %dma_start3A_115 = arith.constant 0 : i32
          %dma_start3A_116 = tpu.memref_slice %arg7[%dma_start3A_114, %dma_start3A_115] : memref<50048x16xf32, #tpu.memory_space<vmem_shared>> -> memref<50048x16xf32, #tpu.memory_space<vmem_shared>>
          tpu.enqueue_indirect_dma source(%dma_start3A_116 : memref<50048x16xf32, #tpu.memory_space<vmem_shared>>) target(%arg11 : memref<128x16xf32, #tpu.memory_space<vmem>>) offsets(%dma_start3A_113 : memref<128xi32, #tpu.memory_space<vmem>>) semaphore(%arg13 : memref<!tpu.dma_semaphore, #tpu.memory_space<semaphore_mem>>)
        } else {
        }
        %add3A_101 = arith.constant 1 : i32
        %add3A_102 = arith.addi %add3A_58, %add3A_101 : i32
        %dma_start3A_103 = arith.constant 0 : i32
        %dma_start3A_104 = tpu.memref_slice %arg10[%add3A_102, %dma_start3A_103] : memref<80x128xi32, #tpu.memory_space<vmem>> -> memref<1x128xi32, #tpu.memory_space<vmem>>
        %dma_start3A_105 = tpu.memref_squeeze %dma_start3A_104 : memref<1x128xi32, #tpu.memory_space<vmem>> -> memref<128xi32, #tpu.memory_space<vmem>>
        %dma_start3A_106 = arith.constant 0 : i32
        %dma_start3A_107 = arith.constant 0 : i32
        %dma_start3A_108 = tpu.memref_slice %arg8[%dma_start3A_106, %dma_start3A_107] : memref<50048x16xf32, #tpu.memory_space<vmem_shared>> -> memref<50048x16xf32, #tpu.memory_space<vmem_shared>>
        tpu.enqueue_indirect_dma source(%arg12 : memref<128x16xf32, #tpu.memory_space<vmem>>) target(%dma_start3A_108 : memref<50048x16xf32, #tpu.memory_space<vmem_shared>>) offsets(%dma_start3A_105 : memref<128xi32, #tpu.memory_space<vmem>>) semaphore(%arg16 : memref<!tpu.dma_semaphore, #tpu.memory_space<semaphore_mem>>) {add = true}
      }
      %scan3A_47 = arith.constant 40 : i32
      %dma_wait3A = arith.constant 0 : i32
      %dma_wait3A_48 = arith.constant 0 : i32
      %dma_wait3A_49 = tpu.memref_slice %arg10[%dma_wait3A, %dma_wait3A_48] : memref<80x128xi32, #tpu.memory_space<vmem>> -> memref<1x128xi32, #tpu.memory_space<vmem>>
      %dma_wait3A_50 = tpu.memref_squeeze %dma_wait3A_49 : memref<1x128xi32, #tpu.memory_space<vmem>> -> memref<128xi32, #tpu.memory_space<vmem>>
      %dma_wait3A_51 = arith.constant 0 : i32
      %dma_wait3A_52 = arith.constant 0 : i32
      %dma_wait3A_53 = tpu.memref_slice %arg8[%dma_wait3A_51, %dma_wait3A_52] : memref<50048x16xf32, #tpu.memory_space<vmem_shared>> -> memref<50048x16xf32, #tpu.memory_space<vmem_shared>>
      tpu.wait_indirect_dma semaphore(%arg16 : memref<!tpu.dma_semaphore, #tpu.memory_space<semaphore_mem>>) src(%arg12 : memref<128x16xf32, #tpu.memory_space<vmem>>) dst(%dma_wait3A_53 : memref<50048x16xf32, #tpu.memory_space<vmem_shared>>)
    }
    %scan3A_25 = arith.constant 5 : i32
    %barrier3A_26 = arith.constant 0 : index
    tpu.barrier barrier_id(%barrier3A_26)
    "tpu.region"() ({
      %run_scoped3A = tpu.sem_alloc : memref<!tpu.dma_semaphore, #tpu.memory_space<semaphore_mem>>
      %dma_start3A = tpu.memref_slice %arg6[%mul3A_12, %multiple_of3A_19] : memref<50048x64xf32, #tpu.memory_space<hbm>> -> memref<3128x16xf32, #tpu.memory_space<hbm>>
      %dma_start3A_27 = arith.constant 0 : i32
      %dma_start3A_28 = tpu.memref_slice %arg8[%mul3A_12, %dma_start3A_27] : memref<50048x16xf32, #tpu.memory_space<vmem_shared>> -> memref<3128x16xf32, #tpu.memory_space<vmem_shared>>
      tpu.enqueue_dma source(%dma_start3A_28 : memref<3128x16xf32, #tpu.memory_space<vmem_shared>>) target(%dma_start3A : memref<3128x16xf32, #tpu.memory_space<hbm>>) target_semaphore(%run_scoped3A : memref<!tpu.dma_semaphore, #tpu.memory_space<semaphore_mem>>)
      %dma_wait3A = tpu.memref_slice %arg6[%mul3A_12, %multiple_of3A_19] : memref<50048x64xf32, #tpu.memory_space<hbm>> -> memref<3128x16xf32, #tpu.memory_space<hbm>>
      %dma_wait3A_29 = arith.constant 0 : i32
      %dma_wait3A_30 = tpu.memref_slice %arg8[%mul3A_12, %dma_wait3A_29] : memref<50048x16xf32, #tpu.memory_space<vmem_shared>> -> memref<3128x16xf32, #tpu.memory_space<vmem_shared>>
      tpu.wait_dma2 semaphore(%run_scoped3A : memref<!tpu.dma_semaphore, #tpu.memory_space<semaphore_mem>>) src(%dma_wait3A_30 : memref<3128x16xf32, #tpu.memory_space<vmem_shared>>) dst(%dma_wait3A : memref<3128x16xf32, #tpu.memory_space<hbm>>)
      tpu.yield
    }) : () -> ()
    return
  }
}

module attributes {stable_mosaic.version = 14 : i64} {
  func.func @_proj_body(%arg0: i32, %arg1: memref<5000x128xf32, #tpu.memory_space<vmem>>, %arg2: memref<5000x8xf32, #tpu.memory_space<vmem>>, %arg3: memref<5000x8xf32, #tpu.memory_space<vmem>>, %arg4: memref<64x128xf32, #tpu.memory_space<vmem>>, %arg5: memref<1x64xf32, #tpu.memory_space<vmem>>, %arg6: memref<64x64xf32, #tpu.memory_space<vmem>>, %arg7: memref<5000x64xf32, #tpu.memory_space<vmem>>, %arg8: memref<5000x8xf32, #tpu.memory_space<vmem>>) attributes {dimension_semantics = [#tpu.dimension_semantics<arbitrary>], iteration_bounds = array<i64: 10>, scalar_prefetch = 0 : i64, scratch_operands = 0 : i64, tpu.core_type = #tpu.core_type<tc>, window_params = [{transform_indices = @transform_0, window_bounds = array<i64: 5000, 128>}, {transform_indices = @transform_1, window_bounds = array<i64: 5000, 8>}, {transform_indices = @transform_2, window_bounds = array<i64: 5000, 8>}, {pipeline_mode = #tpu.pipeline_mode<synchronous>, transform_indices = @transform_3, window_bounds = array<i64: 64, 128>}, {pipeline_mode = #tpu.pipeline_mode<synchronous>, transform_indices = @transform_4, window_bounds = array<i64: 1, 64>}, {pipeline_mode = #tpu.pipeline_mode<synchronous>, transform_indices = @transform_5, window_bounds = array<i64: 64, 64>}, {transform_indices = @transform_6, window_bounds = array<i64: 5000, 64>}, {transform_indices = @transform_7, window_bounds = array<i64: 5000, 8>}]} {
    %get3A = arith.constant 0 : index
    %get3A_0 = arith.constant 0 : index
    %get3A_1 = vector.load %arg2[%get3A, %get3A_0] : memref<5000x8xf32, #tpu.memory_space<vmem>>, vector<5000x1xf32>
    %get3A_2 = arith.constant 0 : index
    %get3A_3 = arith.constant 0 : index
    %get3A_4 = vector.load %arg3[%get3A_2, %get3A_3] : memref<5000x8xf32, #tpu.memory_space<vmem>>, vector<5000x1xf32>
    %add3A = arith.addf %get3A_1, %get3A_4 : vector<5000x1xf32>
    %add3A_5 = arith.constant 1.000000e+00 : f32
    %add3A_6 = vector.broadcast %add3A_5 : f32 to vector<5000x1xf32>
    %add3A_7 = arith.addf %add3A, %add3A_6 : vector<5000x1xf32>
    %rsqrt3A = math.rsqrt %add3A_7 : vector<5000x1xf32>
    %get3A_8 = arith.constant 0 : index
    %get3A_9 = arith.constant 0 : index
    %get3A_10 = vector.load %arg1[%get3A_8, %get3A_9] : memref<5000x128xf32, #tpu.memory_space<vmem>>, vector<5000x128xf32>
    %get3A_11 = arith.constant 0 : index
    %get3A_12 = arith.constant 0 : index
    %get3A_13 = vector.load %arg4[%get3A_11, %get3A_12] : memref<64x128xf32, #tpu.memory_space<vmem>>, vector<64x128xf32>
    %dot_general3A = arith.constant dense<0.000000e+00> : vector<5000x64xf32>
    %dot_general3A_14 = tpu.matmul %get3A_10, %get3A_13, %dot_general3A {dimension_numbers = #tpu.dot_dimension_numbers<[1], [1], [0], [0], [0, 0, 1, 0], [], []>, transpose_lhs_hint = false} : vector<5000x128xf32>, vector<64x128xf32>, vector<5000x64xf32> -> vector<5000x64xf32>
    %get3A_15 = arith.constant 0 : index
    %get3A_16 = arith.constant 0 : index
    %get3A_17 = vector.load %arg5[%get3A_15, %get3A_16] : memref<1x64xf32, #tpu.memory_space<vmem>>, vector<1x64xf32>
    %add3A_18 = vector.broadcast %get3A_17 : vector<1x64xf32> to vector<5000x64xf32>
    %add3A_19 = arith.addf %dot_general3A_14, %add3A_18 : vector<5000x64xf32>
    %max3A = arith.constant 0.000000e+00 : f32
    %max3A_20 = vector.broadcast %max3A : f32 to vector<5000x64xf32>
    %max3A_21 = arith.maximumf %add3A_19, %max3A_20 : vector<5000x64xf32>
    %get3A_22 = arith.constant 0 : index
    %get3A_23 = arith.constant 0 : index
    %get3A_24 = vector.load %arg6[%get3A_22, %get3A_23] : memref<64x64xf32, #tpu.memory_space<vmem>>, vector<64x64xf32>
    %dot_general3A_25 = arith.constant dense<0.000000e+00> : vector<5000x64xf32>
    %dot_general3A_26 = tpu.matmul %max3A_21, %get3A_24, %dot_general3A_25 {dimension_numbers = #tpu.dot_dimension_numbers<[1], [1], [0], [0], [0, 0, 1, 0], [], []>, transpose_lhs_hint = false} : vector<5000x64xf32>, vector<64x64xf32>, vector<5000x64xf32> -> vector<5000x64xf32>
    %mul3A = vector.broadcast %rsqrt3A : vector<5000x1xf32> to vector<5000x64xf32>
    %mul3A_27 = arith.mulf %dot_general3A_26, %mul3A : vector<5000x64xf32>
    %swap3A = arith.constant 0 : index
    %swap3A_28 = arith.constant 0 : index
    %swap3A_29 = vector.load %arg7[%swap3A, %swap3A_28] : memref<5000x64xf32, #tpu.memory_space<vmem>>, vector<5000x64xf32>
    tpu.vector_store %arg7[%swap3A, %swap3A_28], %mul3A_27 {strides = array<i32>} : memref<5000x64xf32, #tpu.memory_space<vmem>>, vector<5000x64xf32>,
    %broadcast_in_dim3A = vector.shape_cast %rsqrt3A : vector<5000x1xf32> to vector<5000x1xf32>
    %broadcast_in_dim3A_30 = vector.broadcast %broadcast_in_dim3A : vector<5000x1xf32> to vector<5000x8xf32>
    %swap3A_31 = arith.constant 0 : index
    %swap3A_32 = arith.constant 0 : index
    %swap3A_33 = vector.load %arg8[%swap3A_31, %swap3A_32] : memref<5000x8xf32, #tpu.memory_space<vmem>>, vector<5000x8xf32>
    tpu.vector_store %arg8[%swap3A_31, %swap3A_32], %broadcast_in_dim3A_30 {strides = array<i32>} : memref<5000x8xf32, #tpu.memory_space<vmem>>, vector<5000x8xf32>,
    return
  }
  func.func @transform_0(%arg0: i32) -> (i32, i32) {
    %c0_i32 = arith.constant 0 : i32
    %c0_i32_0 = arith.constant 0 : i32
    return %arg0, %c0_i32 : i32, i32
  }
  func.func @transform_1(%arg0: i32) -> (i32, i32) {
    %c0_i32 = arith.constant 0 : i32
    %c0_i32_0 = arith.constant 0 : i32
    return %arg0, %c0_i32 : i32, i32
  }
  func.func @transform_2(%arg0: i32) -> (i32, i32) {
    %c0_i32 = arith.constant 0 : i32
    %c0_i32_0 = arith.constant 0 : i32
    return %arg0, %c0_i32 : i32, i32
  }
  func.func @transform_3(%arg0: i32) -> (i32, i32) {
    %c0_i32 = arith.constant 0 : i32
    %c0_i32_0 = arith.constant 0 : i32
    %c0_i32_1 = arith.constant 0 : i32
    return %c0_i32, %c0_i32_0 : i32, i32
  }
  func.func @transform_4(%arg0: i32) -> (i32, i32) {
    %c0_i32 = arith.constant 0 : i32
    %c0_i32_0 = arith.constant 0 : i32
    %c0_i32_1 = arith.constant 0 : i32
    return %c0_i32, %c0_i32_0 : i32, i32
  }
  func.func @transform_5(%arg0: i32) -> (i32, i32) {
    %c0_i32 = arith.constant 0 : i32
    %c0_i32_0 = arith.constant 0 : i32
    %c0_i32_1 = arith.constant 0 : i32
    return %c0_i32, %c0_i32_0 : i32, i32
  }
  func.func @transform_6(%arg0: i32) -> (i32, i32) {
    %c0_i32 = arith.constant 0 : i32
    %c0_i32_0 = arith.constant 0 : i32
    return %arg0, %c0_i32 : i32, i32
  }
  func.func @transform_7(%arg0: i32) -> (i32, i32) {
    %c0_i32 = arith.constant 0 : i32
    %c0_i32_0 = arith.constant 0 : i32
    return %arg0, %c0_i32 : i32, i32
  }
}

module attributes {stable_mosaic.version = 14 : i64} {
  func.func @_stats_body(%arg0: i32, %arg1: memref<5000x64xf32, #tpu.memory_space<vmem>>, %arg2: memref<5000x64xf32, #tpu.memory_space<vmem>>, %arg3: memref<5000x8xf32, #tpu.memory_space<vmem>>, %arg4: memref<1x64xf32, #tpu.memory_space<vmem>>, %arg5: memref<8x64xf32, #tpu.memory_space<vmem>>) attributes {dimension_semantics = [#tpu.dimension_semantics<arbitrary>], iteration_bounds = array<i64: 10>, scalar_prefetch = 0 : i64, scratch_operands = 0 : i64, tpu.core_type = #tpu.core_type<tc>, window_params = [{transform_indices = @transform_0, window_bounds = array<i64: 5000, 64>}, {transform_indices = @transform_1, window_bounds = array<i64: 5000, 64>}, {transform_indices = @transform_2, window_bounds = array<i64: 5000, 8>}, {pipeline_mode = #tpu.pipeline_mode<synchronous>, transform_indices = @transform_3, window_bounds = array<i64: 1, 64>}, {pipeline_mode = #tpu.pipeline_mode<synchronous>, transform_indices = @transform_4, window_bounds = array<i64: 8, 64>}]} {
    %eq3A = arith.constant 0 : i32
    %eq3A_0 = arith.cmpi eq, %arg0, %eq3A : i32
    %convert_element_type3A = arith.extui %eq3A_0 : i1 to i32
    %cond3A = arith.constant 0 : i32
    %cond3A_1 = arith.cmpi ne, %convert_element_type3A, %cond3A : i32
    scf.if %cond3A_1 {
      %broadcast_in_dim3A_29 = arith.constant 0.000000e+00 : f32
      %broadcast_in_dim3A_30 = vector.broadcast %broadcast_in_dim3A_29 : f32 to vector<8x64xf32>
      %swap3A_31 = arith.constant 0 : index
      %swap3A_32 = arith.constant 0 : index
      %swap3A_33 = vector.load %arg5[%swap3A_31, %swap3A_32] : memref<8x64xf32, #tpu.memory_space<vmem>>, vector<8x64xf32>
      tpu.vector_store %arg5[%swap3A_31, %swap3A_32], %broadcast_in_dim3A_30 {strides = array<i32>} : memref<8x64xf32, #tpu.memory_space<vmem>>, vector<8x64xf32>,
    } else {
    }
    %get3A = arith.constant 0 : index
    %get3A_2 = arith.constant 0 : index
    %get3A_3 = vector.load %arg3[%get3A, %get3A_2] : memref<5000x8xf32, #tpu.memory_space<vmem>>, vector<5000x1xf32>
    %get3A_4 = arith.constant 0 : index
    %get3A_5 = arith.constant 0 : index
    %get3A_6 = vector.load %arg1[%get3A_4, %get3A_5] : memref<5000x64xf32, #tpu.memory_space<vmem>>, vector<5000x64xf32>
    %get3A_7 = arith.constant 0 : index
    %get3A_8 = arith.constant 0 : index
    %get3A_9 = vector.load %arg2[%get3A_7, %get3A_8] : memref<5000x64xf32, #tpu.memory_space<vmem>>, vector<5000x64xf32>
    %add3A = arith.addf %get3A_6, %get3A_9 : vector<5000x64xf32>
    %mul3A = vector.broadcast %get3A_3 : vector<5000x1xf32> to vector<5000x64xf32>
    %mul3A_10 = arith.mulf %add3A, %mul3A : vector<5000x64xf32>
    %get3A_11 = arith.constant 0 : index
    %get3A_12 = arith.constant 0 : index
    %get3A_13 = vector.load %arg4[%get3A_11, %get3A_12] : memref<1x64xf32, #tpu.memory_space<vmem>>, vector<1x64xf32>
    %add3A_14 = vector.broadcast %get3A_13 : vector<1x64xf32> to vector<5000x64xf32>
    %add3A_15 = arith.addf %mul3A_10, %add3A_14 : vector<5000x64xf32>
    %reduce_sum3A = arith.constant dense<0.000000e+00> : vector<64xf32>
    %reduce_sum3A_16 = vector.multi_reduction <add>, %add3A_15, %reduce_sum3A [0] : vector<5000x64xf32> to vector<64xf32>
    %broadcast_in_dim3A = vector.shape_cast %reduce_sum3A_16 : vector<64xf32> to vector<1x64xf32>
    %mul3A_17 = arith.mulf %add3A_15, %add3A_15 : vector<5000x64xf32>
    %reduce_sum3A_18 = arith.constant dense<0.000000e+00> : vector<64xf32>
    %reduce_sum3A_19 = vector.multi_reduction <add>, %mul3A_17, %reduce_sum3A_18 [0] : vector<5000x64xf32> to vector<64xf32>
    %broadcast_in_dim3A_20 = vector.shape_cast %reduce_sum3A_19 : vector<64xf32> to vector<1x64xf32>
    %get3A_21 = arith.constant 0 : index
    %get3A_22 = arith.constant 0 : index
    %get3A_23 = vector.load %arg5[%get3A_21, %get3A_22] : memref<8x64xf32, #tpu.memory_space<vmem>>, vector<8x64xf32>
    %broadcast_in_dim3A_24 = arith.constant 0.000000e+00 : f32
    %broadcast_in_dim3A_25 = vector.broadcast %broadcast_in_dim3A_24 : f32 to vector<6x64xf32>
    %concatenate3A = tpu.concatenate %broadcast_in_dim3A, %broadcast_in_dim3A_20, %broadcast_in_dim3A_25 in 0 : vector<1x64xf32>, vector<1x64xf32>, vector<6x64xf32> -> vector<8x64xf32>
    %add3A_26 = arith.addf %get3A_23, %concatenate3A : vector<8x64xf32>
    %swap3A = arith.constant 0 : index
    %swap3A_27 = arith.constant 0 : index
    %swap3A_28 = vector.load %arg5[%swap3A, %swap3A_27] : memref<8x64xf32, #tpu.memory_space<vmem>>, vector<8x64xf32>
    tpu.vector_store %arg5[%swap3A, %swap3A_27], %add3A_26 {strides = array<i32>} : memref<8x64xf32, #tpu.memory_space<vmem>>, vector<8x64xf32>,
    return
  }
  func.func @transform_0(%arg0: i32) -> (i32, i32) {
    %c0_i32 = arith.constant 0 : i32
    %c0_i32_0 = arith.constant 0 : i32
    return %arg0, %c0_i32 : i32, i32
  }
  func.func @transform_1(%arg0: i32) -> (i32, i32) {
    %c0_i32 = arith.constant 0 : i32
    %c0_i32_0 = arith.constant 0 : i32
    return %arg0, %c0_i32 : i32, i32
  }
  func.func @transform_2(%arg0: i32) -> (i32, i32) {
    %c0_i32 = arith.constant 0 : i32
    %c0_i32_0 = arith.constant 0 : i32
    return %arg0, %c0_i32 : i32, i32
  }
  func.func @transform_3(%arg0: i32) -> (i32, i32) {
    %c0_i32 = arith.constant 0 : i32
    %c0_i32_0 = arith.constant 0 : i32
    %c0_i32_1 = arith.constant 0 : i32
    return %c0_i32, %c0_i32_0 : i32, i32
  }
  func.func @transform_4(%arg0: i32) -> (i32, i32) {
    %c0_i32 = arith.constant 0 : i32
    %c0_i32_0 = arith.constant 0 : i32
    %c0_i32_1 = arith.constant 0 : i32
    return %c0_i32, %c0_i32_0 : i32, i32
  }
}

module attributes {stable_mosaic.version = 14 : i64} {
  func.func @_mid_body(%arg0: i32, %arg1: memref<5000x64xf32, #tpu.memory_space<vmem>>, %arg2: memref<5000x64xf32, #tpu.memory_space<vmem>>, %arg3: memref<5000x8xf32, #tpu.memory_space<vmem>>, %arg4: memref<8x64xf32, #tpu.memory_space<vmem>>, %arg5: memref<1x64xf32, #tpu.memory_space<vmem>>, %arg6: memref<1x64xf32, #tpu.memory_space<vmem>>, %arg7: memref<1x64xf32, #tpu.memory_space<vmem>>, %arg8: memref<64x64xf32, #tpu.memory_space<vmem>>, %arg9: memref<5000x64xf32, #tpu.memory_space<vmem>>) attributes {dimension_semantics = [#tpu.dimension_semantics<arbitrary>], iteration_bounds = array<i64: 10>, scalar_prefetch = 0 : i64, scratch_operands = 0 : i64, tpu.core_type = #tpu.core_type<tc>, window_params = [{transform_indices = @transform_0, window_bounds = array<i64: 5000, 64>}, {transform_indices = @transform_1, window_bounds = array<i64: 5000, 64>}, {transform_indices = @transform_2, window_bounds = array<i64: 5000, 8>}, {pipeline_mode = #tpu.pipeline_mode<synchronous>, transform_indices = @transform_3, window_bounds = array<i64: 8, 64>}, {pipeline_mode = #tpu.pipeline_mode<synchronous>, transform_indices = @transform_4, window_bounds = array<i64: 1, 64>}, {pipeline_mode = #tpu.pipeline_mode<synchronous>, transform_indices = @transform_5, window_bounds = array<i64: 1, 64>}, {pipeline_mode = #tpu.pipeline_mode<synchronous>, transform_indices = @transform_6, window_bounds = array<i64: 1, 64>}, {pipeline_mode = #tpu.pipeline_mode<synchronous>, transform_indices = @transform_7, window_bounds = array<i64: 64, 64>}, {transform_indices = @transform_8, window_bounds = array<i64: 5000, 64>}]} {
    %get3A = arith.constant 0 : index
    %get3A_0 = arith.constant 0 : index
    %get3A_1 = vector.load %arg3[%get3A, %get3A_0] : memref<5000x8xf32, #tpu.memory_space<vmem>>, vector<5000x1xf32>
    %get3A_2 = arith.constant 0 : index
    %get3A_3 = arith.constant 0 : index
    %get3A_4 = vector.load %arg4[%get3A_2, %get3A_3] : memref<8x64xf32, #tpu.memory_space<vmem>>, vector<1x64xf32>
    %mul3A = arith.constant 2.000000e-05 : f32
    %mul3A_5 = vector.broadcast %mul3A : f32 to vector<1x64xf32>
    %mul3A_6 = arith.mulf %get3A_4, %mul3A_5 : vector<1x64xf32>
    %get3A_7 = arith.constant 1 : index
    %get3A_8 = arith.constant 0 : index
    %get3A_9 = vector.load %arg4[%get3A_7, %get3A_8] : memref<8x64xf32, #tpu.memory_space<vmem>>, vector<1x64xf32>
    %mul3A_10 = arith.constant 2.000000e-05 : f32
    %mul3A_11 = vector.broadcast %mul3A_10 : f32 to vector<1x64xf32>
    %mul3A_12 = arith.mulf %get3A_9, %mul3A_11 : vector<1x64xf32>
    %mul3A_13 = arith.mulf %mul3A_6, %mul3A_6 : vector<1x64xf32>
    %sub3A = arith.subf %mul3A_12, %mul3A_13 : vector<1x64xf32>
    %add3A = arith.constant 9.99999974E-6 : f32
    %add3A_14 = vector.broadcast %add3A : f32 to vector<1x64xf32>
    %add3A_15 = arith.addf %sub3A, %add3A_14 : vector<1x64xf32>
    %rsqrt3A = math.rsqrt %add3A_15 : vector<1x64xf32>
    %get3A_16 = arith.constant 0 : index
    %get3A_17 = arith.constant 0 : index
    %get3A_18 = vector.load %arg6[%get3A_16, %get3A_17] : memref<1x64xf32, #tpu.memory_space<vmem>>, vector<1x64xf32>
    %mul3A_19 = arith.mulf %rsqrt3A, %get3A_18 : vector<1x64xf32>
    %get3A_20 = arith.constant 0 : index
    %get3A_21 = arith.constant 0 : index
    %get3A_22 = vector.load %arg7[%get3A_20, %get3A_21] : memref<1x64xf32, #tpu.memory_space<vmem>>, vector<1x64xf32>
    %mul3A_23 = arith.mulf %mul3A_6, %mul3A_19 : vector<1x64xf32>
    %sub3A_24 = arith.subf %get3A_22, %mul3A_23 : vector<1x64xf32>
    %get3A_25 = arith.constant 0 : index
    %get3A_26 = arith.constant 0 : index
    %get3A_27 = vector.load %arg1[%get3A_25, %get3A_26] : memref<5000x64xf32, #tpu.memory_space<vmem>>, vector<5000x64xf32>
    %get3A_28 = arith.constant 0 : index
    %get3A_29 = arith.constant 0 : index
    %get3A_30 = vector.load %arg2[%get3A_28, %get3A_29] : memref<5000x64xf32, #tpu.memory_space<vmem>>, vector<5000x64xf32>
    %add3A_31 = arith.addf %get3A_27, %get3A_30 : vector<5000x64xf32>
    %mul3A_32 = vector.broadcast %get3A_1 : vector<5000x1xf32> to vector<5000x64xf32>
    %mul3A_33 = arith.mulf %add3A_31, %mul3A_32 : vector<5000x64xf32>
    %get3A_34 = arith.constant 0 : index
    %get3A_35 = arith.constant 0 : index
    %get3A_36 = vector.load %arg5[%get3A_34, %get3A_35] : memref<1x64xf32, #tpu.memory_space<vmem>>, vector<1x64xf32>
    %add3A_37 = vector.broadcast %get3A_36 : vector<1x64xf32> to vector<5000x64xf32>
    %add3A_38 = arith.addf %mul3A_33, %add3A_37 : vector<5000x64xf32>
    %mul3A_39 = vector.broadcast %mul3A_19 : vector<1x64xf32> to vector<5000x64xf32>
    %mul3A_40 = arith.mulf %add3A_38, %mul3A_39 : vector<5000x64xf32>
    %add3A_41 = vector.broadcast %sub3A_24 : vector<1x64xf32> to vector<5000x64xf32>
    %add3A_42 = arith.addf %mul3A_40, %add3A_41 : vector<5000x64xf32>
    %max3A = arith.constant 0.000000e+00 : f32
    %max3A_43 = vector.broadcast %max3A : f32 to vector<5000x64xf32>
    %max3A_44 = arith.maximumf %add3A_42, %max3A_43 : vector<5000x64xf32>
    %get3A_45 = arith.constant 0 : index
    %get3A_46 = arith.constant 0 : index
    %get3A_47 = vector.load %arg8[%get3A_45, %get3A_46] : memref<64x64xf32, #tpu.memory_space<vmem>>, vector<64x64xf32>
    %dot_general3A = arith.constant dense<0.000000e+00> : vector<5000x64xf32>
    %dot_general3A_48 = tpu.matmul %max3A_44, %get3A_47, %dot_general3A {dimension_numbers = #tpu.dot_dimension_numbers<[1], [1], [0], [0], [0, 0, 1, 0], [], []>, transpose_lhs_hint = false} : vector<5000x64xf32>, vector<64x64xf32>, vector<5000x64xf32> -> vector<5000x64xf32>
    %mul3A_49 = vector.broadcast %get3A_1 : vector<5000x1xf32> to vector<5000x64xf32>
    %mul3A_50 = arith.mulf %dot_general3A_48, %mul3A_49 : vector<5000x64xf32>
    %swap3A = arith.constant 0 : index
    %swap3A_51 = arith.constant 0 : index
    %swap3A_52 = vector.load %arg9[%swap3A, %swap3A_51] : memref<5000x64xf32, #tpu.memory_space<vmem>>, vector<5000x64xf32>
    tpu.vector_store %arg9[%swap3A, %swap3A_51], %mul3A_50 {strides = array<i32>} : memref<5000x64xf32, #tpu.memory_space<vmem>>, vector<5000x64xf32>,
    return
  }
  func.func @transform_0(%arg0: i32) -> (i32, i32) {
    %c0_i32 = arith.constant 0 : i32
    %c0_i32_0 = arith.constant 0 : i32
    return %arg0, %c0_i32 : i32, i32
  }
  func.func @transform_1(%arg0: i32) -> (i32, i32) {
    %c0_i32 = arith.constant 0 : i32
    %c0_i32_0 = arith.constant 0 : i32
    return %arg0, %c0_i32 : i32, i32
  }
  func.func @transform_2(%arg0: i32) -> (i32, i32) {
    %c0_i32 = arith.constant 0 : i32
    %c0_i32_0 = arith.constant 0 : i32
    return %arg0, %c0_i32 : i32, i32
  }
  func.func @transform_3(%arg0: i32) -> (i32, i32) {
    %c0_i32 = arith.constant 0 : i32
    %c0_i32_0 = arith.constant 0 : i32
    %c0_i32_1 = arith.constant 0 : i32
    return %c0_i32, %c0_i32_0 : i32, i32
  }
  func.func @transform_4(%arg0: i32) -> (i32, i32) {
    %c0_i32 = arith.constant 0 : i32
    %c0_i32_0 = arith.constant 0 : i32
    %c0_i32_1 = arith.constant 0 : i32
    return %c0_i32, %c0_i32_0 : i32, i32
  }
  func.func @transform_5(%arg0: i32) -> (i32, i32) {
    %c0_i32 = arith.constant 0 : i32
    %c0_i32_0 = arith.constant 0 : i32
    %c0_i32_1 = arith.constant 0 : i32
    return %c0_i32, %c0_i32_0 : i32, i32
  }
  func.func @transform_6(%arg0: i32) -> (i32, i32) {
    %c0_i32 = arith.constant 0 : i32
    %c0_i32_0 = arith.constant 0 : i32
    %c0_i32_1 = arith.constant 0 : i32
    return %c0_i32, %c0_i32_0 : i32, i32
  }
  func.func @transform_7(%arg0: i32) -> (i32, i32) {
    %c0_i32 = arith.constant 0 : i32
    %c0_i32_0 = arith.constant 0 : i32
    %c0_i32_1 = arith.constant 0 : i32
    return %c0_i32, %c0_i32_0 : i32, i32
  }
  func.func @transform_8(%arg0: i32) -> (i32, i32) {
    %c0_i32 = arith.constant 0 : i32
    %c0_i32_0 = arith.constant 0 : i32
    return %arg0, %c0_i32 : i32, i32
  }
}

module attributes {stable_mosaic.version = 14 : i64} {
  func.func @_fin_body(%arg0: i32, %arg1: memref<5000x64xf32, #tpu.memory_space<vmem>>, %arg2: memref<5000x64xf32, #tpu.memory_space<vmem>>, %arg3: memref<5000x8xf32, #tpu.memory_space<vmem>>, %arg4: memref<8x64xf32, #tpu.memory_space<vmem>>, %arg5: memref<1x64xf32, #tpu.memory_space<vmem>>, %arg6: memref<1x64xf32, #tpu.memory_space<vmem>>, %arg7: memref<1x64xf32, #tpu.memory_space<vmem>>, %arg8: memref<32x64xf32, #tpu.memory_space<vmem>>, %arg9: memref<1x32xf32, #tpu.memory_space<vmem>>, %arg10: memref<2x32xf32, #tpu.memory_space<vmem>>, %arg11: memref<1x2xf32, #tpu.memory_space<vmem>>, %arg12: memref<5000x2xf32, #tpu.memory_space<vmem>>) attributes {dimension_semantics = [#tpu.dimension_semantics<arbitrary>], iteration_bounds = array<i64: 10>, scalar_prefetch = 0 : i64, scratch_operands = 0 : i64, tpu.core_type = #tpu.core_type<tc>, window_params = [{transform_indices = @transform_0, window_bounds = array<i64: 5000, 64>}, {transform_indices = @transform_1, window_bounds = array<i64: 5000, 64>}, {transform_indices = @transform_2, window_bounds = array<i64: 5000, 8>}, {pipeline_mode = #tpu.pipeline_mode<synchronous>, transform_indices = @transform_3, window_bounds = array<i64: 8, 64>}, {pipeline_mode = #tpu.pipeline_mode<synchronous>, transform_indices = @transform_4, window_bounds = array<i64: 1, 64>}, {pipeline_mode = #tpu.pipeline_mode<synchronous>, transform_indices = @transform_5, window_bounds = array<i64: 1, 64>}, {pipeline_mode = #tpu.pipeline_mode<synchronous>, transform_indices = @transform_6, window_bounds = array<i64: 1, 64>}, {pipeline_mode = #tpu.pipeline_mode<synchronous>, transform_indices = @transform_7, window_bounds = array<i64: 32, 64>}, {pipeline_mode = #tpu.pipeline_mode<synchronous>, transform_indices = @transform_8, window_bounds = array<i64: 1, 32>}, {pipeline_mode = #tpu.pipeline_mode<synchronous>, transform_indices = @transform_9, window_bounds = array<i64: 2, 32>}, {pipeline_mode = #tpu.pipeline_mode<synchronous>, transform_indices = @transform_10, window_bounds = array<i64: 1, 2>}, {transform_indices = @transform_11, window_bounds = array<i64: 5000, 2>}]} {
    %get3A = arith.constant 0 : index
    %get3A_0 = arith.constant 0 : index
    %get3A_1 = vector.load %arg3[%get3A, %get3A_0] : memref<5000x8xf32, #tpu.memory_space<vmem>>, vector<5000x1xf32>
    %get3A_2 = arith.constant 0 : index
    %get3A_3 = arith.constant 0 : index
    %get3A_4 = vector.load %arg4[%get3A_2, %get3A_3] : memref<8x64xf32, #tpu.memory_space<vmem>>, vector<1x64xf32>
    %mul3A = arith.constant 2.000000e-05 : f32
    %mul3A_5 = vector.broadcast %mul3A : f32 to vector<1x64xf32>
    %mul3A_6 = arith.mulf %get3A_4, %mul3A_5 : vector<1x64xf32>
    %get3A_7 = arith.constant 1 : index
    %get3A_8 = arith.constant 0 : index
    %get3A_9 = vector.load %arg4[%get3A_7, %get3A_8] : memref<8x64xf32, #tpu.memory_space<vmem>>, vector<1x64xf32>
    %mul3A_10 = arith.constant 2.000000e-05 : f32
    %mul3A_11 = vector.broadcast %mul3A_10 : f32 to vector<1x64xf32>
    %mul3A_12 = arith.mulf %get3A_9, %mul3A_11 : vector<1x64xf32>
    %mul3A_13 = arith.mulf %mul3A_6, %mul3A_6 : vector<1x64xf32>
    %sub3A = arith.subf %mul3A_12, %mul3A_13 : vector<1x64xf32>
    %add3A = arith.constant 9.99999974E-6 : f32
    %add3A_14 = vector.broadcast %add3A : f32 to vector<1x64xf32>
    %add3A_15 = arith.addf %sub3A, %add3A_14 : vector<1x64xf32>
    %rsqrt3A = math.rsqrt %add3A_15 : vector<1x64xf32>
    %get3A_16 = arith.constant 0 : index
    %get3A_17 = arith.constant 0 : index
    %get3A_18 = vector.load %arg6[%get3A_16, %get3A_17] : memref<1x64xf32, #tpu.memory_space<vmem>>, vector<1x64xf32>
    %mul3A_19 = arith.mulf %rsqrt3A, %get3A_18 : vector<1x64xf32>
    %get3A_20 = arith.constant 0 : index
    %get3A_21 = arith.constant 0 : index
    %get3A_22 = vector.load %arg7[%get3A_20, %get3A_21] : memref<1x64xf32, #tpu.memory_space<vmem>>, vector<1x64xf32>
    %mul3A_23 = arith.mulf %mul3A_6, %mul3A_19 : vector<1x64xf32>
    %sub3A_24 = arith.subf %get3A_22, %mul3A_23 : vector<1x64xf32>
    %get3A_25 = arith.constant 0 : index
    %get3A_26 = arith.constant 0 : index
    %get3A_27 = vector.load %arg1[%get3A_25, %get3A_26] : memref<5000x64xf32, #tpu.memory_space<vmem>>, vector<5000x64xf32>
    %get3A_28 = arith.constant 0 : index
    %get3A_29 = arith.constant 0 : index
    %get3A_30 = vector.load %arg2[%get3A_28, %get3A_29] : memref<5000x64xf32, #tpu.memory_space<vmem>>, vector<5000x64xf32>
    %add3A_31 = arith.addf %get3A_27, %get3A_30 : vector<5000x64xf32>
    %mul3A_32 = vector.broadcast %get3A_1 : vector<5000x1xf32> to vector<5000x64xf32>
    %mul3A_33 = arith.mulf %add3A_31, %mul3A_32 : vector<5000x64xf32>
    %get3A_34 = arith.constant 0 : index
    %get3A_35 = arith.constant 0 : index
    %get3A_36 = vector.load %arg5[%get3A_34, %get3A_35] : memref<1x64xf32, #tpu.memory_space<vmem>>, vector<1x64xf32>
    %add3A_37 = vector.broadcast %get3A_36 : vector<1x64xf32> to vector<5000x64xf32>
    %add3A_38 = arith.addf %mul3A_33, %add3A_37 : vector<5000x64xf32>
    %mul3A_39 = vector.broadcast %mul3A_19 : vector<1x64xf32> to vector<5000x64xf32>
    %mul3A_40 = arith.mulf %add3A_38, %mul3A_39 : vector<5000x64xf32>
    %add3A_41 = vector.broadcast %sub3A_24 : vector<1x64xf32> to vector<5000x64xf32>
    %add3A_42 = arith.addf %mul3A_40, %add3A_41 : vector<5000x64xf32>
    %get3A_43 = arith.constant 0 : index
    %get3A_44 = arith.constant 0 : index
    %get3A_45 = vector.load %arg8[%get3A_43, %get3A_44] : memref<32x64xf32, #tpu.memory_space<vmem>>, vector<32x64xf32>
    %dot_general3A = arith.constant dense<0.000000e+00> : vector<5000x32xf32>
    %dot_general3A_46 = tpu.matmul %add3A_42, %get3A_45, %dot_general3A {dimension_numbers = #tpu.dot_dimension_numbers<[1], [1], [0], [0], [0, 0, 1, 0], [], []>, transpose_lhs_hint = false} : vector<5000x64xf32>, vector<32x64xf32>, vector<5000x32xf32> -> vector<5000x32xf32>
    %get3A_47 = arith.constant 0 : index
    %get3A_48 = arith.constant 0 : index
    %get3A_49 = vector.load %arg9[%get3A_47, %get3A_48] : memref<1x32xf32, #tpu.memory_space<vmem>>, vector<1x32xf32>
    %add3A_50 = vector.broadcast %get3A_49 : vector<1x32xf32> to vector<5000x32xf32>
    %add3A_51 = arith.addf %dot_general3A_46, %add3A_50 : vector<5000x32xf32>
    %max3A = arith.constant 0.000000e+00 : f32
    %max3A_52 = vector.broadcast %max3A : f32 to vector<5000x32xf32>
    %max3A_53 = arith.maximumf %add3A_51, %max3A_52 : vector<5000x32xf32>
    %get3A_54 = arith.constant 0 : index
    %get3A_55 = arith.constant 0 : index
    %get3A_56 = vector.load %arg10[%get3A_54, %get3A_55] : memref<2x32xf32, #tpu.memory_space<vmem>>, vector<2x32xf32>
    %dot_general3A_57 = arith.constant dense<0.000000e+00> : vector<5000x2xf32>
    %dot_general3A_58 = tpu.matmul %max3A_53, %get3A_56, %dot_general3A_57 {dimension_numbers = #tpu.dot_dimension_numbers<[1], [1], [0], [0], [0, 0, 1, 0], [], []>, transpose_lhs_hint = false} : vector<5000x32xf32>, vector<2x32xf32>, vector<5000x2xf32> -> vector<5000x2xf32>
    %get3A_59 = arith.constant 0 : index
    %get3A_60 = arith.constant 0 : index
    %get3A_61 = vector.load %arg11[%get3A_59, %get3A_60] : memref<1x2xf32, #tpu.memory_space<vmem>>, vector<1x2xf32>
    %add3A_62 = vector.broadcast %get3A_61 : vector<1x2xf32> to vector<5000x2xf32>
    %add3A_63 = arith.addf %dot_general3A_58, %add3A_62 : vector<5000x2xf32>
    %swap3A = arith.constant 0 : index
    %swap3A_64 = arith.constant 0 : index
    %swap3A_65 = vector.load %arg12[%swap3A, %swap3A_64] : memref<5000x2xf32, #tpu.memory_space<vmem>>, vector<5000x2xf32>
    tpu.vector_store %arg12[%swap3A, %swap3A_64], %add3A_63 {strides = array<i32>} : memref<5000x2xf32, #tpu.memory_space<vmem>>, vector<5000x2xf32>,
    return
  }
  func.func @transform_0(%arg0: i32) -> (i32, i32) {
    %c0_i32 = arith.constant 0 : i32
    %c0_i32_0 = arith.constant 0 : i32
    return %arg0, %c0_i32 : i32, i32
  }
  func.func @transform_1(%arg0: i32) -> (i32, i32) {
    %c0_i32 = arith.constant 0 : i32
    %c0_i32_0 = arith.constant 0 : i32
    return %arg0, %c0_i32 : i32, i32
  }
  func.func @transform_2(%arg0: i32) -> (i32, i32) {
    %c0_i32 = arith.constant 0 : i32
    %c0_i32_0 = arith.constant 0 : i32
    return %arg0, %c0_i32 : i32, i32
  }
  func.func @transform_3(%arg0: i32) -> (i32, i32) {
    %c0_i32 = arith.constant 0 : i32
    %c0_i32_0 = arith.constant 0 : i32
    %c0_i32_1 = arith.constant 0 : i32
    return %c0_i32, %c0_i32_0 : i32, i32
  }
  func.func @transform_4(%arg0: i32) -> (i32, i32) {
    %c0_i32 = arith.constant 0 : i32
    %c0_i32_0 = arith.constant 0 : i32
    %c0_i32_1 = arith.constant 0 : i32
    return %c0_i32, %c0_i32_0 : i32, i32
  }
  func.func @transform_5(%arg0: i32) -> (i32, i32) {
    %c0_i32 = arith.constant 0 : i32
    %c0_i32_0 = arith.constant 0 : i32
    %c0_i32_1 = arith.constant 0 : i32
    return %c0_i32, %c0_i32_0 : i32, i32
  }
  func.func @transform_6(%arg0: i32) -> (i32, i32) {
    %c0_i32 = arith.constant 0 : i32
    %c0_i32_0 = arith.constant 0 : i32
    %c0_i32_1 = arith.constant 0 : i32
    return %c0_i32, %c0_i32_0 : i32, i32
  }
  func.func @transform_7(%arg0: i32) -> (i32, i32) {
    %c0_i32 = arith.constant 0 : i32
    %c0_i32_0 = arith.constant 0 : i32
    %c0_i32_1 = arith.constant 0 : i32
    return %c0_i32, %c0_i32_0 : i32, i32
  }
  func.func @transform_8(%arg0: i32) -> (i32, i32) {
    %c0_i32 = arith.constant 0 : i32
    %c0_i32_0 = arith.constant 0 : i32
    %c0_i32_1 = arith.constant 0 : i32
    return %c0_i32, %c0_i32_0 : i32, i32
  }
  func.func @transform_9(%arg0: i32) -> (i32, i32) {
    %c0_i32 = arith.constant 0 : i32
    %c0_i32_0 = arith.constant 0 : i32
    %c0_i32_1 = arith.constant 0 : i32
    return %c0_i32, %c0_i32_0 : i32, i32
  }
  func.func @transform_10(%arg0: i32) -> (i32, i32) {
    %c0_i32 = arith.constant 0 : i32
    %c0_i32_0 = arith.constant 0 : i32
    %c0_i32_1 = arith.constant 0 : i32
    return %c0_i32, %c0_i32_0 : i32, i32
  }
  func.func @transform_11(%arg0: i32) -> (i32, i32) {
    %c0_i32 = arith.constant 0 : i32
    %c0_i32_0 = arith.constant 0 : i32
    return %arg0, %c0_i32 : i32, i32
  }
}

</mosaic_0001>

<sc_bundles>
// kernel: kernel.13.cloned.1.call-start
scs
__scs_entry_jumppad:
0x0: {  	(pc) =	sbr.rel $0x88, $3  }
0x1: {  	(tag) =	ssettag $0x0;
	lr =	simm.s32 $0x1  }
0x2: {  	[smem:$0x3F8D] =	sst lr;
	_ =	strace $0xD0000000  }
0x3: {  	_ = 	snop  }
0x4: {  	_ = 	snop  }
0x5: {  	_ = 	snop  }
0x6: {  	_ = 	snop  }
0x7: {  	_ = 	snop  }
__scs_overlays_trampoline_lowered:
0x8: {  	[smem:$0x3F9C] =	sst s0  }
0x9: {  	[smem:$0x3F9D] =	sst s1  }
0xa: {  	[smem:$0x3F9E] =	sst s2  }
0xb: {  	[smem:$0x3F9F] =	sst s3  }
0xc: {  	[smem:$0x3FA0] =	sst s4  }
0xd: {  	[smem:$0x3FA1] =	sst s5  }
0xe: {  	[smem:$0x3FA2] =	sst s6  }
0xf: {  	[smem:$0x3FA3] =	sst s7  }
0x10: {  	[smem:$0x3FA4] =	sst s8  }
0x11: {  	[smem:$0x3FA5] =	sst s9;
	s0 =	simm.s32 @!p0 $0x0  }
0x12: {  	s1 =	sld [smem:$0x3F8B];
	s0 =	simm.s32 @p0 $0x1  }
0x13: {  	[smem:$0x3FA6] =	sst s0;
	s0 =	simm.s32 @!p1 $0x0  }
0x14: {  	s2 =	sld [smem:$0x3F8A];
	s0 =	simm.s32 @p1 $0x1  }
0x15: {  	[smem:$0x3FA7] =	sst s0;
	s0 =	simm.s32 @!p2 $0x0  }
0x16: {  	s3 =	sld [smem:$0x3FDB];
	s0 =	simm.s32 @p2 $0x1  }
0x17: {  	s4 =	simm.s32 $0x1BF5;
	[smem:$0x3FA9] =	sst s0  }
0x18: {  	s0 =	sld [smem:$0x3F8C];
	_ =	swait.ge [sflag:s4], $0x0  }
0x19: {  	s7 =	sld [smem:$0x3F8D]  }
0x1a: {  	s8 =	sadd.s32 $0xFFFFE003, lr  }
0x1b: {  	s9 =	sadd.s32 $0xFFFFFEF7, lr;
	s5 =	simm.s32 $0xFFFFFFFF;
	p2 =	slt.u32 s8, $0xFFFFF086  }
0x1c: {  	p1 =	slt.u32 s9, $0xF7A;
	s5 =	simm.s32 @!p2 $0x0  }
0x1d: {  	s5 =	simm.s32 @p1 $0x1;
	p0 =	seq.s32 s7, s2  }
0x1e: {  	s7 =	smul.u32 @!p0 $0xF7A, s2;
	p2 =	seq.s32 @!p0 s5, $0x0  }
0x1f: {  	s9 =	smul.u32 $0xF7A, s1;
	s8 =	simm.s32 @!p0 $0x1BF5;
	p2 =	por !p2, p0  }
0x20: {  	[sflag:s8] =	ssyncset.s32 @!p0 $0xFFFFF086;
	s6 =	sadd.s32 @!p0 s3, s7;
	s7 =	simm.s32 @!p0 $0x108  }
0x21: {  	s3 =	sadd.s32 s3, s9;
	s6 =	sadd.s32 @!p0 $0x88, s6;
	s7 =	simm.s32 @p2 $0x1082  }
0x22: {  	[simem:s7], [sflag:s8] =	dma.local @!p0 [hbm:s6], $0xF7A  }
0x23: {  	s9 =	sor.u32 $0xD0000000, s2;
	s6 =	simm.s32 $0x108;
	_ =	swait.ge @!p0 [sflag:s8], $0x0  }
0x24: {  	s3 =	sadd.s32 $0x88, s3;
	s6 =	simm.s32 @!p1 $0x1082;
	[sflag:s4] =	ssyncset.s32 $0xFFFFF086  }
0x25: {  	[simem:s6], [sflag:s4] =	dma.local [hbm:s3], $0xF7A  }
0x26: {  	[smem:$0x3F8D] =	sst s1;
	(tag) =	ssettag s2;
	_ =	strace s9  }
0x27: {  	s1 =	sld [smem:$0x3F9D]  }
0x28: {  	s2 =	sld [smem:$0x3F9E]  }
0x29: {  	s4 =	sld [smem:$0x3FA0]  }
0x2a: {  	p0 =	seq.s32 s5, $0x0;
	s5 =	sld [smem:$0x3FA1]  }
0x2b: {  	s6 =	sld [smem:$0x3FA2]  }
0x2c: {  	s7 =	sld [smem:$0x3FA3]  }
0x2d: {  	s3 =	simm.s32 $0x108;
	s8 =	sld [smem:$0x3FA4]  }
0x2e: {  	s3 =	simm.s32 @!p0 $0x1082;
	s9 =	sld [smem:$0x3FA5]  }
0x2f: {  	lr =	sadd.s32 s0, s3;
	s0 =	sld [smem:$0x3F9C]  }
0x30: {  	s3 =	sld [smem:$0x3F9F]  }
0x31: {  	[smem:$0x3FA8] =	sst s10  }
0x32: {  	s10 =	sld [smem:$0x3FA6];
	_ =	sdelay $0x3  }
0x33: {  	p0 =	seq.s32 s10, $0x1;
	s10 =	sld [smem:$0x3FA8];
	_ =	sdelay $0x3  }
0x34: {  	[smem:$0x3FA8] =	sst s10  }
0x35: {  	s10 =	sld [smem:$0x3FA7];
	_ =	sdelay $0x3  }
0x36: {  	p1 =	seq.s32 s10, $0x1;
	s10 =	sld [smem:$0x3FA8];
	_ =	sdelay $0x3  }
0x37: {  	[smem:$0x3FA8] =	sst s10  }
0x38: {  	s10 =	sld [smem:$0x3FA9]  }
0x39: {  	_ = 	snop;
	(pc) =	sbr.ind lr, $3  }
0x3a: {  	_ = 	snop  }
0x3b: {  	_ = 	snop  }
0x3c: {  	p2 =	seq.s32 s10, $0x1;
	s10 =	sld [smem:$0x3FA8]  }
0x3d: {  	_ =	shalt  }
0x3e: {  	_ =	shalt  }
0x3f: {  	_ =	shalt  }
0x40: {  	_ =	shalt  }
0x41: {  	_ =	shalt  }
0x42: {  	_ =	shalt  }
0x43: {  	_ =	shalt  }
0x44: {  	_ =	shalt  }
0x45: {  	_ =	shalt  }
0x46: {  	_ =	shalt  }
0x47: {  	_ =	shalt  }
0x48: {  	_ =	shalt  }
0x49: {  	_ =	shalt  }
0x4a: {  	_ =	shalt  }
0x4b: {  	_ =	shalt  }
0x4c: {  	_ =	shalt  }
0x4d: {  	_ =	shalt  }
0x4e: {  	_ =	shalt  }
0x4f: {  	_ =	shalt  }
0x50: {  	_ =	shalt  }
0x51: {  	_ =	shalt  }
0x52: {  	_ =	shalt  }
0x53: {  	_ =	shalt  }
0x54: {  	_ =	shalt  }
0x55: {  	_ =	shalt  }
0x56: {  	_ =	shalt  }
0x57: {  	_ =	shalt  }
0x58: {  	_ =	shalt  }
0x59: {  	_ =	shalt  }
0x5a: {  	_ =	shalt  }
0x5b: {  	_ =	shalt  }
0x5c: {  	_ =	shalt  }
0x5d: {  	_ =	shalt  }
0x5e: {  	_ =	shalt  }
0x5f: {  	_ =	shalt  }
0x60: {  	_ =	shalt  }
0x61: {  	_ =	shalt  }
0x62: {  	_ =	shalt  }
0x63: {  	_ =	shalt  }
0x64: {  	_ =	shalt  }
0x65: {  	_ =	shalt  }
0x66: {  	_ =	shalt  }
0x67: {  	_ =	shalt  }
0x68: {  	_ =	shalt  }
0x69: {  	_ =	shalt  }
0x6a: {  	_ =	shalt  }
0x6b: {  	_ =	shalt  }
0x6c: {  	_ =	shalt  }
0x6d: {  	_ =	shalt  }
0x6e: {  	_ =	shalt  }
0x6f: {  	_ =	shalt  }
0x70: {  	_ =	shalt  }
0x71: {  	_ =	shalt  }
0x72: {  	_ =	shalt  }
0x73: {  	_ =	shalt  }
0x74: {  	_ =	shalt  }
0x75: {  	_ =	shalt  }
0x76: {  	_ =	shalt  }
0x77: {  	_ =	shalt  }
0x78: {  	_ =	shalt  }
0x79: {  	_ =	shalt  }
0x7a: {  	_ =	shalt  }
0x7b: {  	_ =	shalt  }
0x7c: {  	_ =	shalt  }
0x7d: {  	_ =	shalt  }
0x7e: {  	_ =	shalt  }
0x7f: {  	_ =	shalt  }
0x80: {  	_ =	shalt  }
0x81: {  	_ =	shalt  }
0x82: {  	_ =	shalt  }
0x83: {  	_ =	shalt  }
0x84: {  	_ =	shalt  }
0x85: {  	_ =	shalt  }
0x86: {  	_ =	shalt  }
0x87: {  	_ =	shalt  }
.Lfunc_end0:
.L_simem_size_0:
called_computation_lowered:
.L_overlay_start_0:
0x88: {  	s2 =	sld [smem:$0x3FD9]  }
0x89: {  	s3 =	sld [smem:$0x3FFE];
	_ =	sdelay $0x1  }
0x8a: {  	s1 =	srdreg.scid  }
0x8b: {  	s0 =	sand.u32 $0x1, s1  }
0x8c: {  	s17 =	sshll.u32 s0, $0xA;
	s2 =	sadd.s32 s3, s2  }
0x8d: {  	s2 =	sadd.s32 s2, s17  }
0x8e: {  	[smem:$0x3FB4] =	sst s2  }
0x8f: {  	_ = 	snop  }
0x90: {  	s2 =	sld [smem:$0x3FD0];
	(tm) =	ssettm $0x1  }
0x91: {  	s18 =	sld [smem:$0x3FFB];
	_ =	sdelay $0x3  }
0x92: {  	_ =	strace s18  }
0x93: {  	s3 =	sld [smem:$0x3FFC];
	_ =	sdelay $0x3  }
0x94: {  	_ =	strace s3  }
0x95: {  	s3 =	sld [smem:$0x3FFD];
	_ =	sdelay $0x3  }
0x96: {  	_ =	strace s3  }
0x97: {  	_ =	strace $0x8FFFFFFF  }
0x98: {  	s19 =	sld [smem:$0x3FDB];
	_ =	sdelay $0x1  }
0x99: {  	s4 =	simm.s32 $_scs_section_size  }
0x9a: {  	s5 =	simm.s32 $_size__tile_overlayer_lowered;
	s6 =	simm.s32 $_tile_overlayer_lowered  }
0x9b: {  	s22 =	simm.s32 $0x1BFF;
	s21 =	sshll.u32 s6, $0x1;
	s3 =	sadd.s32 s4, s19  }
0x9c: {  	s7 =	simm.s32 $0x0;
	s20 =	sshll.u32 s5, $0x1;
	s5 =	sadd.s32 s21, s3  }
0x9d: {  	[timem:s7], [sflag:s22] =	dma.local [hbm:s5], s20  }
0x9e: {  	_ =	swait.ge [sflag:s22], s20  }
0x9f: {  	s4 =	ssub.s32 $0x0, s20;
	[sflag:s22] =	ssyncset.done $0x0  }
0xa0: {  	[sflag:s22] =	ssyncadd.s32 s4;
	_ =	sdelay $0x1  }
0xa1: {  	s23 =	simm.s32 $0x1B8B  }
0xa2: {  	_ =	swait.ge [sflag:s23], $0x1  }
0xa3: {  	[sflag:s23] =	ssyncset.done $0x0  }
0xa4: {  	s25 =	simm.s32 $0x1B8E;
	s24 =	sld [smem:$0x3FFE];
	[sflag:s23] =	ssyncadd.s32 $0xFFFFFFFF  }
0xa5: {  	s26 =	simm.s32 $execute0_lowered;
	[smem:$0x3FD2] =	sst s25  }
0xa6: {  	s5 =	sshll.u32 s26, $0x1;
	_ =	strace $0x80000046;
	[dreg:$0x1] =	wrdreg $0xFFFFFFFF  }
0xa7: {  	s28 =	simm.s32 $_size_execute0_lowered;
	s3 =	sadd.s32 s3, s5;
	[dreg:$0x0] =	wrdreg $0x0  }
0xa8: {  	s5 =	sshll.u32 s28, $0x1;
	[dreg:$0x2] =	wrdreg s3  }
0xa9: {  	[dreg:$0x3] =	wrdreg s5  }
0xaa: {  	[dreg:$0x4] =	wrdreg $0xC0  }
0xab: {  	_ =	task [dreg:s7], $0x5FFFF  }
0xac: {  	[dreg:$0x1] =	wrdreg $0xFFFFFFFF  }
0xad: {  	[dreg:$0x0] =	wrdreg $0x60  }
0xae: {  	[dreg:$0x2] =	wrdreg s24  }
0xaf: {  	[dreg:$0x3] =	wrdreg s2  }
0xb0: {  	[dreg:$0x4] =	wrdreg $0x0  }
0xb1: {  	[dreg:$0x5] =	wrdreg $0x9  }
0xb2: {  	_ =	task.clear_ibuf [dreg:s7], $0x6FFFF;
	_ =	strace $0x90000046  }
0xb3: {  	s29 =	simm.s32 $0x9;
	_ =	strace $0x80000048  }
0xb4: {  	_ =	swait.ge [sflag:s29], $0x1  }
0xb5: {  	[sflag:s29] =	ssyncadd.s32 $0xFFFFFFFF  }
0xb6: {  	_ =	strace $0x90000048  }
0xb7: {  	_ =	sfence  }
0xb8: {  	s30 =	sld [smem:$0x0];
	_ =	sdelay $0x2  }
0xb9: {  	s31 =	sshll.u32 s1, $0xD;
	s1 =	sshrl.u32 s1, $0x2  }
0xba: {  	s3 =	sand.u32 $0x4000, s31;
	s1 =	sadd.s32 s1, s30  }
0xbb: {  	s0 =	sor.u32 s3, s0;
	s1 =	sshll.u32 s1, $0x11  }
0xbc: {  	s0 =	sor.u32 s1, s0  }
0xbd: {  	s0 =	sadd.s32 $0x8F2B, s0  }
0xbe: {  	[sflag:s0] =	ssyncadd.remote.s32 $0x1  }
0xbf: {  	_ =	sfence.sel $0xFFFF  }
0xc0: {  	[dreg:$0x0] =	wrdreg $0xFFFFFFFF;
	(pc) =	sbr.abs _section_cstart, $3  }
0xc1: {  	[dreg:$0x1] =	wrdreg $0xFFFFFFFF  }
0xc2: {  	_ =	task.clear_ibuf [dreg:s7], $0x2FFFF;
	_ =	strace $0x9FFFFFFF  }
0xc3: {  	(tm) =	ssettm $0x7FFFFFFF  }
tec
execute0_lowered:
.L_overlay_start_1:
0x0: {  	(tag) =	ssettag $0x1  }
0x1: {  	s8 =	rddreg [dreg:$0x0]  }
0x2: {  	s0 =	srdreg.scid;
	s2 =	rddreg [dreg:$0x1]  }
0x3: {  	s3 =	rddreg [dreg:$0x2];
	s4 =	simm.s32 $0x0;
	s14 =	simm.s32 $0x80  }
0x4: {  	s15 =	simm.s32 $0x0;
	s6 =	sand.u32 $0x1, s0;
	s0 =	stileid.u32  }
0x5: {  	[smem:$0x7FF] =	sst s4;
	s1 =	sshll.u32 s6, $0x4;
	s9 =	ssub.s32 $0x2, s6  }
0x6: {  	s11 =	smul.u32 $0x61C0, s0;
	p0 =	seq.s32 s6, $0x1;
	s12 =	sshll.u32 s0, $0x6  }
0x7: {  	s5 =	sor.u32 s0, s1;
	s1 =	rddreg [dreg:$0x3];
	_ =	strace $0x80000047  }
0x8: {  	s10 =	sshrl.u32 s9, $0x1;
	s12 =	sor.u32 $0x1C01, s12;
	s5 =	smul.u32 $0xC80, s5  }
0x9: {  	s9 =	ssub.s32 s9, s10;
	s10 =	simm.s32 $0x1C600;
	s13 =	sadd.s32 s11, s3  }
0xa: {  	s11 =	sshrl.u32 s11, $0x3;
	s10 =	simm.s32 @!p0 $0x28A00;
	s13 =	sshrl.u32 s13, $0x3  }
0xb: {  	s7 =	sadd.s32 s5, s8;
	s5 =	sadd.s32 $0x1C400, s8;
	s8 =	sadd.s32 s10, s8  }
0xc: {  	s10 =	simm.s32 $0x1;
	s6 =	sadd.s32 $0x3400, s7;
	s7 =	smax.u32 s9, $0x1  }
0xd: {  	s8 =	sadd.s32 s8, s11;
	s9 =	simm.s32 $0xC5C0;
	s11 =	simm.s32 $0x61C0  }
.LBB2_1:
0xe: {  	[tilespmem:s9], [sflag:$0x1] =	stream.linear.gather [hbm4b:s5+s4], $0x400, $0x38;
	[tilespmem:$0xC9C0] =	vst v63  }
0xf: {  	_ =	swait.ge [sflag:s10], $0x400  }
0x10: {  	[sflag:s10] =	ssyncset.done $0x0  }
0x11: {  	[sflag:s10] =	ssyncadd.s32 $0xFFFFFC00  }
0x12: {  	[tilespmem:s11], [sflag:$0x1] =	stream.linear.gather [hbm4b:s6+s4], $0x6400, $0x38;
	[tilespmem:$0xC9C0] =	vst v63  }
0x13: {  	_ =	swait.ge [sflag:s10], $0x6400  }
0x14: {  	[sflag:s10] =	ssyncset.done $0x0  }
0x15: {  	[sflag:s10] =	ssyncadd.s32 $0xFFFF9C00  }
0x16: {  	[spmem:s13], [sflag:s12] =	dma.local [hbm:s2], $0xC38  }
0x17: {  	_ =	swait.ge [sflag:s10], $0xC38  }
0x18: {  	[sflag:s10] =	ssyncset.done $0x0  }
0x19: {  	[sflag:s10] =	ssyncadd.s32 $0xFFFFF3C8  }
0x1a: {  	s16 =	simm.s32 $0x61C0;
	[bflag:$0x0] =	sbarrier.arrive $0xFFFF  }
0x1b: {  	[spmem:s3] =	stream.indirect.scatter.add.f32 [tilespmem:s9], [sflag:$0x1], $0x8, s16, s14, $0xb8;
	[tilespmem:$0xC9C0] =	vst v63  }
0x1c: {  	s16 =	simm.s32 $0x200;
	_ =	swait.ge [sflag:s10], $0x400  }
.LBB2_2:
0x1d: {  	s17 =	sshra.s32 s16, $0x2;
	[sflag:s10] =	ssyncset.done $0x0;
	p0 =	sne.s32 s16, $0x18E00  }
.Ltmp0:
0x1e: {  	s17 =	sadd.s32 $0x61C0, s17;
	[sflag:s10] =	ssyncadd.s32 $0xFFFFFC00;
	(pc) =	sbr.rel @p0 .LBB2_2-.Ltmp0, $3  }
0x1f: {  	[spmem:s3] =	stream.indirect.scatter.add.f32 [tilespmem:s9], [sflag:$0x1], $0x8, s17, s14, $0xb8;
	[tilespmem:$0xC9C0] =	vst v63  }
0x20: {  	s16 =	sadd.s32 $0x200, s16;
	_ =	sdelay $0x1  }
0x21: {  	_ =	swait.ge [sflag:s10], $0x400  }
0x22: {  	[sflag:s10] =	ssyncset.done $0x0;
	s15 =	sadd.s32 $0x1, s15  }
0x23: {  	[sflag:s10] =	ssyncadd.s32 $0xFFFFFC00;
	p0 =	sne.s32 s15, s7  }
.Ltmp1:
0x24: {  	[bflag:$0x0] =	sbarrier.arrive $0xFFFF;
	(pc) =	sbr.rel @p0 .LBB2_1-.Ltmp1, $4  }
0x25: {  	[hbm:s8], [sflag:s12] =	dma.local [spmem:s13], $0xC38  }
0x26: {  	_ =	swait.ge [sflag:s10], $0xC38  }
0x27: {  	[sflag:s10] =	ssyncset.done $0x0  }
0x28: {  	[sflag:s10] =	ssyncadd.s32 $0xFFFFF3C8  }
0x29: {  	_ =	sfence.sel $0x180000  }
0x2a: {  	[bflag:$0x0] =	sbarrier.arrive $0xFFFF  }
0x2b: {  	p0 =	sne.s32 s0, $0x0;
	_ =	strace $0x90000047  }
0x2c: {  	s0 =	sadd.s32 @!p0 $0x100000, s1;
	[bflag:$0x2] =	sbarrier.arrive $0xFFFF  }
0x2d: {  	[sflag:s0] =	ssyncadd.tile.s32 @!p0 $0x1;
	_ =	shalt  }
.Lfunc_end2:
_tile_overlayer_lowered:
.L_overlay_start_2:
0x2e: {  	(tag) =	ssettag $0x2  }
0x2f: {  	s0 =	rddreg [dreg:$0x0];
	s2 =	stileid.u32  }
0x30: {  	s1 =	rddreg [dreg:$0x1];
	p0 =	sne.s32 s2, $0x0  }
0x31: {  	s3 =	rddreg [dreg:$0x2];
	[bflag:$0x3] =	sbarrier.arrive $0xFFFF;
	s2 =	simm.s32 @!p0 $0x1C01  }
0x32: {  	[timem:s3], [sflag:s2] =	dma.local @!p0 [hbm:s0], s1  }
0x33: {  	s0 =	simm.s32 @!p0 $0x1  }
0x34: {  	_ =	swait.ge @!p0 [sflag:s0], s1  }
0x35: {  	s1 =	ssub.s32 @!p0 $0x0, s1;
	[sflag:s0] =	ssyncset.done @!p0 $0x0  }
0x36: {  	[sflag:s0] =	ssyncadd.s32 @!p0 s1  }
0x37: {  	[bflag:$0x3] =	sbarrier.arrive $0xFFFF  }
0x38: {  	_ =	shalt  }

// kernel: kernel.16.cloned.1.call-start
scs
__scs_entry_jumppad:
0x0: {  	(pc) =	sbr.rel $0x88, $3  }
0x1: {  	(tag) =	ssettag $0x0;
	lr =	simm.s32 $0x1  }
0x2: {  	[smem:$0x3F8D] =	sst lr;
	_ =	strace $0xD0000000  }
0x3: {  	_ = 	snop  }
0x4: {  	_ = 	snop  }
0x5: {  	_ = 	snop  }
0x6: {  	_ = 	snop  }
0x7: {  	_ = 	snop  }
__scs_overlays_trampoline_lowered:
0x8: {  	[smem:$0x3F9C] =	sst s0  }
0x9: {  	[smem:$0x3F9D] =	sst s1  }
0xa: {  	[smem:$0x3F9E] =	sst s2  }
0xb: {  	[smem:$0x3F9F] =	sst s3  }
0xc: {  	[smem:$0x3FA0] =	sst s4  }
0xd: {  	[smem:$0x3FA1] =	sst s5  }
0xe: {  	[smem:$0x3FA2] =	sst s6  }
0xf: {  	[smem:$0x3FA3] =	sst s7  }
0x10: {  	[smem:$0x3FA4] =	sst s8  }
0x11: {  	[smem:$0x3FA5] =	sst s9;
	s0 =	simm.s32 @!p0 $0x0  }
0x12: {  	s1 =	sld [smem:$0x3F8B];
	s0 =	simm.s32 @p0 $0x1  }
0x13: {  	[smem:$0x3FA6] =	sst s0;
	s0 =	simm.s32 @!p1 $0x0  }
0x14: {  	s2 =	sld [smem:$0x3F8A];
	s0 =	simm.s32 @p1 $0x1  }
0x15: {  	[smem:$0x3FA7] =	sst s0;
	s0 =	simm.s32 @!p2 $0x0  }
0x16: {  	s3 =	sld [smem:$0x3FDB];
	s0 =	simm.s32 @p2 $0x1  }
0x17: {  	s4 =	simm.s32 $0x1BF5;
	[smem:$0x3FA9] =	sst s0  }
0x18: {  	s0 =	sld [smem:$0x3F8C];
	_ =	swait.ge [sflag:s4], $0x0  }
0x19: {  	s7 =	sld [smem:$0x3F8D]  }
0x1a: {  	s8 =	sadd.s32 $0xFFFFE003, lr  }
0x1b: {  	s9 =	sadd.s32 $0xFFFFFEF7, lr;
	s5 =	simm.s32 $0xFFFFFFFF;
	p2 =	slt.u32 s8, $0xFFFFF086  }
0x1c: {  	p1 =	slt.u32 s9, $0xF7A;
	s5 =	simm.s32 @!p2 $0x0  }
0x1d: {  	s5 =	simm.s32 @p1 $0x1;
	p0 =	seq.s32 s7, s2  }
0x1e: {  	s7 =	smul.u32 @!p0 $0xF7A, s2;
	p2 =	seq.s32 @!p0 s5, $0x0  }
0x1f: {  	s9 =	smul.u32 $0xF7A, s1;
	s8 =	simm.s32 @!p0 $0x1BF5;
	p2 =	por !p2, p0  }
0x20: {  	[sflag:s8] =	ssyncset.s32 @!p0 $0xFFFFF086;
	s6 =	sadd.s32 @!p0 s3, s7;
	s7 =	simm.s32 @!p0 $0x108  }
0x21: {  	s3 =	sadd.s32 s3, s9;
	s6 =	sadd.s32 @!p0 $0x88, s6;
	s7 =	simm.s32 @p2 $0x1082  }
0x22: {  	[simem:s7], [sflag:s8] =	dma.local @!p0 [hbm:s6], $0xF7A  }
0x23: {  	s9 =	sor.u32 $0xD0000000, s2;
	s6 =	simm.s32 $0x108;
	_ =	swait.ge @!p0 [sflag:s8], $0x0  }
0x24: {  	s3 =	sadd.s32 $0x88, s3;
	s6 =	simm.s32 @!p1 $0x1082;
	[sflag:s4] =	ssyncset.s32 $0xFFFFF086  }
0x25: {  	[simem:s6], [sflag:s4] =	dma.local [hbm:s3], $0xF7A  }
0x26: {  	[smem:$0x3F8D] =	sst s1;
	(tag) =	ssettag s2;
	_ =	strace s9  }
0x27: {  	s1 =	sld [smem:$0x3F9D]  }
0x28: {  	s2 =	sld [smem:$0x3F9E]  }
0x29: {  	s4 =	sld [smem:$0x3FA0]  }
0x2a: {  	p0 =	seq.s32 s5, $0x0;
	s5 =	sld [smem:$0x3FA1]  }
0x2b: {  	s6 =	sld [smem:$0x3FA2]  }
0x2c: {  	s7 =	sld [smem:$0x3FA3]  }
0x2d: {  	s3 =	simm.s32 $0x108;
	s8 =	sld [smem:$0x3FA4]  }
0x2e: {  	s3 =	simm.s32 @!p0 $0x1082;
	s9 =	sld [smem:$0x3FA5]  }
0x2f: {  	lr =	sadd.s32 s0, s3;
	s0 =	sld [smem:$0x3F9C]  }
0x30: {  	s3 =	sld [smem:$0x3F9F]  }
0x31: {  	[smem:$0x3FA8] =	sst s10  }
0x32: {  	s10 =	sld [smem:$0x3FA6];
	_ =	sdelay $0x3  }
0x33: {  	p0 =	seq.s32 s10, $0x1;
	s10 =	sld [smem:$0x3FA8];
	_ =	sdelay $0x3  }
0x34: {  	[smem:$0x3FA8] =	sst s10  }
0x35: {  	s10 =	sld [smem:$0x3FA7];
	_ =	sdelay $0x3  }
0x36: {  	p1 =	seq.s32 s10, $0x1;
	s10 =	sld [smem:$0x3FA8];
	_ =	sdelay $0x3  }
0x37: {  	[smem:$0x3FA8] =	sst s10  }
0x38: {  	s10 =	sld [smem:$0x3FA9]  }
0x39: {  	_ = 	snop;
	(pc) =	sbr.ind lr, $3  }
0x3a: {  	_ = 	snop  }
0x3b: {  	_ = 	snop  }
0x3c: {  	p2 =	seq.s32 s10, $0x1;
	s10 =	sld [smem:$0x3FA8]  }
0x3d: {  	_ =	shalt  }
0x3e: {  	_ =	shalt  }
0x3f: {  	_ =	shalt  }
0x40: {  	_ =	shalt  }
0x41: {  	_ =	shalt  }
0x42: {  	_ =	shalt  }
0x43: {  	_ =	shalt  }
0x44: {  	_ =	shalt  }
0x45: {  	_ =	shalt  }
0x46: {  	_ =	shalt  }
0x47: {  	_ =	shalt  }
0x48: {  	_ =	shalt  }
0x49: {  	_ =	shalt  }
0x4a: {  	_ =	shalt  }
0x4b: {  	_ =	shalt  }
0x4c: {  	_ =	shalt  }
0x4d: {  	_ =	shalt  }
0x4e: {  	_ =	shalt  }
0x4f: {  	_ =	shalt  }
0x50: {  	_ =	shalt  }
0x51: {  	_ =	shalt  }
0x52: {  	_ =	shalt  }
0x53: {  	_ =	shalt  }
0x54: {  	_ =	shalt  }
0x55: {  	_ =	shalt  }
0x56: {  	_ =	shalt  }
0x57: {  	_ =	shalt  }
0x58: {  	_ =	shalt  }
0x59: {  	_ =	shalt  }
0x5a: {  	_ =	shalt  }
0x5b: {  	_ =	shalt  }
0x5c: {  	_ =	shalt  }
0x5d: {  	_ =	shalt  }
0x5e: {  	_ =	shalt  }
0x5f: {  	_ =	shalt  }
0x60: {  	_ =	shalt  }
0x61: {  	_ =	shalt  }
0x62: {  	_ =	shalt  }
0x63: {  	_ =	shalt  }
0x64: {  	_ =	shalt  }
0x65: {  	_ =	shalt  }
0x66: {  	_ =	shalt  }
0x67: {  	_ =	shalt  }
0x68: {  	_ =	shalt  }
0x69: {  	_ =	shalt  }
0x6a: {  	_ =	shalt  }
0x6b: {  	_ =	shalt  }
0x6c: {  	_ =	shalt  }
0x6d: {  	_ =	shalt  }
0x6e: {  	_ =	shalt  }
0x6f: {  	_ =	shalt  }
0x70: {  	_ =	shalt  }
0x71: {  	_ =	shalt  }
0x72: {  	_ =	shalt  }
0x73: {  	_ =	shalt  }
0x74: {  	_ =	shalt  }
0x75: {  	_ =	shalt  }
0x76: {  	_ =	shalt  }
0x77: {  	_ =	shalt  }
0x78: {  	_ =	shalt  }
0x79: {  	_ =	shalt  }
0x7a: {  	_ =	shalt  }
0x7b: {  	_ =	shalt  }
0x7c: {  	_ =	shalt  }
0x7d: {  	_ =	shalt  }
0x7e: {  	_ =	shalt  }
0x7f: {  	_ =	shalt  }
0x80: {  	_ =	shalt  }
0x81: {  	_ =	shalt  }
0x82: {  	_ =	shalt  }
0x83: {  	_ =	shalt  }
0x84: {  	_ =	shalt  }
0x85: {  	_ =	shalt  }
0x86: {  	_ =	shalt  }
0x87: {  	_ =	shalt  }
.Lfunc_end0:
.L_simem_size_0:
called_computation.1_lowered:
.L_overlay_start_0:
0x88: {  	s2 =	sld [smem:$0x3FD9]  }
0x89: {  	s3 =	sld [smem:$0x3FFE];
	_ =	sdelay $0x1  }
0x8a: {  	s1 =	srdreg.scid  }
0x8b: {  	s0 =	sand.u32 $0x1, s1  }
0x8c: {  	s17 =	sshll.u32 s0, $0xA;
	s2 =	sadd.s32 s3, s2  }
0x8d: {  	s2 =	sadd.s32 s2, s17  }
0x8e: {  	[smem:$0x3FB4] =	sst s2  }
0x8f: {  	_ = 	snop  }
0x90: {  	s2 =	sld [smem:$0x3FD0];
	(tm) =	ssettm $0x1  }
0x91: {  	s18 =	sld [smem:$0x3FFB];
	_ =	sdelay $0x3  }
0x92: {  	_ =	strace s18  }
0x93: {  	s3 =	sld [smem:$0x3FFC];
	_ =	sdelay $0x3  }
0x94: {  	_ =	strace s3  }
0x95: {  	s3 =	sld [smem:$0x3FFD];
	_ =	sdelay $0x3  }
0x96: {  	_ =	strace s3  }
0x97: {  	_ =	strace $0x8FFFFFFF  }
0x98: {  	s19 =	sld [smem:$0x3FDB];
	_ =	sdelay $0x1  }
0x99: {  	s4 =	simm.s32 $_scs_section_size  }
0x9a: {  	s5 =	simm.s32 $_size__tile_overlayer_lowered;
	s6 =	simm.s32 $_tile_overlayer_lowered  }
0x9b: {  	s22 =	simm.s32 $0x1BFF;
	s21 =	sshll.u32 s6, $0x1;
	s3 =	sadd.s32 s4, s19  }
0x9c: {  	s7 =	simm.s32 $0x0;
	s20 =	sshll.u32 s5, $0x1;
	s5 =	sadd.s32 s21, s3  }
0x9d: {  	[timem:s7], [sflag:s22] =	dma.local [hbm:s5], s20  }
0x9e: {  	_ =	swait.ge [sflag:s22], s20  }
0x9f: {  	s4 =	ssub.s32 $0x0, s20;
	[sflag:s22] =	ssyncset.done $0x0  }
0xa0: {  	[sflag:s22] =	ssyncadd.s32 s4;
	_ =	sdelay $0x1  }
0xa1: {  	s23 =	simm.s32 $0x1B8B  }
0xa2: {  	_ =	swait.ge [sflag:s23], $0x1  }
0xa3: {  	[sflag:s23] =	ssyncset.done $0x0  }
0xa4: {  	s25 =	simm.s32 $0x1B8E;
	s24 =	sld [smem:$0x3FFE];
	[sflag:s23] =	ssyncadd.s32 $0xFFFFFFFF  }
0xa5: {  	s26 =	simm.s32 $execute0_lowered;
	[smem:$0x3FD2] =	sst s25  }
0xa6: {  	s5 =	sshll.u32 s26, $0x1;
	_ =	strace $0x80000049;
	[dreg:$0x1] =	wrdreg $0xFFFFFFFF  }
0xa7: {  	s28 =	simm.s32 $_size_execute0_lowered;
	s3 =	sadd.s32 s3, s5;
	[dreg:$0x0] =	wrdreg $0x0  }
0xa8: {  	s5 =	sshll.u32 s28, $0x1;
	[dreg:$0x2] =	wrdreg s3  }
0xa9: {  	[dreg:$0x3] =	wrdreg s5  }
0xaa: {  	[dreg:$0x4] =	wrdreg $0xC0  }
0xab: {  	_ =	task [dreg:s7], $0x5FFFF  }
0xac: {  	[dreg:$0x1] =	wrdreg $0xFFFFFFFF  }
0xad: {  	[dreg:$0x0] =	wrdreg $0x60  }
0xae: {  	[dreg:$0x2] =	wrdreg s24  }
0xaf: {  	[dreg:$0x3] =	wrdreg s2  }
0xb0: {  	[dreg:$0x4] =	wrdreg $0x0  }
0xb1: {  	[dreg:$0x5] =	wrdreg $0xC3800  }
0xb2: {  	[dreg:$0x6] =	wrdreg $0x9  }
0xb3: {  	_ =	task.clear_ibuf [dreg:s7], $0x7FFFF;
	_ =	strace $0x90000049  }
0xb4: {  	s29 =	simm.s32 $0x9;
	_ =	strace $0x8000004B  }
0xb5: {  	_ =	swait.ge [sflag:s29], $0x1  }
0xb6: {  	[sflag:s29] =	ssyncadd.s32 $0xFFFFFFFF  }
0xb7: {  	_ =	strace $0x9000004B  }
0xb8: {  	_ =	sfence  }
0xb9: {  	s30 =	sld [smem:$0x0];
	_ =	sdelay $0x2  }
0xba: {  	s31 =	sshll.u32 s1, $0xD;
	s1 =	sshrl.u32 s1, $0x2  }
0xbb: {  	s3 =	sand.u32 $0x4000, s31;
	s1 =	sadd.s32 s1, s30  }
0xbc: {  	s0 =	sor.u32 s3, s0;
	s1 =	sshll.u32 s1, $0x11  }
0xbd: {  	s0 =	sor.u32 s1, s0  }
0xbe: {  	s0 =	sadd.s32 $0x8F2B, s0  }
0xbf: {  	[sflag:s0] =	ssyncadd.remote.s32 $0x1  }
0xc0: {  	_ =	sfence.sel $0xFFFF  }
0xc1: {  	[dreg:$0x0] =	wrdreg $0xFFFFFFFF;
	(pc) =	sbr.abs _section_cstart, $3  }
0xc2: {  	[dreg:$0x1] =	wrdreg $0xFFFFFFFF  }
0xc3: {  	_ =	task.clear_ibuf [dreg:s7], $0x2FFFF;
	_ =	strace $0x9FFFFFFF  }
0xc4: {  	(tm) =	ssettm $0x7FFFFFFF  }
0xc5: {  	_ =	shalt  }
tec
execute0_lowered:
.L_overlay_start_1:
0x0: {  	(tag) =	ssettag $0x1  }
0x1: {  	s0 =	rddreg [dreg:$0x0]  }
0x2: {  	s2 =	rddreg [dreg:$0x2]  }
0x3: {  	s3 =	rddreg [dreg:$0x3];
	s4 =	simm.s32 $0x0  }
0x4: {  	s5 =	srdreg.scid;
	s12 =	stileid.u32;
	s16 =	simm.s32 $0x1  }
0x5: {  	s17 =	simm.s32 $0x2;
	s18 =	simm.s32 $0x8;
	s19 =	simm.s32 $0x5  }
0x6: {  	s21 =	simm.s32 $0x18700;
	s22 =	simm.s32 $0x1AF00;
	s23 =	simm.s32 $0x80  }
0x7: {  	s28 =	simm.s32 $0x3;
	s29 =	simm.s32 $0x18800;
	s30 =	simm.s32 $0x1AF80  }
0x8: {  	s31 =	simm.s32 $0x4;
	[smem:$0x7FF] =	sst s4;
	s1 =	sadd.s32 $0x4DE00, s0  }
0x9: {  	s6 =	sadd.s32 $0x34E00, s0;
	s7 =	sadd.s32 $0x3400, s0;
	s8 =	smul.u32 $0x30E00, s12  }
0xa: {  	s5 =	sand.u32 $0x1, s5;
	s0 =	sadd.s32 $0xAFA00, s0;
	s11 =	smul.u32 $0xC380, s12  }
0xb: {  	s25 =	sshll.u32 s12, $0x6;
	s9 =	ssub.s32 $0x2, s5;
	s5 =	sshll.u32 s5, $0x5  }
0xc: {  	_ =	strace $0x8000004A;
	s10 =	sshrl.u32 s9, $0x1;
	s5 =	sor.u32 s5, s8  }
0xd: {  	s15 =	sadd.s32 s11, s2;
	s11 =	sadd.s32 s11, s3;
	s24 =	ssub.s32 s9, s10  }
0xe: {  	s5 =	sshrl.u32 s5, $0x3;
	s9 =	sor.u32 $0x1C05, s25;
	s10 =	smul.u32 $0x190, s12  }
.Ltmp0:
0xf: {  	s15 =	sshrl.u32 s15, $0x3;
	s20 =	sshrl.u32 s11, $0x3;
	(pc) =	sbr.rel .LBB2_1-.Ltmp0, $4  }
0x10: {  	s25 =	simm.s32 $0x18780;
	s26 =	sadd.s32 s1, s5;
	s13 =	sor.u32 $0x2, s5  }
0x11: {  	s5 =	sadd.s32 s0, s5;
	s14 =	smax.u32 s24, $0x1;
	[dreg:$0x5] =	wrdreg s26  }
0x12: {  	s24 =	simm.s32 $0x1D700;
	[dreg:$0x6] =	wrdreg s5;
	s12 =	sadd.s32 s1, s13  }
0x13: {  	s13 =	sadd.s32 s0, s13;
	s26 =	simm.s32 $0x1DF00;
	s0 =	simm.s32 $0x0  }
.LBB2_11:
0x14: {  	s0 =	sadd.s32 $0x1, s0  }
0x15: {  	p0 =	sne.s32 s0, s14  }
.Ltmp1:
0x16: {  	[bflag:$0x0] =	sbarrier.arrive $0xFFFF;
	(pc) =	sbr.rel @!p0 .LBB2_12-.Ltmp1, $4  }
0x17: {  	[hbm:s13@s18], [sflag:s9] =	dma.strided [spmem:s20@s17], $0x1870, s16, $0x2   }
0x18: {  	_ =	swait.ge [sflag:s19], $0x1870  }
0x19: {  	[sflag:s19] =	ssyncset.done $0x0  }
0x1a: {  	[sflag:s19] =	ssyncadd.s32 $0xFFFFE790  }
.LBB2_1:
0x1b: {  	s1 =	rddreg [dreg:$0x5]  }
0x1c: {  	[spmem:s15@s17], [sflag:s9] =	dma.strided [hbm:s1@s18], $0x1870, s16, $0x2   }
0x1d: {  	_ =	swait.ge [sflag:s19], $0x1870  }
0x1e: {  	[sflag:s19] =	ssyncset.done $0x0  }
0x1f: {  	[sflag:s19] =	ssyncadd.s32 $0xFFFFE790  }
0x20: {  	s11 =	rddreg [dreg:$0x1]  }
0x21: {  	[spmem:s20], [sflag:s9] =	dma.local [hbm:s11], $0x1870  }
.Ltmp2:
0x22: {  	_ =	swait.ge [sflag:s19], $0x1870;
	(pc) =	sbr.rel .LBB2_2-.Ltmp2, $4  }
0x23: {  	[sflag:s19] =	ssyncset.done $0x0  }
0x24: {  	[sflag:s19] =	ssyncadd.s32 $0xFFFFE790  }
0x25: {  	[bflag:$0x0] =	sbarrier.arrive $0xFFFF  }
0x26: {  	s5 =	simm.s32 $0x0  }
.LBB2_5:
0x27: {  	s5 =	sadd.s32 $0x1, s5  }
0x28: {  	p0 =	sne.s32 s5, $0x5  }
.Ltmp3:
0x29: {  	_ = 	snop;
	(pc) =	sbr.rel @!p0 .LBB2_6-.Ltmp3, $4  }
0x2a: {  	[spmem:s3] =	stream.indirect.scatter.add.f32 [tilespmem:s26], [sflag:$0x4], $0x10, s11, s23, $0xb8;
	[tilespmem:$0x1E700] =	vst v63  }
0x2b: {  	_ =	swait.ge [sflag:s31], $0x800  }
0x2c: {  	[sflag:s31] =	ssyncset.done $0x0  }
0x2d: {  	[sflag:s31] =	ssyncadd.s32 $0xFFFFF800  }
.LBB2_2:
0x2e: {  	s1 =	smul.u32 $0x50, s5;
	_ =	sdelay $0x1  }
0x2f: {  	s1 =	sadd.s32 s10, s1  }
0x30: {  	s1 =	sshll.u32 s1, $0x4  }
0x31: {  	s8 =	sadd.s32 s6, s1  }
0x32: {  	[tilespmem:s21], [sflag:$0x5] =	stream.linear.gather [hbm4b:s8+s4], $0x2800, $0x38;
	[tilespmem:$0x1E700] =	vst v63  }
0x33: {  	_ =	swait.ge [sflag:s19], $0x2800  }
0x34: {  	[sflag:s19] =	ssyncset.done $0x0  }
0x35: {  	s1 =	sadd.s32 s7, s1;
	[sflag:s19] =	ssyncadd.s32 $0xFFFFD800  }
0x36: {  	[tilespmem:s22], [sflag:$0x5] =	stream.linear.gather [hbm4b:s1+s4], $0x2800, $0x38;
	[tilespmem:$0x1E700] =	vst v63  }
0x37: {  	_ =	swait.ge [sflag:s19], $0x2800  }
0x38: {  	[sflag:s19] =	ssyncset.done $0x0  }
0x39: {  	[sflag:s19] =	ssyncadd.s32 $0xFFFFD800  }
0x3a: {  	[tilespmem:s24], [sflag:$0x1] =	stream.indirect.gather [spmem:s2], $0x10, s21, s23, $0xb8;
	[tilespmem:$0x1E700] =	vst v63  }
0x3b: {  	_ =	swait.ge [sflag:s16], $0x800  }
0x3c: {  	[sflag:s16] =	ssyncset.done $0x0  }
0x3d: {  	[sflag:s16] =	ssyncadd.s32 $0xFFFFF800  }
0x3e: {  	[tilespmem:s26], [sflag:$0x2] =	stream.indirect.gather [spmem:s2], $0x10, s25, s23, $0xb8;
	[tilespmem:$0x1E700] =	vst v63  }
0x3f: {  	_ = 	snop  }
0x40: {  	[spmem:s3] =	stream.indirect.scatter.add.f32 [tilespmem:s24], [sflag:$0x3], $0x10, s22, s23, $0xb8;
	[tilespmem:$0x1E700] =	vst v63  }
0x41: {  	_ =	swait.ge [sflag:s17], $0x800  }
0x42: {  	[sflag:s17] =	ssyncset.done $0x0  }
0x43: {  	[sflag:s17] =	ssyncadd.s32 $0xFFFFF800  }
0x44: {  	_ =	swait.ge [sflag:s28], $0x800  }
0x45: {  	[sflag:s28] =	ssyncset.done $0x0  }
0x46: {  	[sflag:s28] =	ssyncadd.s32 $0xFFFFF800  }
0x47: {  	[tilespmem:s24], [sflag:$0x1] =	stream.indirect.gather [spmem:s2], $0x10, s29, s23, $0xb8;
	[tilespmem:$0x1E700] =	vst v63  }
0x48: {  	s1 =	simm.s32 $0xFFFF6800  }
0x49: {  	[spmem:s3] =	stream.indirect.scatter.add.f32 [tilespmem:s26], [sflag:$0x4], $0x10, s30, s23, $0xb8;
	[tilespmem:$0x1E700] =	vst v63  }
.LBB2_3:
0x4a: {  	_ =	swait.ge [sflag:s16], $0x800  }
0x4b: {  	[sflag:s16] =	ssyncset.done $0x0  }
0x4c: {  	[sflag:s16] =	ssyncadd.s32 $0xFFFFF800  }
0x4d: {  	_ =	swait.ge [sflag:s31], $0x800  }
0x4e: {  	s8 =	sshra.s32 s1, $0x2;
	[sflag:s31] =	ssyncset.done $0x0  }
0x4f: {  	s11 =	sadd.s32 $0x1AE80, s8;
	[sflag:s31] =	ssyncadd.s32 $0xFFFFF800  }
0x50: {  	[tilespmem:s26], [sflag:$0x2] =	stream.indirect.gather [spmem:s2], $0x10, s11, s23, $0xb8;
	[tilespmem:$0x1E700] =	vst v63  }
0x51: {  	s11 =	sadd.s32 $0x1D600, s8  }
0x52: {  	[spmem:s3] =	stream.indirect.scatter.add.f32 [tilespmem:s24], [sflag:$0x3], $0x10, s11, s23, $0xb8;
	[tilespmem:$0x1E700] =	vst v63  }
0x53: {  	p0 =	seq.s32 s1, $0x0;
	_ =	swait.ge [sflag:s17], $0x800  }
.Ltmp4:
0x54: {  	[sflag:s17] =	ssyncset.done $0x0;
	(pc) =	sbr.rel @p0 .LBB2_5-.Ltmp4, $4  }
0x55: {  	[sflag:s17] =	ssyncadd.s32 $0xFFFFF800  }
0x56: {  	_ =	swait.ge [sflag:s28], $0x800  }
0x57: {  	[sflag:s28] =	ssyncset.done $0x0  }
0x58: {  	s11 =	sadd.s32 $0x1D680, s8;
	[sflag:s28] =	ssyncadd.s32 $0xFFFFF800  }
.Ltmp5:
0x59: {  	(pc) =	sbr.rel .LBB2_3-.Ltmp5, $4  }
0x5a: {  	s8 =	sadd.s32 $0x1AF00, s8  }
0x5b: {  	[tilespmem:s24], [sflag:$0x1] =	stream.indirect.gather [spmem:s2], $0x10, s8, s23, $0xb8;
	[tilespmem:$0x1E700] =	vst v63  }
0x5c: {  	s1 =	sadd.s32 $0x400, s1  }
0x5d: {  	[spmem:s3] =	stream.indirect.scatter.add.f32 [tilespmem:s26], [sflag:$0x4], $0x10, s11, s23, $0xb8;
	[tilespmem:$0x1E700] =	vst v63  }
.LBB2_6:
0x5e: {  	[bflag:$0x0] =	sbarrier.arrive $0xFFFF  }
0x5f: {  	s1 =	rddreg [dreg:$0x6]  }
0x60: {  	[hbm:s1@s18], [sflag:s9] =	dma.strided [spmem:s20@s17], $0x1870, s16, $0x2   }
0x61: {  	_ =	swait.ge [sflag:s19], $0x1870  }
0x62: {  	[sflag:s19] =	ssyncset.done $0x0  }
0x63: {  	[sflag:s19] =	ssyncadd.s32 $0xFFFFE790  }
0x64: {  	[spmem:s15@s17], [sflag:s9] =	dma.strided [hbm:s12@s18], $0x1870, s16, $0x2   }
0x65: {  	_ =	swait.ge [sflag:s19], $0x1870  }
0x66: {  	[sflag:s19] =	ssyncset.done $0x0  }
0x67: {  	[sflag:s19] =	ssyncadd.s32 $0xFFFFE790  }
0x68: {  	s11 =	rddreg [dreg:$0x1]  }
0x69: {  	[spmem:s20], [sflag:s9] =	dma.local [hbm:s11], $0x1870  }
.Ltmp6:
0x6a: {  	_ =	swait.ge [sflag:s19], $0x1870;
	(pc) =	sbr.rel .LBB2_7-.Ltmp6, $4  }
0x6b: {  	[sflag:s19] =	ssyncset.done $0x0  }
0x6c: {  	[sflag:s19] =	ssyncadd.s32 $0xFFFFE790  }
0x6d: {  	[bflag:$0x0] =	sbarrier.arrive $0xFFFF  }
0x6e: {  	s5 =	simm.s32 $0x0  }
.LBB2_10:
0x6f: {  	s5 =	sadd.s32 $0x1, s5  }
0x70: {  	p0 =	sne.s32 s5, $0x5  }
.Ltmp7:
0x71: {  	_ = 	snop;
	(pc) =	sbr.rel @!p0 .LBB2_11-.Ltmp7, $4  }
0x72: {  	[spmem:s3] =	stream.indirect.scatter.add.f32 [tilespmem:s26], [sflag:$0x4], $0x10, s11, s23, $0xb8;
	[tilespmem:$0x1E700] =	vst v63  }
0x73: {  	_ =	swait.ge [sflag:s31], $0x800  }
0x74: {  	[sflag:s31] =	ssyncset.done $0x0  }
0x75: {  	[sflag:s31] =	ssyncadd.s32 $0xFFFFF800  }
.LBB2_7:
0x76: {  	s1 =	smul.u32 $0x50, s5;
	_ =	sdelay $0x1  }
0x77: {  	s1 =	sadd.s32 s10, s1  }
0x78: {  	s1 =	sshll.u32 s1, $0x4  }
0x79: {  	s8 =	sadd.s32 s6, s1  }
0x7a: {  	[tilespmem:s21], [sflag:$0x5] =	stream.linear.gather [hbm4b:s8+s4], $0x2800, $0x38;
	[tilespmem:$0x1E700] =	vst v63  }
0x7b: {  	_ =	swait.ge [sflag:s19], $0x2800  }
0x7c: {  	[sflag:s19] =	ssyncset.done $0x0  }
0x7d: {  	s1 =	sadd.s32 s7, s1;
	[sflag:s19] =	ssyncadd.s32 $0xFFFFD800  }
0x7e: {  	[tilespmem:s22], [sflag:$0x5] =	stream.linear.gather [hbm4b:s1+s4], $0x2800, $0x38;
	[tilespmem:$0x1E700] =	vst v63  }
0x7f: {  	_ =	swait.ge [sflag:s19], $0x2800  }
0x80: {  	[sflag:s19] =	ssyncset.done $0x0  }
0x81: {  	[sflag:s19] =	ssyncadd.s32 $0xFFFFD800  }
0x82: {  	[tilespmem:s24], [sflag:$0x1] =	stream.indirect.gather [spmem:s2], $0x10, s21, s23, $0xb8;
	[tilespmem:$0x1E700] =	vst v63  }
0x83: {  	_ =	swait.ge [sflag:s16], $0x800  }
0x84: {  	[sflag:s16] =	ssyncset.done $0x0  }
0x85: {  	[sflag:s16] =	ssyncadd.s32 $0xFFFFF800  }
0x86: {  	[tilespmem:s26], [sflag:$0x2] =	stream.indirect.gather [spmem:s2], $0x10, s25, s23, $0xb8;
	[tilespmem:$0x1E700] =	vst v63  }
0x87: {  	_ = 	snop  }
0x88: {  	[spmem:s3] =	stream.indirect.scatter.add.f32 [tilespmem:s24], [sflag:$0x3], $0x10, s22, s23, $0xb8;
	[tilespmem:$0x1E700] =	vst v63  }
0x89: {  	_ =	swait.ge [sflag:s17], $0x800  }
0x8a: {  	[sflag:s17] =	ssyncset.done $0x0  }
0x8b: {  	[sflag:s17] =	ssyncadd.s32 $0xFFFFF800  }
0x8c: {  	_ =	swait.ge [sflag:s28], $0x800  }
0x8d: {  	[sflag:s28] =	ssyncset.done $0x0  }
0x8e: {  	[sflag:s28] =	ssyncadd.s32 $0xFFFFF800  }
0x8f: {  	[tilespmem:s24], [sflag:$0x1] =	stream.indirect.gather [spmem:s2], $0x10, s29, s23, $0xb8;
	[tilespmem:$0x1E700] =	vst v63  }
0x90: {  	s1 =	simm.s32 $0xFFFF6800  }
0x91: {  	[spmem:s3] =	stream.indirect.scatter.add.f32 [tilespmem:s26], [sflag:$0x4], $0x10, s30, s23, $0xb8;
	[tilespmem:$0x1E700] =	vst v63  }
.LBB2_8:
0x92: {  	_ =	swait.ge [sflag:s16], $0x800  }
0x93: {  	[sflag:s16] =	ssyncset.done $0x0  }
0x94: {  	[sflag:s16] =	ssyncadd.s32 $0xFFFFF800  }
0x95: {  	_ =	swait.ge [sflag:s31], $0x800  }
0x96: {  	s8 =	sshra.s32 s1, $0x2;
	[sflag:s31] =	ssyncset.done $0x0  }
0x97: {  	s11 =	sadd.s32 $0x1AE80, s8;
	[sflag:s31] =	ssyncadd.s32 $0xFFFFF800  }
0x98: {  	[tilespmem:s26], [sflag:$0x2] =	stream.indirect.gather [spmem:s2], $0x10, s11, s23, $0xb8;
	[tilespmem:$0x1E700] =	vst v63  }
0x99: {  	s11 =	sadd.s32 $0x1D600, s8  }
0x9a: {  	[spmem:s3] =	stream.indirect.scatter.add.f32 [tilespmem:s24], [sflag:$0x3], $0x10, s11, s23, $0xb8;
	[tilespmem:$0x1E700] =	vst v63  }
0x9b: {  	p0 =	seq.s32 s1, $0x0;
	_ =	swait.ge [sflag:s17], $0x800  }
.Ltmp8:
0x9c: {  	[sflag:s17] =	ssyncset.done $0x0;
	(pc) =	sbr.rel @p0 .LBB2_10-.Ltmp8, $4  }
0x9d: {  	[sflag:s17] =	ssyncadd.s32 $0xFFFFF800  }
0x9e: {  	_ =	swait.ge [sflag:s28], $0x800  }
0x9f: {  	[sflag:s28] =	ssyncset.done $0x0  }
0xa0: {  	s11 =	sadd.s32 $0x1D680, s8;
	[sflag:s28] =	ssyncadd.s32 $0xFFFFF800  }
.Ltmp9:
0xa1: {  	(pc) =	sbr.rel .LBB2_8-.Ltmp9, $4  }
0xa2: {  	s8 =	sadd.s32 $0x1AF00, s8  }
0xa3: {  	[tilespmem:s24], [sflag:$0x1] =	stream.indirect.gather [spmem:s2], $0x10, s8, s23, $0xb8;
	[tilespmem:$0x1E700] =	vst v63  }
0xa4: {  	s1 =	sadd.s32 $0x400, s1  }
0xa5: {  	[spmem:s3] =	stream.indirect.scatter.add.f32 [tilespmem:s26], [sflag:$0x4], $0x10, s11, s23, $0xb8;
	[tilespmem:$0x1E700] =	vst v63  }
.LBB2_12:
0xa6: {  	_ =	sfence.sel $0x180000  }
0xa7: {  	[bflag:$0x0] =	sbarrier.arrive $0xFFFF  }
0xa8: {  	_ =	strace $0x9000004A  }
0xa9: {  	s0 =	stileid.u32;
	[bflag:$0x2] =	sbarrier.arrive $0xFFFF  }
0xaa: {  	p0 =	sne.s32 s0, $0x0;
	s0 =	rddreg [dreg:$0x4]  }
0xab: {  	s0 =	sadd.s32 @!p0 $0x100000, s0  }
0xac: {  	[sflag:s0] =	ssyncadd.tile.s32 @!p0 $0x1;
	_ =	shalt  }
.Lfunc_end2:
_tile_overlayer_lowered:
.L_overlay_start_2:
0xad: {  	(tag) =	ssettag $0x2  }
0xae: {  	s0 =	rddreg [dreg:$0x0];
	s2 =	stileid.u32  }
0xaf: {  	s1 =	rddreg [dreg:$0x1];
	p0 =	sne.s32 s2, $0x0  }
0xb0: {  	s3 =	rddreg [dreg:$0x2];
	[bflag:$0x3] =	sbarrier.arrive $0xFFFF;
	s2 =	simm.s32 @!p0 $0x1C05  }
0xb1: {  	[timem:s3], [sflag:s2] =	dma.local @!p0 [hbm:s0], s1  }
0xb2: {  	s0 =	simm.s32 @!p0 $0x5  }
0xb3: {  	_ =	swait.ge @!p0 [sflag:s0], s1  }
0xb4: {  	s1 =	ssub.s32 @!p0 $0x0, s1;
	[sflag:s0] =	ssyncset.done @!p0 $0x0  }
0xb5: {  	[sflag:s0] =	ssyncadd.s32 @!p0 s1  }
0xb6: {  	[bflag:$0x3] =	sbarrier.arrive $0xFFFF  }
0xb7: {  	_ =	shalt  }

// kernel: kernel.19.cloned.1.call-start
scs
__scs_entry_jumppad:
0x0: {  	(pc) =	sbr.rel $0x88, $3  }
0x1: {  	(tag) =	ssettag $0x0;
	lr =	simm.s32 $0x1  }
0x2: {  	[smem:$0x3F8D] =	sst lr;
	_ =	strace $0xD0000000  }
0x3: {  	_ = 	snop  }
0x4: {  	_ = 	snop  }
0x5: {  	_ = 	snop  }
0x6: {  	_ = 	snop  }
0x7: {  	_ = 	snop  }
__scs_overlays_trampoline_lowered:
0x8: {  	[smem:$0x3F9C] =	sst s0  }
0x9: {  	[smem:$0x3F9D] =	sst s1  }
0xa: {  	[smem:$0x3F9E] =	sst s2  }
0xb: {  	[smem:$0x3F9F] =	sst s3  }
0xc: {  	[smem:$0x3FA0] =	sst s4  }
0xd: {  	[smem:$0x3FA1] =	sst s5  }
0xe: {  	[smem:$0x3FA2] =	sst s6  }
0xf: {  	[smem:$0x3FA3] =	sst s7  }
0x10: {  	[smem:$0x3FA4] =	sst s8  }
0x11: {  	[smem:$0x3FA5] =	sst s9;
	s0 =	simm.s32 @!p0 $0x0  }
0x12: {  	s1 =	sld [smem:$0x3F8B];
	s0 =	simm.s32 @p0 $0x1  }
0x13: {  	[smem:$0x3FA6] =	sst s0;
	s0 =	simm.s32 @!p1 $0x0  }
0x14: {  	s2 =	sld [smem:$0x3F8A];
	s0 =	simm.s32 @p1 $0x1  }
0x15: {  	[smem:$0x3FA7] =	sst s0;
	s0 =	simm.s32 @!p2 $0x0  }
0x16: {  	s3 =	sld [smem:$0x3FDB];
	s0 =	simm.s32 @p2 $0x1  }
0x17: {  	s4 =	simm.s32 $0x1BF5;
	[smem:$0x3FA9] =	sst s0  }
0x18: {  	s0 =	sld [smem:$0x3F8C];
	_ =	swait.ge [sflag:s4], $0x0  }
0x19: {  	s7 =	sld [smem:$0x3F8D]  }
0x1a: {  	s8 =	sadd.s32 $0xFFFFE003, lr  }
0x1b: {  	s9 =	sadd.s32 $0xFFFFFEF7, lr;
	s5 =	simm.s32 $0xFFFFFFFF;
	p2 =	slt.u32 s8, $0xFFFFF086  }
0x1c: {  	p1 =	slt.u32 s9, $0xF7A;
	s5 =	simm.s32 @!p2 $0x0  }
0x1d: {  	s5 =	simm.s32 @p1 $0x1;
	p0 =	seq.s32 s7, s2  }
0x1e: {  	s7 =	smul.u32 @!p0 $0xF7A, s2;
	p2 =	seq.s32 @!p0 s5, $0x0  }
0x1f: {  	s9 =	smul.u32 $0xF7A, s1;
	s8 =	simm.s32 @!p0 $0x1BF5;
	p2 =	por !p2, p0  }
0x20: {  	[sflag:s8] =	ssyncset.s32 @!p0 $0xFFFFF086;
	s6 =	sadd.s32 @!p0 s3, s7;
	s7 =	simm.s32 @!p0 $0x108  }
0x21: {  	s3 =	sadd.s32 s3, s9;
	s6 =	sadd.s32 @!p0 $0x88, s6;
	s7 =	simm.s32 @p2 $0x1082  }
0x22: {  	[simem:s7], [sflag:s8] =	dma.local @!p0 [hbm:s6], $0xF7A  }
0x23: {  	s9 =	sor.u32 $0xD0000000, s2;
	s6 =	simm.s32 $0x108;
	_ =	swait.ge @!p0 [sflag:s8], $0x0  }
0x24: {  	s3 =	sadd.s32 $0x88, s3;
	s6 =	simm.s32 @!p1 $0x1082;
	[sflag:s4] =	ssyncset.s32 $0xFFFFF086  }
0x25: {  	[simem:s6], [sflag:s4] =	dma.local [hbm:s3], $0xF7A  }
0x26: {  	[smem:$0x3F8D] =	sst s1;
	(tag) =	ssettag s2;
	_ =	strace s9  }
0x27: {  	s1 =	sld [smem:$0x3F9D]  }
0x28: {  	s2 =	sld [smem:$0x3F9E]  }
0x29: {  	s4 =	sld [smem:$0x3FA0]  }
0x2a: {  	p0 =	seq.s32 s5, $0x0;
	s5 =	sld [smem:$0x3FA1]  }
0x2b: {  	s6 =	sld [smem:$0x3FA2]  }
0x2c: {  	s7 =	sld [smem:$0x3FA3]  }
0x2d: {  	s3 =	simm.s32 $0x108;
	s8 =	sld [smem:$0x3FA4]  }
0x2e: {  	s3 =	simm.s32 @!p0 $0x1082;
	s9 =	sld [smem:$0x3FA5]  }
0x2f: {  	lr =	sadd.s32 s0, s3;
	s0 =	sld [smem:$0x3F9C]  }
0x30: {  	s3 =	sld [smem:$0x3F9F]  }
0x31: {  	[smem:$0x3FA8] =	sst s10  }
0x32: {  	s10 =	sld [smem:$0x3FA6];
	_ =	sdelay $0x3  }
0x33: {  	p0 =	seq.s32 s10, $0x1;
	s10 =	sld [smem:$0x3FA8];
	_ =	sdelay $0x3  }
0x34: {  	[smem:$0x3FA8] =	sst s10  }
0x35: {  	s10 =	sld [smem:$0x3FA7];
	_ =	sdelay $0x3  }
0x36: {  	p1 =	seq.s32 s10, $0x1;
	s10 =	sld [smem:$0x3FA8];
	_ =	sdelay $0x3  }
0x37: {  	[smem:$0x3FA8] =	sst s10  }
0x38: {  	s10 =	sld [smem:$0x3FA9]  }
0x39: {  	_ = 	snop;
	(pc) =	sbr.ind lr, $3  }
0x3a: {  	_ = 	snop  }
0x3b: {  	_ = 	snop  }
0x3c: {  	p2 =	seq.s32 s10, $0x1;
	s10 =	sld [smem:$0x3FA8]  }
0x3d: {  	_ =	shalt  }
0x3e: {  	_ =	shalt  }
0x3f: {  	_ =	shalt  }
0x40: {  	_ =	shalt  }
0x41: {  	_ =	shalt  }
0x42: {  	_ =	shalt  }
0x43: {  	_ =	shalt  }
0x44: {  	_ =	shalt  }
0x45: {  	_ =	shalt  }
0x46: {  	_ =	shalt  }
0x47: {  	_ =	shalt  }
0x48: {  	_ =	shalt  }
0x49: {  	_ =	shalt  }
0x4a: {  	_ =	shalt  }
0x4b: {  	_ =	shalt  }
0x4c: {  	_ =	shalt  }
0x4d: {  	_ =	shalt  }
0x4e: {  	_ =	shalt  }
0x4f: {  	_ =	shalt  }
0x50: {  	_ =	shalt  }
0x51: {  	_ =	shalt  }
0x52: {  	_ =	shalt  }
0x53: {  	_ =	shalt  }
0x54: {  	_ =	shalt  }
0x55: {  	_ =	shalt  }
0x56: {  	_ =	shalt  }
0x57: {  	_ =	shalt  }
0x58: {  	_ =	shalt  }
0x59: {  	_ =	shalt  }
0x5a: {  	_ =	shalt  }
0x5b: {  	_ =	shalt  }
0x5c: {  	_ =	shalt  }
0x5d: {  	_ =	shalt  }
0x5e: {  	_ =	shalt  }
0x5f: {  	_ =	shalt  }
0x60: {  	_ =	shalt  }
0x61: {  	_ =	shalt  }
0x62: {  	_ =	shalt  }
0x63: {  	_ =	shalt  }
0x64: {  	_ =	shalt  }
0x65: {  	_ =	shalt  }
0x66: {  	_ =	shalt  }
0x67: {  	_ =	shalt  }
0x68: {  	_ =	shalt  }
0x69: {  	_ =	shalt  }
0x6a: {  	_ =	shalt  }
0x6b: {  	_ =	shalt  }
0x6c: {  	_ =	shalt  }
0x6d: {  	_ =	shalt  }
0x6e: {  	_ =	shalt  }
0x6f: {  	_ =	shalt  }
0x70: {  	_ =	shalt  }
0x71: {  	_ =	shalt  }
0x72: {  	_ =	shalt  }
0x73: {  	_ =	shalt  }
0x74: {  	_ =	shalt  }
0x75: {  	_ =	shalt  }
0x76: {  	_ =	shalt  }
0x77: {  	_ =	shalt  }
0x78: {  	_ =	shalt  }
0x79: {  	_ =	shalt  }
0x7a: {  	_ =	shalt  }
0x7b: {  	_ =	shalt  }
0x7c: {  	_ =	shalt  }
0x7d: {  	_ =	shalt  }
0x7e: {  	_ =	shalt  }
0x7f: {  	_ =	shalt  }
0x80: {  	_ =	shalt  }
0x81: {  	_ =	shalt  }
0x82: {  	_ =	shalt  }
0x83: {  	_ =	shalt  }
0x84: {  	_ =	shalt  }
0x85: {  	_ =	shalt  }
0x86: {  	_ =	shalt  }
0x87: {  	_ =	shalt  }
.Lfunc_end0:
.L_simem_size_0:
called_computation.2_lowered:
.L_overlay_start_0:
0x88: {  	s2 =	sld [smem:$0x3FD9]  }
0x89: {  	s3 =	sld [smem:$0x3FFE];
	_ =	sdelay $0x1  }
0x8a: {  	s1 =	srdreg.scid  }
0x8b: {  	s0 =	sand.u32 $0x1, s1  }
0x8c: {  	s17 =	sshll.u32 s0, $0xA;
	s2 =	sadd.s32 s3, s2  }
0x8d: {  	s2 =	sadd.s32 s2, s17  }
0x8e: {  	[smem:$0x3FB4] =	sst s2  }
0x8f: {  	_ = 	snop  }
0x90: {  	s2 =	sld [smem:$0x3FD0];
	(tm) =	ssettm $0x1  }
0x91: {  	s18 =	sld [smem:$0x3FFB];
	_ =	sdelay $0x3  }
0x92: {  	_ =	strace s18  }
0x93: {  	s3 =	sld [smem:$0x3FFC];
	_ =	sdelay $0x3  }
0x94: {  	_ =	strace s3  }
0x95: {  	s3 =	sld [smem:$0x3FFD];
	_ =	sdelay $0x3  }
0x96: {  	_ =	strace s3  }
0x97: {  	_ =	strace $0x8FFFFFFF  }
0x98: {  	s19 =	sld [smem:$0x3FDB];
	_ =	sdelay $0x1  }
0x99: {  	s4 =	simm.s32 $_scs_section_size  }
0x9a: {  	s5 =	simm.s32 $_size__tile_overlayer_lowered;
	s6 =	simm.s32 $_tile_overlayer_lowered  }
0x9b: {  	s22 =	simm.s32 $0x1BFF;
	s21 =	sshll.u32 s6, $0x1;
	s3 =	sadd.s32 s4, s19  }
0x9c: {  	s7 =	simm.s32 $0x0;
	s20 =	sshll.u32 s5, $0x1;
	s5 =	sadd.s32 s21, s3  }
0x9d: {  	[timem:s7], [sflag:s22] =	dma.local [hbm:s5], s20  }
0x9e: {  	_ =	swait.ge [sflag:s22], s20  }
0x9f: {  	s4 =	ssub.s32 $0x0, s20;
	[sflag:s22] =	ssyncset.done $0x0  }
0xa0: {  	[sflag:s22] =	ssyncadd.s32 s4;
	_ =	sdelay $0x1  }
0xa1: {  	s23 =	simm.s32 $0x1B8B  }
0xa2: {  	_ =	swait.ge [sflag:s23], $0x1  }
0xa3: {  	[sflag:s23] =	ssyncset.done $0x0  }
0xa4: {  	s25 =	simm.s32 $0x1B8E;
	s24 =	sld [smem:$0x3FFE];
	[sflag:s23] =	ssyncadd.s32 $0xFFFFFFFF  }
0xa5: {  	s26 =	simm.s32 $execute0_lowered;
	[smem:$0x3FD2] =	sst s25  }
0xa6: {  	s5 =	sshll.u32 s26, $0x1;
	_ =	strace $0x8000004C;
	[dreg:$0x1] =	wrdreg $0xFFFFFFFF  }
0xa7: {  	s28 =	simm.s32 $_size_execute0_lowered;
	s3 =	sadd.s32 s3, s5;
	[dreg:$0x0] =	wrdreg $0x0  }
0xa8: {  	s5 =	sshll.u32 s28, $0x1;
	[dreg:$0x2] =	wrdreg s3  }
0xa9: {  	[dreg:$0x3] =	wrdreg s5  }
0xaa: {  	[dreg:$0x4] =	wrdreg $0xC0  }
0xab: {  	_ =	task [dreg:s7], $0x5FFFF  }
0xac: {  	[dreg:$0x1] =	wrdreg $0xFFFFFFFF  }
0xad: {  	[dreg:$0x0] =	wrdreg $0x60  }
0xae: {  	[dreg:$0x2] =	wrdreg s24  }
0xaf: {  	[dreg:$0x3] =	wrdreg s2  }
0xb0: {  	[dreg:$0x4] =	wrdreg $0x0  }
0xb1: {  	[dreg:$0x5] =	wrdreg $0xC3800  }
0xb2: {  	[dreg:$0x6] =	wrdreg $0x9  }
0xb3: {  	_ =	task.clear_ibuf [dreg:s7], $0x7FFFF;
	_ =	strace $0x9000004C  }
0xb4: {  	s29 =	simm.s32 $0x9;
	_ =	strace $0x8000004E  }
0xb5: {  	_ =	swait.ge [sflag:s29], $0x1  }
0xb6: {  	[sflag:s29] =	ssyncadd.s32 $0xFFFFFFFF  }
0xb7: {  	_ =	strace $0x9000004E  }
0xb8: {  	_ =	sfence  }
0xb9: {  	s30 =	sld [smem:$0x0];
	_ =	sdelay $0x2  }
0xba: {  	s31 =	sshll.u32 s1, $0xD;
	s1 =	sshrl.u32 s1, $0x2  }
0xbb: {  	s3 =	sand.u32 $0x4000, s31;
	s1 =	sadd.s32 s1, s30  }
0xbc: {  	s0 =	sor.u32 s3, s0;
	s1 =	sshll.u32 s1, $0x11  }
0xbd: {  	s0 =	sor.u32 s1, s0  }
0xbe: {  	s0 =	sadd.s32 $0x8F2B, s0  }
0xbf: {  	[sflag:s0] =	ssyncadd.remote.s32 $0x1  }
0xc0: {  	_ =	sfence.sel $0xFFFF  }
0xc1: {  	[dreg:$0x0] =	wrdreg $0xFFFFFFFF;
	(pc) =	sbr.abs _section_cstart, $3  }
0xc2: {  	[dreg:$0x1] =	wrdreg $0xFFFFFFFF  }
0xc3: {  	_ =	task.clear_ibuf [dreg:s7], $0x2FFFF;
	_ =	strace $0x9FFFFFFF  }
0xc4: {  	(tm) =	ssettm $0x7FFFFFFF  }
0xc5: {  	_ =	shalt  }
tec
execute0_lowered:
.L_overlay_start_1:
0x0: {  	(tag) =	ssettag $0x1  }
0x1: {  	s0 =	rddreg [dreg:$0x0]  }
0x2: {  	s2 =	rddreg [dreg:$0x2]  }
0x3: {  	s3 =	rddreg [dreg:$0x3];
	s4 =	simm.s32 $0x0  }
0x4: {  	s5 =	srdreg.scid;
	s12 =	stileid.u32;
	s16 =	simm.s32 $0x1  }
0x5: {  	s17 =	simm.s32 $0x2;
	s18 =	simm.s32 $0x8;
	s19 =	simm.s32 $0x5  }
0x6: {  	s21 =	simm.s32 $0x18700;
	s22 =	simm.s32 $0x1AF00;
	s23 =	simm.s32 $0x80  }
0x7: {  	s28 =	simm.s32 $0x3;
	s29 =	simm.s32 $0x18800;
	s30 =	simm.s32 $0x1AF80  }
0x8: {  	s31 =	simm.s32 $0x4;
	[smem:$0x7FF] =	sst s4;
	s1 =	sadd.s32 $0x111600, s0  }
0x9: {  	s6 =	sadd.s32 $0x34E00, s0;
	s7 =	sadd.s32 $0x3400, s0;
	s8 =	smul.u32 $0x30E00, s12  }
0xa: {  	s5 =	sand.u32 $0x1, s5;
	s0 =	sadd.s32 $0x173200, s0;
	s11 =	smul.u32 $0xC380, s12  }
0xb: {  	s25 =	sshll.u32 s12, $0x6;
	s9 =	ssub.s32 $0x2, s5;
	s5 =	sshll.u32 s5, $0x5  }
0xc: {  	_ =	strace $0x8000004D;
	s10 =	sshrl.u32 s9, $0x1;
	s5 =	sor.u32 s5, s8  }
0xd: {  	s15 =	sadd.s32 s11, s2;
	s11 =	sadd.s32 s11, s3;
	s24 =	ssub.s32 s9, s10  }
0xe: {  	s5 =	sshrl.u32 s5, $0x3;
	s9 =	sor.u32 $0x1C05, s25;
	s10 =	smul.u32 $0x190, s12  }
.Ltmp0:
0xf: {  	s15 =	sshrl.u32 s15, $0x3;
	s20 =	sshrl.u32 s11, $0x3;
	(pc) =	sbr.rel .LBB2_1-.Ltmp0, $4  }
0x10: {  	s25 =	simm.s32 $0x18780;
	s26 =	sadd.s32 s1, s5;
	s13 =	sor.u32 $0x2, s5  }
0x11: {  	s5 =	sadd.s32 s0, s5;
	s14 =	smax.u32 s24, $0x1;
	[dreg:$0x5] =	wrdreg s26  }
0x12: {  	s24 =	simm.s32 $0x1D700;
	[dreg:$0x6] =	wrdreg s5;
	s12 =	sadd.s32 s1, s13  }
0x13: {  	s13 =	sadd.s32 s0, s13;
	s26 =	simm.s32 $0x1DF00;
	s0 =	simm.s32 $0x0  }
.LBB2_11:
0x14: {  	s0 =	sadd.s32 $0x1, s0  }
0x15: {  	p0 =	sne.s32 s0, s14  }
.Ltmp1:
0x16: {  	[bflag:$0x0] =	sbarrier.arrive $0xFFFF;
	(pc) =	sbr.rel @!p0 .LBB2_12-.Ltmp1, $4  }
0x17: {  	[hbm:s13@s18], [sflag:s9] =	dma.strided [spmem:s20@s17], $0x1870, s16, $0x2   }
0x18: {  	_ =	swait.ge [sflag:s19], $0x1870  }
0x19: {  	[sflag:s19] =	ssyncset.done $0x0  }
0x1a: {  	[sflag:s19] =	ssyncadd.s32 $0xFFFFE790  }
.LBB2_1:
0x1b: {  	s1 =	rddreg [dreg:$0x5]  }
0x1c: {  	[spmem:s15@s17], [sflag:s9] =	dma.strided [hbm:s1@s18], $0x1870, s16, $0x2   }
0x1d: {  	_ =	swait.ge [sflag:s19], $0x1870  }
0x1e: {  	[sflag:s19] =	ssyncset.done $0x0  }
0x1f: {  	[sflag:s19] =	ssyncadd.s32 $0xFFFFE790  }
0x20: {  	s11 =	rddreg [dreg:$0x1]  }
0x21: {  	[spmem:s20], [sflag:s9] =	dma.local [hbm:s11], $0x1870  }
.Ltmp2:
0x22: {  	_ =	swait.ge [sflag:s19], $0x1870;
	(pc) =	sbr.rel .LBB2_2-.Ltmp2, $4  }
0x23: {  	[sflag:s19] =	ssyncset.done $0x0  }
0x24: {  	[sflag:s19] =	ssyncadd.s32 $0xFFFFE790  }
0x25: {  	[bflag:$0x0] =	sbarrier.arrive $0xFFFF  }
0x26: {  	s5 =	simm.s32 $0x0  }
.LBB2_5:
0x27: {  	s5 =	sadd.s32 $0x1, s5  }
0x28: {  	p0 =	sne.s32 s5, $0x5  }
.Ltmp3:
0x29: {  	_ = 	snop;
	(pc) =	sbr.rel @!p0 .LBB2_6-.Ltmp3, $4  }
0x2a: {  	[spmem:s3] =	stream.indirect.scatter.add.f32 [tilespmem:s26], [sflag:$0x4], $0x10, s11, s23, $0xb8;
	[tilespmem:$0x1E700] =	vst v63  }
0x2b: {  	_ =	swait.ge [sflag:s31], $0x800  }
0x2c: {  	[sflag:s31] =	ssyncset.done $0x0  }
0x2d: {  	[sflag:s31] =	ssyncadd.s32 $0xFFFFF800  }
.LBB2_2:
0x2e: {  	s1 =	smul.u32 $0x50, s5;
	_ =	sdelay $0x1  }
0x2f: {  	s1 =	sadd.s32 s10, s1  }
0x30: {  	s1 =	sshll.u32 s1, $0x4  }
0x31: {  	s8 =	sadd.s32 s6, s1  }
0x32: {  	[tilespmem:s21], [sflag:$0x5] =	stream.linear.gather [hbm4b:s8+s4], $0x2800, $0x38;
	[tilespmem:$0x1E700] =	vst v63  }
0x33: {  	_ =	swait.ge [sflag:s19], $0x2800  }
0x34: {  	[sflag:s19] =	ssyncset.done $0x0  }
0x35: {  	s1 =	sadd.s32 s7, s1;
	[sflag:s19] =	ssyncadd.s32 $0xFFFFD800  }
0x36: {  	[tilespmem:s22], [sflag:$0x5] =	stream.linear.gather [hbm4b:s1+s4], $0x2800, $0x38;
	[tilespmem:$0x1E700] =	vst v63  }
0x37: {  	_ =	swait.ge [sflag:s19], $0x2800  }
0x38: {  	[sflag:s19] =	ssyncset.done $0x0  }
0x39: {  	[sflag:s19] =	ssyncadd.s32 $0xFFFFD800  }
0x3a: {  	[tilespmem:s24], [sflag:$0x1] =	stream.indirect.gather [spmem:s2], $0x10, s21, s23, $0xb8;
	[tilespmem:$0x1E700] =	vst v63  }
0x3b: {  	_ =	swait.ge [sflag:s16], $0x800  }
0x3c: {  	[sflag:s16] =	ssyncset.done $0x0  }
0x3d: {  	[sflag:s16] =	ssyncadd.s32 $0xFFFFF800  }
0x3e: {  	[tilespmem:s26], [sflag:$0x2] =	stream.indirect.gather [spmem:s2], $0x10, s25, s23, $0xb8;
	[tilespmem:$0x1E700] =	vst v63  }
0x3f: {  	_ = 	snop  }
0x40: {  	[spmem:s3] =	stream.indirect.scatter.add.f32 [tilespmem:s24], [sflag:$0x3], $0x10, s22, s23, $0xb8;
	[tilespmem:$0x1E700] =	vst v63  }
0x41: {  	_ =	swait.ge [sflag:s17], $0x800  }
0x42: {  	[sflag:s17] =	ssyncset.done $0x0  }
0x43: {  	[sflag:s17] =	ssyncadd.s32 $0xFFFFF800  }
0x44: {  	_ =	swait.ge [sflag:s28], $0x800  }
0x45: {  	[sflag:s28] =	ssyncset.done $0x0  }
0x46: {  	[sflag:s28] =	ssyncadd.s32 $0xFFFFF800  }
0x47: {  	[tilespmem:s24], [sflag:$0x1] =	stream.indirect.gather [spmem:s2], $0x10, s29, s23, $0xb8;
	[tilespmem:$0x1E700] =	vst v63  }
0x48: {  	s1 =	simm.s32 $0xFFFF6800  }
0x49: {  	[spmem:s3] =	stream.indirect.scatter.add.f32 [tilespmem:s26], [sflag:$0x4], $0x10, s30, s23, $0xb8;
	[tilespmem:$0x1E700] =	vst v63  }
.LBB2_3:
0x4a: {  	_ =	swait.ge [sflag:s16], $0x800  }
0x4b: {  	[sflag:s16] =	ssyncset.done $0x0  }
0x4c: {  	[sflag:s16] =	ssyncadd.s32 $0xFFFFF800  }
0x4d: {  	_ =	swait.ge [sflag:s31], $0x800  }
0x4e: {  	s8 =	sshra.s32 s1, $0x2;
	[sflag:s31] =	ssyncset.done $0x0  }
0x4f: {  	s11 =	sadd.s32 $0x1AE80, s8;
	[sflag:s31] =	ssyncadd.s32 $0xFFFFF800  }
0x50: {  	[tilespmem:s26], [sflag:$0x2] =	stream.indirect.gather [spmem:s2], $0x10, s11, s23, $0xb8;
	[tilespmem:$0x1E700] =	vst v63  }
0x51: {  	s11 =	sadd.s32 $0x1D600, s8  }
0x52: {  	[spmem:s3] =	stream.indirect.scatter.add.f32 [tilespmem:s24], [sflag:$0x3], $0x10, s11, s23, $0xb8;
	[tilespmem:$0x1E700] =	vst v63  }
0x53: {  	p0 =	seq.s32 s1, $0x0;
	_ =	swait.ge [sflag:s17], $0x800  }
.Ltmp4:
0x54: {  	[sflag:s17] =	ssyncset.done $0x0;
	(pc) =	sbr.rel @p0 .LBB2_5-.Ltmp4, $4  }
0x55: {  	[sflag:s17] =	ssyncadd.s32 $0xFFFFF800  }
0x56: {  	_ =	swait.ge [sflag:s28], $0x800  }
0x57: {  	[sflag:s28] =	ssyncset.done $0x0  }
0x58: {  	s11 =	sadd.s32 $0x1D680, s8;
	[sflag:s28] =	ssyncadd.s32 $0xFFFFF800  }
.Ltmp5:
0x59: {  	(pc) =	sbr.rel .LBB2_3-.Ltmp5, $4  }
0x5a: {  	s8 =	sadd.s32 $0x1AF00, s8  }
0x5b: {  	[tilespmem:s24], [sflag:$0x1] =	stream.indirect.gather [spmem:s2], $0x10, s8, s23, $0xb8;
	[tilespmem:$0x1E700] =	vst v63  }
0x5c: {  	s1 =	sadd.s32 $0x400, s1  }
0x5d: {  	[spmem:s3] =	stream.indirect.scatter.add.f32 [tilespmem:s26], [sflag:$0x4], $0x10, s11, s23, $0xb8;
	[tilespmem:$0x1E700] =	vst v63  }
.LBB2_6:
0x5e: {  	[bflag:$0x0] =	sbarrier.arrive $0xFFFF  }
0x5f: {  	s1 =	rddreg [dreg:$0x6]  }
0x60: {  	[hbm:s1@s18], [sflag:s9] =	dma.strided [spmem:s20@s17], $0x1870, s16, $0x2   }
0x61: {  	_ =	swait.ge [sflag:s19], $0x1870  }
0x62: {  	[sflag:s19] =	ssyncset.done $0x0  }
0x63: {  	[sflag:s19] =	ssyncadd.s32 $0xFFFFE790  }
0x64: {  	[spmem:s15@s17], [sflag:s9] =	dma.strided [hbm:s12@s18], $0x1870, s16, $0x2   }
0x65: {  	_ =	swait.ge [sflag:s19], $0x1870  }
0x66: {  	[sflag:s19] =	ssyncset.done $0x0  }
0x67: {  	[sflag:s19] =	ssyncadd.s32 $0xFFFFE790  }
0x68: {  	s11 =	rddreg [dreg:$0x1]  }
0x69: {  	[spmem:s20], [sflag:s9] =	dma.local [hbm:s11], $0x1870  }
.Ltmp6:
0x6a: {  	_ =	swait.ge [sflag:s19], $0x1870;
	(pc) =	sbr.rel .LBB2_7-.Ltmp6, $4  }
0x6b: {  	[sflag:s19] =	ssyncset.done $0x0  }
0x6c: {  	[sflag:s19] =	ssyncadd.s32 $0xFFFFE790  }
0x6d: {  	[bflag:$0x0] =	sbarrier.arrive $0xFFFF  }
0x6e: {  	s5 =	simm.s32 $0x0  }
.LBB2_10:
0x6f: {  	s5 =	sadd.s32 $0x1, s5  }
0x70: {  	p0 =	sne.s32 s5, $0x5  }
.Ltmp7:
0x71: {  	_ = 	snop;
	(pc) =	sbr.rel @!p0 .LBB2_11-.Ltmp7, $4  }
0x72: {  	[spmem:s3] =	stream.indirect.scatter.add.f32 [tilespmem:s26], [sflag:$0x4], $0x10, s11, s23, $0xb8;
	[tilespmem:$0x1E700] =	vst v63  }
0x73: {  	_ =	swait.ge [sflag:s31], $0x800  }
0x74: {  	[sflag:s31] =	ssyncset.done $0x0  }
0x75: {  	[sflag:s31] =	ssyncadd.s32 $0xFFFFF800  }
.LBB2_7:
0x76: {  	s1 =	smul.u32 $0x50, s5;
	_ =	sdelay $0x1  }
0x77: {  	s1 =	sadd.s32 s10, s1  }
0x78: {  	s1 =	sshll.u32 s1, $0x4  }
0x79: {  	s8 =	sadd.s32 s6, s1  }
0x7a: {  	[tilespmem:s21], [sflag:$0x5] =	stream.linear.gather [hbm4b:s8+s4], $0x2800, $0x38;
	[tilespmem:$0x1E700] =	vst v63  }
0x7b: {  	_ =	swait.ge [sflag:s19], $0x2800  }
0x7c: {  	[sflag:s19] =	ssyncset.done $0x0  }
0x7d: {  	s1 =	sadd.s32 s7, s1;
	[sflag:s19] =	ssyncadd.s32 $0xFFFFD800  }
0x7e: {  	[tilespmem:s22], [sflag:$0x5] =	stream.linear.gather [hbm4b:s1+s4], $0x2800, $0x38;
	[tilespmem:$0x1E700] =	vst v63  }
0x7f: {  	_ =	swait.ge [sflag:s19], $0x2800  }
0x80: {  	[sflag:s19] =	ssyncset.done $0x0  }
0x81: {  	[sflag:s19] =	ssyncadd.s32 $0xFFFFD800  }
0x82: {  	[tilespmem:s24], [sflag:$0x1] =	stream.indirect.gather [spmem:s2], $0x10, s21, s23, $0xb8;
	[tilespmem:$0x1E700] =	vst v63  }
0x83: {  	_ =	swait.ge [sflag:s16], $0x800  }
0x84: {  	[sflag:s16] =	ssyncset.done $0x0  }
0x85: {  	[sflag:s16] =	ssyncadd.s32 $0xFFFFF800  }
0x86: {  	[tilespmem:s26], [sflag:$0x2] =	stream.indirect.gather [spmem:s2], $0x10, s25, s23, $0xb8;
	[tilespmem:$0x1E700] =	vst v63  }
0x87: {  	_ = 	snop  }
0x88: {  	[spmem:s3] =	stream.indirect.scatter.add.f32 [tilespmem:s24], [sflag:$0x3], $0x10, s22, s23, $0xb8;
	[tilespmem:$0x1E700] =	vst v63  }
0x89: {  	_ =	swait.ge [sflag:s17], $0x800  }
0x8a: {  	[sflag:s17] =	ssyncset.done $0x0  }
0x8b: {  	[sflag:s17] =	ssyncadd.s32 $0xFFFFF800  }
0x8c: {  	_ =	swait.ge [sflag:s28], $0x800  }
0x8d: {  	[sflag:s28] =	ssyncset.done $0x0  }
0x8e: {  	[sflag:s28] =	ssyncadd.s32 $0xFFFFF800  }
0x8f: {  	[tilespmem:s24], [sflag:$0x1] =	stream.indirect.gather [spmem:s2], $0x10, s29, s23, $0xb8;
	[tilespmem:$0x1E700] =	vst v63  }
0x90: {  	s1 =	simm.s32 $0xFFFF6800  }
0x91: {  	[spmem:s3] =	stream.indirect.scatter.add.f32 [tilespmem:s26], [sflag:$0x4], $0x10, s30, s23, $0xb8;
	[tilespmem:$0x1E700] =	vst v63  }
.LBB2_8:
0x92: {  	_ =	swait.ge [sflag:s16], $0x800  }
0x93: {  	[sflag:s16] =	ssyncset.done $0x0  }
0x94: {  	[sflag:s16] =	ssyncadd.s32 $0xFFFFF800  }
0x95: {  	_ =	swait.ge [sflag:s31], $0x800  }
0x96: {  	s8 =	sshra.s32 s1, $0x2;
	[sflag:s31] =	ssyncset.done $0x0  }
0x97: {  	s11 =	sadd.s32 $0x1AE80, s8;
	[sflag:s31] =	ssyncadd.s32 $0xFFFFF800  }
0x98: {  	[tilespmem:s26], [sflag:$0x2] =	stream.indirect.gather [spmem:s2], $0x10, s11, s23, $0xb8;
	[tilespmem:$0x1E700] =	vst v63  }
0x99: {  	s11 =	sadd.s32 $0x1D600, s8  }
0x9a: {  	[spmem:s3] =	stream.indirect.scatter.add.f32 [tilespmem:s24], [sflag:$0x3], $0x10, s11, s23, $0xb8;
	[tilespmem:$0x1E700] =	vst v63  }
0x9b: {  	p0 =	seq.s32 s1, $0x0;
	_ =	swait.ge [sflag:s17], $0x800  }
.Ltmp8:
0x9c: {  	[sflag:s17] =	ssyncset.done $0x0;
	(pc) =	sbr.rel @p0 .LBB2_10-.Ltmp8, $4  }
0x9d: {  	[sflag:s17] =	ssyncadd.s32 $0xFFFFF800  }
0x9e: {  	_ =	swait.ge [sflag:s28], $0x800  }
0x9f: {  	[sflag:s28] =	ssyncset.done $0x0  }
0xa0: {  	s11 =	sadd.s32 $0x1D680, s8;
	[sflag:s28] =	ssyncadd.s32 $0xFFFFF800  }
.Ltmp9:
0xa1: {  	(pc) =	sbr.rel .LBB2_8-.Ltmp9, $4  }
0xa2: {  	s8 =	sadd.s32 $0x1AF00, s8  }
0xa3: {  	[tilespmem:s24], [sflag:$0x1] =	stream.indirect.gather [spmem:s2], $0x10, s8, s23, $0xb8;
	[tilespmem:$0x1E700] =	vst v63  }
0xa4: {  	s1 =	sadd.s32 $0x400, s1  }
0xa5: {  	[spmem:s3] =	stream.indirect.scatter.add.f32 [tilespmem:s26], [sflag:$0x4], $0x10, s11, s23, $0xb8;
	[tilespmem:$0x1E700] =	vst v63  }
.LBB2_12:
0xa6: {  	_ =	sfence.sel $0x180000  }
0xa7: {  	[bflag:$0x0] =	sbarrier.arrive $0xFFFF  }
0xa8: {  	_ =	strace $0x9000004D  }
0xa9: {  	s0 =	stileid.u32;
	[bflag:$0x2] =	sbarrier.arrive $0xFFFF  }
0xaa: {  	p0 =	sne.s32 s0, $0x0;
	s0 =	rddreg [dreg:$0x4]  }
0xab: {  	s0 =	sadd.s32 @!p0 $0x100000, s0  }
0xac: {  	[sflag:s0] =	ssyncadd.tile.s32 @!p0 $0x1;
	_ =	shalt  }
.Lfunc_end2:
_tile_overlayer_lowered:
.L_overlay_start_2:
0xad: {  	(tag) =	ssettag $0x2  }
0xae: {  	s0 =	rddreg [dreg:$0x0];
	s2 =	stileid.u32  }
0xaf: {  	s1 =	rddreg [dreg:$0x1];
	p0 =	sne.s32 s2, $0x0  }
0xb0: {  	s3 =	rddreg [dreg:$0x2];
	[bflag:$0x3] =	sbarrier.arrive $0xFFFF;
	s2 =	simm.s32 @!p0 $0x1C05  }
0xb1: {  	[timem:s3], [sflag:s2] =	dma.local @!p0 [hbm:s0], s1  }
0xb2: {  	s0 =	simm.s32 @!p0 $0x5  }
0xb3: {  	_ =	swait.ge @!p0 [sflag:s0], s1  }
0xb4: {  	s1 =	ssub.s32 @!p0 $0x0, s1;
	[sflag:s0] =	ssyncset.done @!p0 $0x0  }
0xb5: {  	[sflag:s0] =	ssyncadd.s32 @!p0 s1  }
0xb6: {  	[bflag:$0x3] =	sbarrier.arrive $0xFFFF  }
0xb7: {  	_ =	shalt  }

// kernel: kernel.22.cloned.1.call-start
scs
__scs_entry_jumppad:
0x0: {  	(pc) =	sbr.rel $0x88, $3  }
0x1: {  	(tag) =	ssettag $0x0;
	lr =	simm.s32 $0x1  }
0x2: {  	[smem:$0x3F8D] =	sst lr;
	_ =	strace $0xD0000000  }
0x3: {  	_ = 	snop  }
0x4: {  	_ = 	snop  }
0x5: {  	_ = 	snop  }
0x6: {  	_ = 	snop  }
0x7: {  	_ = 	snop  }
__scs_overlays_trampoline_lowered:
0x8: {  	[smem:$0x3F9C] =	sst s0  }
0x9: {  	[smem:$0x3F9D] =	sst s1  }
0xa: {  	[smem:$0x3F9E] =	sst s2  }
0xb: {  	[smem:$0x3F9F] =	sst s3  }
0xc: {  	[smem:$0x3FA0] =	sst s4  }
0xd: {  	[smem:$0x3FA1] =	sst s5  }
0xe: {  	[smem:$0x3FA2] =	sst s6  }
0xf: {  	[smem:$0x3FA3] =	sst s7  }
0x10: {  	[smem:$0x3FA4] =	sst s8  }
0x11: {  	[smem:$0x3FA5] =	sst s9;
	s0 =	simm.s32 @!p0 $0x0  }
0x12: {  	s1 =	sld [smem:$0x3F8B];
	s0 =	simm.s32 @p0 $0x1  }
0x13: {  	[smem:$0x3FA6] =	sst s0;
	s0 =	simm.s32 @!p1 $0x0  }
0x14: {  	s2 =	sld [smem:$0x3F8A];
	s0 =	simm.s32 @p1 $0x1  }
0x15: {  	[smem:$0x3FA7] =	sst s0;
	s0 =	simm.s32 @!p2 $0x0  }
0x16: {  	s3 =	sld [smem:$0x3FDB];
	s0 =	simm.s32 @p2 $0x1  }
0x17: {  	s4 =	simm.s32 $0x1BF5;
	[smem:$0x3FA9] =	sst s0  }
0x18: {  	s0 =	sld [smem:$0x3F8C];
	_ =	swait.ge [sflag:s4], $0x0  }
0x19: {  	s7 =	sld [smem:$0x3F8D]  }
0x1a: {  	s8 =	sadd.s32 $0xFFFFE003, lr  }
0x1b: {  	s9 =	sadd.s32 $0xFFFFFEF7, lr;
	s5 =	simm.s32 $0xFFFFFFFF;
	p2 =	slt.u32 s8, $0xFFFFF086  }
0x1c: {  	p1 =	slt.u32 s9, $0xF7A;
	s5 =	simm.s32 @!p2 $0x0  }
0x1d: {  	s5 =	simm.s32 @p1 $0x1;
	p0 =	seq.s32 s7, s2  }
0x1e: {  	s7 =	smul.u32 @!p0 $0xF7A, s2;
	p2 =	seq.s32 @!p0 s5, $0x0  }
0x1f: {  	s9 =	smul.u32 $0xF7A, s1;
	s8 =	simm.s32 @!p0 $0x1BF5;
	p2 =	por !p2, p0  }
0x20: {  	[sflag:s8] =	ssyncset.s32 @!p0 $0xFFFFF086;
	s6 =	sadd.s32 @!p0 s3, s7;
	s7 =	simm.s32 @!p0 $0x108  }
0x21: {  	s3 =	sadd.s32 s3, s9;
	s6 =	sadd.s32 @!p0 $0x88, s6;
	s7 =	simm.s32 @p2 $0x1082  }
0x22: {  	[simem:s7], [sflag:s8] =	dma.local @!p0 [hbm:s6], $0xF7A  }
0x23: {  	s9 =	sor.u32 $0xD0000000, s2;
	s6 =	simm.s32 $0x108;
	_ =	swait.ge @!p0 [sflag:s8], $0x0  }
0x24: {  	s3 =	sadd.s32 $0x88, s3;
	s6 =	simm.s32 @!p1 $0x1082;
	[sflag:s4] =	ssyncset.s32 $0xFFFFF086  }
0x25: {  	[simem:s6], [sflag:s4] =	dma.local [hbm:s3], $0xF7A  }
0x26: {  	[smem:$0x3F8D] =	sst s1;
	(tag) =	ssettag s2;
	_ =	strace s9  }
0x27: {  	s1 =	sld [smem:$0x3F9D]  }
0x28: {  	s2 =	sld [smem:$0x3F9E]  }
0x29: {  	s4 =	sld [smem:$0x3FA0]  }
0x2a: {  	p0 =	seq.s32 s5, $0x0;
	s5 =	sld [smem:$0x3FA1]  }
0x2b: {  	s6 =	sld [smem:$0x3FA2]  }
0x2c: {  	s7 =	sld [smem:$0x3FA3]  }
0x2d: {  	s3 =	simm.s32 $0x108;
	s8 =	sld [smem:$0x3FA4]  }
0x2e: {  	s3 =	simm.s32 @!p0 $0x1082;
	s9 =	sld [smem:$0x3FA5]  }
0x2f: {  	lr =	sadd.s32 s0, s3;
	s0 =	sld [smem:$0x3F9C]  }
0x30: {  	s3 =	sld [smem:$0x3F9F]  }
0x31: {  	[smem:$0x3FA8] =	sst s10  }
0x32: {  	s10 =	sld [smem:$0x3FA6];
	_ =	sdelay $0x3  }
0x33: {  	p0 =	seq.s32 s10, $0x1;
	s10 =	sld [smem:$0x3FA8];
	_ =	sdelay $0x3  }
0x34: {  	[smem:$0x3FA8] =	sst s10  }
0x35: {  	s10 =	sld [smem:$0x3FA7];
	_ =	sdelay $0x3  }
0x36: {  	p1 =	seq.s32 s10, $0x1;
	s10 =	sld [smem:$0x3FA8];
	_ =	sdelay $0x3  }
0x37: {  	[smem:$0x3FA8] =	sst s10  }
0x38: {  	s10 =	sld [smem:$0x3FA9]  }
0x39: {  	_ = 	snop;
	(pc) =	sbr.ind lr, $3  }
0x3a: {  	_ = 	snop  }
0x3b: {  	_ = 	snop  }
0x3c: {  	p2 =	seq.s32 s10, $0x1;
	s10 =	sld [smem:$0x3FA8]  }
0x3d: {  	_ =	shalt  }
0x3e: {  	_ =	shalt  }
0x3f: {  	_ =	shalt  }
0x40: {  	_ =	shalt  }
0x41: {  	_ =	shalt  }
0x42: {  	_ =	shalt  }
0x43: {  	_ =	shalt  }
0x44: {  	_ =	shalt  }
0x45: {  	_ =	shalt  }
0x46: {  	_ =	shalt  }
0x47: {  	_ =	shalt  }
0x48: {  	_ =	shalt  }
0x49: {  	_ =	shalt  }
0x4a: {  	_ =	shalt  }
0x4b: {  	_ =	shalt  }
0x4c: {  	_ =	shalt  }
0x4d: {  	_ =	shalt  }
0x4e: {  	_ =	shalt  }
0x4f: {  	_ =	shalt  }
0x50: {  	_ =	shalt  }
0x51: {  	_ =	shalt  }
0x52: {  	_ =	shalt  }
0x53: {  	_ =	shalt  }
0x54: {  	_ =	shalt  }
0x55: {  	_ =	shalt  }
0x56: {  	_ =	shalt  }
0x57: {  	_ =	shalt  }
0x58: {  	_ =	shalt  }
0x59: {  	_ =	shalt  }
0x5a: {  	_ =	shalt  }
0x5b: {  	_ =	shalt  }
0x5c: {  	_ =	shalt  }
0x5d: {  	_ =	shalt  }
0x5e: {  	_ =	shalt  }
0x5f: {  	_ =	shalt  }
0x60: {  	_ =	shalt  }
0x61: {  	_ =	shalt  }
0x62: {  	_ =	shalt  }
0x63: {  	_ =	shalt  }
0x64: {  	_ =	shalt  }
0x65: {  	_ =	shalt  }
0x66: {  	_ =	shalt  }
0x67: {  	_ =	shalt  }
0x68: {  	_ =	shalt  }
0x69: {  	_ =	shalt  }
0x6a: {  	_ =	shalt  }
0x6b: {  	_ =	shalt  }
0x6c: {  	_ =	shalt  }
0x6d: {  	_ =	shalt  }
0x6e: {  	_ =	shalt  }
0x6f: {  	_ =	shalt  }
0x70: {  	_ =	shalt  }
0x71: {  	_ =	shalt  }
0x72: {  	_ =	shalt  }
0x73: {  	_ =	shalt  }
0x74: {  	_ =	shalt  }
0x75: {  	_ =	shalt  }
0x76: {  	_ =	shalt  }
0x77: {  	_ =	shalt  }
0x78: {  	_ =	shalt  }
0x79: {  	_ =	shalt  }
0x7a: {  	_ =	shalt  }
0x7b: {  	_ =	shalt  }
0x7c: {  	_ =	shalt  }
0x7d: {  	_ =	shalt  }
0x7e: {  	_ =	shalt  }
0x7f: {  	_ =	shalt  }
0x80: {  	_ =	shalt  }
0x81: {  	_ =	shalt  }
0x82: {  	_ =	shalt  }
0x83: {  	_ =	shalt  }
0x84: {  	_ =	shalt  }
0x85: {  	_ =	shalt  }
0x86: {  	_ =	shalt  }
0x87: {  	_ =	shalt  }
.Lfunc_end0:
.L_simem_size_0:
called_computation.3_lowered:
.L_overlay_start_0:
0x88: {  	s2 =	sld [smem:$0x3FD9]  }
0x89: {  	s3 =	sld [smem:$0x3FFE];
	_ =	sdelay $0x1  }
0x8a: {  	s1 =	srdreg.scid  }
0x8b: {  	s0 =	sand.u32 $0x1, s1  }
0x8c: {  	s17 =	sshll.u32 s0, $0xA;
	s2 =	sadd.s32 s3, s2  }
0x8d: {  	s2 =	sadd.s32 s2, s17  }
0x8e: {  	[smem:$0x3FB4] =	sst s2  }
0x8f: {  	_ = 	snop  }
0x90: {  	s2 =	sld [smem:$0x3FD0];
	(tm) =	ssettm $0x1  }
0x91: {  	s18 =	sld [smem:$0x3FFB];
	_ =	sdelay $0x3  }
0x92: {  	_ =	strace s18  }
0x93: {  	s3 =	sld [smem:$0x3FFC];
	_ =	sdelay $0x3  }
0x94: {  	_ =	strace s3  }
0x95: {  	s3 =	sld [smem:$0x3FFD];
	_ =	sdelay $0x3  }
0x96: {  	_ =	strace s3  }
0x97: {  	_ =	strace $0x8FFFFFFF  }
0x98: {  	s19 =	sld [smem:$0x3FDB];
	_ =	sdelay $0x1  }
0x99: {  	s4 =	simm.s32 $_scs_section_size  }
0x9a: {  	s5 =	simm.s32 $_size__tile_overlayer_lowered;
	s6 =	simm.s32 $_tile_overlayer_lowered  }
0x9b: {  	s22 =	simm.s32 $0x1BFF;
	s21 =	sshll.u32 s6, $0x1;
	s3 =	sadd.s32 s4, s19  }
0x9c: {  	s7 =	simm.s32 $0x0;
	s20 =	sshll.u32 s5, $0x1;
	s5 =	sadd.s32 s21, s3  }
0x9d: {  	[timem:s7], [sflag:s22] =	dma.local [hbm:s5], s20  }
0x9e: {  	_ =	swait.ge [sflag:s22], s20  }
0x9f: {  	s4 =	ssub.s32 $0x0, s20;
	[sflag:s22] =	ssyncset.done $0x0  }
0xa0: {  	[sflag:s22] =	ssyncadd.s32 s4;
	_ =	sdelay $0x1  }
0xa1: {  	s23 =	simm.s32 $0x1B8B  }
0xa2: {  	_ =	swait.ge [sflag:s23], $0x1  }
0xa3: {  	[sflag:s23] =	ssyncset.done $0x0  }
0xa4: {  	s25 =	simm.s32 $0x1B8E;
	s24 =	sld [smem:$0x3FFE];
	[sflag:s23] =	ssyncadd.s32 $0xFFFFFFFF  }
0xa5: {  	s26 =	simm.s32 $execute0_lowered;
	[smem:$0x3FD2] =	sst s25  }
0xa6: {  	s5 =	sshll.u32 s26, $0x1;
	_ =	strace $0x8000004F;
	[dreg:$0x1] =	wrdreg $0xFFFFFFFF  }
0xa7: {  	s28 =	simm.s32 $_size_execute0_lowered;
	s3 =	sadd.s32 s3, s5;
	[dreg:$0x0] =	wrdreg $0x0  }
0xa8: {  	s5 =	sshll.u32 s28, $0x1;
	[dreg:$0x2] =	wrdreg s3  }
0xa9: {  	[dreg:$0x3] =	wrdreg s5  }
0xaa: {  	[dreg:$0x4] =	wrdreg $0xC0  }
0xab: {  	_ =	task [dreg:s7], $0x5FFFF  }
0xac: {  	[dreg:$0x1] =	wrdreg $0xFFFFFFFF  }
0xad: {  	[dreg:$0x0] =	wrdreg $0x60  }
0xae: {  	[dreg:$0x2] =	wrdreg s24  }
0xaf: {  	[dreg:$0x3] =	wrdreg s2  }
0xb0: {  	[dreg:$0x4] =	wrdreg $0x0  }
0xb1: {  	[dreg:$0x5] =	wrdreg $0xC3800  }
0xb2: {  	[dreg:$0x6] =	wrdreg $0x9  }
0xb3: {  	_ =	task.clear_ibuf [dreg:s7], $0x7FFFF;
	_ =	strace $0x9000004F  }
0xb4: {  	s29 =	simm.s32 $0x9;
	_ =	strace $0x80000051  }
0xb5: {  	_ =	swait.ge [sflag:s29], $0x1  }
0xb6: {  	[sflag:s29] =	ssyncadd.s32 $0xFFFFFFFF  }
0xb7: {  	_ =	strace $0x90000051  }
0xb8: {  	_ =	sfence  }
0xb9: {  	s30 =	sld [smem:$0x0];
	_ =	sdelay $0x2  }
0xba: {  	s31 =	sshll.u32 s1, $0xD;
	s1 =	sshrl.u32 s1, $0x2  }
0xbb: {  	s3 =	sand.u32 $0x4000, s31;
	s1 =	sadd.s32 s1, s30  }
0xbc: {  	s0 =	sor.u32 s3, s0;
	s1 =	sshll.u32 s1, $0x11  }
0xbd: {  	s0 =	sor.u32 s1, s0  }
0xbe: {  	s0 =	sadd.s32 $0x8F2B, s0  }
0xbf: {  	[sflag:s0] =	ssyncadd.remote.s32 $0x1  }
0xc0: {  	_ =	sfence.sel $0xFFFF  }
0xc1: {  	[dreg:$0x0] =	wrdreg $0xFFFFFFFF;
	(pc) =	sbr.abs _section_cstart, $3  }
0xc2: {  	[dreg:$0x1] =	wrdreg $0xFFFFFFFF  }
0xc3: {  	_ =	task.clear_ibuf [dreg:s7], $0x2FFFF;
	_ =	strace $0x9FFFFFFF  }
0xc4: {  	(tm) =	ssettm $0x7FFFFFFF  }
0xc5: {  	_ =	shalt  }
tec
execute0_lowered:
.L_overlay_start_1:
0x0: {  	(tag) =	ssettag $0x1  }
0x1: {  	s0 =	rddreg [dreg:$0x0]  }
0x2: {  	s2 =	rddreg [dreg:$0x2]  }
0x3: {  	s3 =	rddreg [dreg:$0x3];
	s4 =	simm.s32 $0x0  }
0x4: {  	s5 =	srdreg.scid;
	s12 =	stileid.u32;
	s16 =	simm.s32 $0x1  }
0x5: {  	s17 =	simm.s32 $0x2;
	s18 =	simm.s32 $0x8;
	s19 =	simm.s32 $0x5  }
0x6: {  	s21 =	simm.s32 $0x18700;
	s22 =	simm.s32 $0x1AF00;
	s23 =	simm.s32 $0x80  }
0x7: {  	s28 =	simm.s32 $0x3;
	s29 =	simm.s32 $0x18800;
	s30 =	simm.s32 $0x1AF80  }
0x8: {  	s31 =	simm.s32 $0x4;
	[smem:$0x7FF] =	sst s4;
	s1 =	sadd.s32 $0x4DE00, s0  }
0x9: {  	s6 =	sadd.s32 $0x34E00, s0;
	s7 =	sadd.s32 $0x3400, s0;
	s8 =	smul.u32 $0x30E00, s12  }
0xa: {  	s5 =	sand.u32 $0x1, s5;
	s0 =	sadd.s32 $0xAFA00, s0;
	s11 =	smul.u32 $0xC380, s12  }
0xb: {  	s25 =	sshll.u32 s12, $0x6;
	s9 =	ssub.s32 $0x2, s5;
	s5 =	sshll.u32 s5, $0x5  }
0xc: {  	_ =	strace $0x80000050;
	s10 =	sshrl.u32 s9, $0x1;
	s5 =	sor.u32 s5, s8  }
0xd: {  	s15 =	sadd.s32 s11, s2;
	s11 =	sadd.s32 s11, s3;
	s24 =	ssub.s32 s9, s10  }
0xe: {  	s5 =	sshrl.u32 s5, $0x3;
	s9 =	sor.u32 $0x1C05, s25;
	s10 =	smul.u32 $0x190, s12  }
.Ltmp0:
0xf: {  	s15 =	sshrl.u32 s15, $0x3;
	s20 =	sshrl.u32 s11, $0x3;
	(pc) =	sbr.rel .LBB2_1-.Ltmp0, $4  }
0x10: {  	s25 =	simm.s32 $0x18780;
	s26 =	sadd.s32 s1, s5;
	s13 =	sor.u32 $0x2, s5  }
0x11: {  	s5 =	sadd.s32 s0, s5;
	s14 =	smax.u32 s24, $0x1;
	[dreg:$0x5] =	wrdreg s26  }
0x12: {  	s24 =	simm.s32 $0x1D700;
	[dreg:$0x6] =	wrdreg s5;
	s12 =	sadd.s32 s1, s13  }
0x13: {  	s13 =	sadd.s32 s0, s13;
	s26 =	simm.s32 $0x1DF00;
	s0 =	simm.s32 $0x0  }
.LBB2_11:
0x14: {  	s0 =	sadd.s32 $0x1, s0  }
0x15: {  	p0 =	sne.s32 s0, s14  }
.Ltmp1:
0x16: {  	[bflag:$0x0] =	sbarrier.arrive $0xFFFF;
	(pc) =	sbr.rel @!p0 .LBB2_12-.Ltmp1, $4  }
0x17: {  	[hbm:s13@s18], [sflag:s9] =	dma.strided [spmem:s20@s17], $0x1870, s16, $0x2   }
0x18: {  	_ =	swait.ge [sflag:s19], $0x1870  }
0x19: {  	[sflag:s19] =	ssyncset.done $0x0  }
0x1a: {  	[sflag:s19] =	ssyncadd.s32 $0xFFFFE790  }
.LBB2_1:
0x1b: {  	s1 =	rddreg [dreg:$0x5]  }
0x1c: {  	[spmem:s15@s17], [sflag:s9] =	dma.strided [hbm:s1@s18], $0x1870, s16, $0x2   }
0x1d: {  	_ =	swait.ge [sflag:s19], $0x1870  }
0x1e: {  	[sflag:s19] =	ssyncset.done $0x0  }
0x1f: {  	[sflag:s19] =	ssyncadd.s32 $0xFFFFE790  }
0x20: {  	s11 =	rddreg [dreg:$0x1]  }
0x21: {  	[spmem:s20], [sflag:s9] =	dma.local [hbm:s11], $0x1870  }
.Ltmp2:
0x22: {  	_ =	swait.ge [sflag:s19], $0x1870;
	(pc) =	sbr.rel .LBB2_2-.Ltmp2, $4  }
0x23: {  	[sflag:s19] =	ssyncset.done $0x0  }
0x24: {  	[sflag:s19] =	ssyncadd.s32 $0xFFFFE790  }
0x25: {  	[bflag:$0x0] =	sbarrier.arrive $0xFFFF  }
0x26: {  	s5 =	simm.s32 $0x0  }
.LBB2_5:
0x27: {  	s5 =	sadd.s32 $0x1, s5  }
0x28: {  	p0 =	sne.s32 s5, $0x5  }
.Ltmp3:
0x29: {  	_ = 	snop;
	(pc) =	sbr.rel @!p0 .LBB2_6-.Ltmp3, $4  }
0x2a: {  	[spmem:s3] =	stream.indirect.scatter.add.f32 [tilespmem:s26], [sflag:$0x4], $0x10, s11, s23, $0xb8;
	[tilespmem:$0x1E700] =	vst v63  }
0x2b: {  	_ =	swait.ge [sflag:s31], $0x800  }
0x2c: {  	[sflag:s31] =	ssyncset.done $0x0  }
0x2d: {  	[sflag:s31] =	ssyncadd.s32 $0xFFFFF800  }
.LBB2_2:
0x2e: {  	s1 =	smul.u32 $0x50, s5;
	_ =	sdelay $0x1  }
0x2f: {  	s1 =	sadd.s32 s10, s1  }
0x30: {  	s1 =	sshll.u32 s1, $0x4  }
0x31: {  	s8 =	sadd.s32 s6, s1  }
0x32: {  	[tilespmem:s21], [sflag:$0x5] =	stream.linear.gather [hbm4b:s8+s4], $0x2800, $0x38;
	[tilespmem:$0x1E700] =	vst v63  }
0x33: {  	_ =	swait.ge [sflag:s19], $0x2800  }
0x34: {  	[sflag:s19] =	ssyncset.done $0x0  }
0x35: {  	s1 =	sadd.s32 s7, s1;
	[sflag:s19] =	ssyncadd.s32 $0xFFFFD800  }
0x36: {  	[tilespmem:s22], [sflag:$0x5] =	stream.linear.gather [hbm4b:s1+s4], $0x2800, $0x38;
	[tilespmem:$0x1E700] =	vst v63  }
0x37: {  	_ =	swait.ge [sflag:s19], $0x2800  }
0x38: {  	[sflag:s19] =	ssyncset.done $0x0  }
0x39: {  	[sflag:s19] =	ssyncadd.s32 $0xFFFFD800  }
0x3a: {  	[tilespmem:s24], [sflag:$0x1] =	stream.indirect.gather [spmem:s2], $0x10, s21, s23, $0xb8;
	[tilespmem:$0x1E700] =	vst v63  }
0x3b: {  	_ =	swait.ge [sflag:s16], $0x800  }
0x3c: {  	[sflag:s16] =	ssyncset.done $0x0  }
0x3d: {  	[sflag:s16] =	ssyncadd.s32 $0xFFFFF800  }
0x3e: {  	[tilespmem:s26], [sflag:$0x2] =	stream.indirect.gather [spmem:s2], $0x10, s25, s23, $0xb8;
	[tilespmem:$0x1E700] =	vst v63  }
0x3f: {  	_ = 	snop  }
0x40: {  	[spmem:s3] =	stream.indirect.scatter.add.f32 [tilespmem:s24], [sflag:$0x3], $0x10, s22, s23, $0xb8;
	[tilespmem:$0x1E700] =	vst v63  }
0x41: {  	_ =	swait.ge [sflag:s17], $0x800  }
0x42: {  	[sflag:s17] =	ssyncset.done $0x0  }
0x43: {  	[sflag:s17] =	ssyncadd.s32 $0xFFFFF800  }
0x44: {  	_ =	swait.ge [sflag:s28], $0x800  }
0x45: {  	[sflag:s28] =	ssyncset.done $0x0  }
0x46: {  	[sflag:s28] =	ssyncadd.s32 $0xFFFFF800  }
0x47: {  	[tilespmem:s24], [sflag:$0x1] =	stream.indirect.gather [spmem:s2], $0x10, s29, s23, $0xb8;
	[tilespmem:$0x1E700] =	vst v63  }
0x48: {  	s1 =	simm.s32 $0xFFFF6800  }
0x49: {  	[spmem:s3] =	stream.indirect.scatter.add.f32 [tilespmem:s26], [sflag:$0x4], $0x10, s30, s23, $0xb8;
	[tilespmem:$0x1E700] =	vst v63  }
.LBB2_3:
0x4a: {  	_ =	swait.ge [sflag:s16], $0x800  }
0x4b: {  	[sflag:s16] =	ssyncset.done $0x0  }
0x4c: {  	[sflag:s16] =	ssyncadd.s32 $0xFFFFF800  }
0x4d: {  	_ =	swait.ge [sflag:s31], $0x800  }
0x4e: {  	s8 =	sshra.s32 s1, $0x2;
	[sflag:s31] =	ssyncset.done $0x0  }
0x4f: {  	s11 =	sadd.s32 $0x1AE80, s8;
	[sflag:s31] =	ssyncadd.s32 $0xFFFFF800  }
0x50: {  	[tilespmem:s26], [sflag:$0x2] =	stream.indirect.gather [spmem:s2], $0x10, s11, s23, $0xb8;
	[tilespmem:$0x1E700] =	vst v63  }
0x51: {  	s11 =	sadd.s32 $0x1D600, s8  }
0x52: {  	[spmem:s3] =	stream.indirect.scatter.add.f32 [tilespmem:s24], [sflag:$0x3], $0x10, s11, s23, $0xb8;
	[tilespmem:$0x1E700] =	vst v63  }
0x53: {  	p0 =	seq.s32 s1, $0x0;
	_ =	swait.ge [sflag:s17], $0x800  }
.Ltmp4:
0x54: {  	[sflag:s17] =	ssyncset.done $0x0;
	(pc) =	sbr.rel @p0 .LBB2_5-.Ltmp4, $4  }
0x55: {  	[sflag:s17] =	ssyncadd.s32 $0xFFFFF800  }
0x56: {  	_ =	swait.ge [sflag:s28], $0x800  }
0x57: {  	[sflag:s28] =	ssyncset.done $0x0  }
0x58: {  	s11 =	sadd.s32 $0x1D680, s8;
	[sflag:s28] =	ssyncadd.s32 $0xFFFFF800  }
.Ltmp5:
0x59: {  	(pc) =	sbr.rel .LBB2_3-.Ltmp5, $4  }
0x5a: {  	s8 =	sadd.s32 $0x1AF00, s8  }
0x5b: {  	[tilespmem:s24], [sflag:$0x1] =	stream.indirect.gather [spmem:s2], $0x10, s8, s23, $0xb8;
	[tilespmem:$0x1E700] =	vst v63  }
0x5c: {  	s1 =	sadd.s32 $0x400, s1  }
0x5d: {  	[spmem:s3] =	stream.indirect.scatter.add.f32 [tilespmem:s26], [sflag:$0x4], $0x10, s11, s23, $0xb8;
	[tilespmem:$0x1E700] =	vst v63  }
.LBB2_6:
0x5e: {  	[bflag:$0x0] =	sbarrier.arrive $0xFFFF  }
0x5f: {  	s1 =	rddreg [dreg:$0x6]  }
0x60: {  	[hbm:s1@s18], [sflag:s9] =	dma.strided [spmem:s20@s17], $0x1870, s16, $0x2   }
0x61: {  	_ =	swait.ge [sflag:s19], $0x1870  }
0x62: {  	[sflag:s19] =	ssyncset.done $0x0  }
0x63: {  	[sflag:s19] =	ssyncadd.s32 $0xFFFFE790  }
0x64: {  	[spmem:s15@s17], [sflag:s9] =	dma.strided [hbm:s12@s18], $0x1870, s16, $0x2   }
0x65: {  	_ =	swait.ge [sflag:s19], $0x1870  }
0x66: {  	[sflag:s19] =	ssyncset.done $0x0  }
0x67: {  	[sflag:s19] =	ssyncadd.s32 $0xFFFFE790  }
0x68: {  	s11 =	rddreg [dreg:$0x1]  }
0x69: {  	[spmem:s20], [sflag:s9] =	dma.local [hbm:s11], $0x1870  }
.Ltmp6:
0x6a: {  	_ =	swait.ge [sflag:s19], $0x1870;
	(pc) =	sbr.rel .LBB2_7-.Ltmp6, $4  }
0x6b: {  	[sflag:s19] =	ssyncset.done $0x0  }
0x6c: {  	[sflag:s19] =	ssyncadd.s32 $0xFFFFE790  }
0x6d: {  	[bflag:$0x0] =	sbarrier.arrive $0xFFFF  }
0x6e: {  	s5 =	simm.s32 $0x0  }
.LBB2_10:
0x6f: {  	s5 =	sadd.s32 $0x1, s5  }
0x70: {  	p0 =	sne.s32 s5, $0x5  }
.Ltmp7:
0x71: {  	_ = 	snop;
	(pc) =	sbr.rel @!p0 .LBB2_11-.Ltmp7, $4  }
0x72: {  	[spmem:s3] =	stream.indirect.scatter.add.f32 [tilespmem:s26], [sflag:$0x4], $0x10, s11, s23, $0xb8;
	[tilespmem:$0x1E700] =	vst v63  }
0x73: {  	_ =	swait.ge [sflag:s31], $0x800  }
0x74: {  	[sflag:s31] =	ssyncset.done $0x0  }
0x75: {  	[sflag:s31] =	ssyncadd.s32 $0xFFFFF800  }
.LBB2_7:
0x76: {  	s1 =	smul.u32 $0x50, s5;
	_ =	sdelay $0x1  }
0x77: {  	s1 =	sadd.s32 s10, s1  }
0x78: {  	s1 =	sshll.u32 s1, $0x4  }
0x79: {  	s8 =	sadd.s32 s6, s1  }
0x7a: {  	[tilespmem:s21], [sflag:$0x5] =	stream.linear.gather [hbm4b:s8+s4], $0x2800, $0x38;
	[tilespmem:$0x1E700] =	vst v63  }
0x7b: {  	_ =	swait.ge [sflag:s19], $0x2800  }
0x7c: {  	[sflag:s19] =	ssyncset.done $0x0  }
0x7d: {  	s1 =	sadd.s32 s7, s1;
	[sflag:s19] =	ssyncadd.s32 $0xFFFFD800  }
0x7e: {  	[tilespmem:s22], [sflag:$0x5] =	stream.linear.gather [hbm4b:s1+s4], $0x2800, $0x38;
	[tilespmem:$0x1E700] =	vst v63  }
0x7f: {  	_ =	swait.ge [sflag:s19], $0x2800  }
0x80: {  	[sflag:s19] =	ssyncset.done $0x0  }
0x81: {  	[sflag:s19] =	ssyncadd.s32 $0xFFFFD800  }
0x82: {  	[tilespmem:s24], [sflag:$0x1] =	stream.indirect.gather [spmem:s2], $0x10, s21, s23, $0xb8;
	[tilespmem:$0x1E700] =	vst v63  }
0x83: {  	_ =	swait.ge [sflag:s16], $0x800  }
0x84: {  	[sflag:s16] =	ssyncset.done $0x0  }
0x85: {  	[sflag:s16] =	ssyncadd.s32 $0xFFFFF800  }
0x86: {  	[tilespmem:s26], [sflag:$0x2] =	stream.indirect.gather [spmem:s2], $0x10, s25, s23, $0xb8;
	[tilespmem:$0x1E700] =	vst v63  }
0x87: {  	_ = 	snop  }
0x88: {  	[spmem:s3] =	stream.indirect.scatter.add.f32 [tilespmem:s24], [sflag:$0x3], $0x10, s22, s23, $0xb8;
	[tilespmem:$0x1E700] =	vst v63  }
0x89: {  	_ =	swait.ge [sflag:s17], $0x800  }
0x8a: {  	[sflag:s17] =	ssyncset.done $0x0  }
0x8b: {  	[sflag:s17] =	ssyncadd.s32 $0xFFFFF800  }
0x8c: {  	_ =	swait.ge [sflag:s28], $0x800  }
0x8d: {  	[sflag:s28] =	ssyncset.done $0x0  }
0x8e: {  	[sflag:s28] =	ssyncadd.s32 $0xFFFFF800  }
0x8f: {  	[tilespmem:s24], [sflag:$0x1] =	stream.indirect.gather [spmem:s2], $0x10, s29, s23, $0xb8;
	[tilespmem:$0x1E700] =	vst v63  }
0x90: {  	s1 =	simm.s32 $0xFFFF6800  }
0x91: {  	[spmem:s3] =	stream.indirect.scatter.add.f32 [tilespmem:s26], [sflag:$0x4], $0x10, s30, s23, $0xb8;
	[tilespmem:$0x1E700] =	vst v63  }
.LBB2_8:
0x92: {  	_ =	swait.ge [sflag:s16], $0x800  }
0x93: {  	[sflag:s16] =	ssyncset.done $0x0  }
0x94: {  	[sflag:s16] =	ssyncadd.s32 $0xFFFFF800  }
0x95: {  	_ =	swait.ge [sflag:s31], $0x800  }
0x96: {  	s8 =	sshra.s32 s1, $0x2;
	[sflag:s31] =	ssyncset.done $0x0  }
0x97: {  	s11 =	sadd.s32 $0x1AE80, s8;
	[sflag:s31] =	ssyncadd.s32 $0xFFFFF800  }
0x98: {  	[tilespmem:s26], [sflag:$0x2] =	stream.indirect.gather [spmem:s2], $0x10, s11, s23, $0xb8;
	[tilespmem:$0x1E700] =	vst v63  }
0x99: {  	s11 =	sadd.s32 $0x1D600, s8  }
0x9a: {  	[spmem:s3] =	stream.indirect.scatter.add.f32 [tilespmem:s24], [sflag:$0x3], $0x10, s11, s23, $0xb8;
	[tilespmem:$0x1E700] =	vst v63  }
0x9b: {  	p0 =	seq.s32 s1, $0x0;
	_ =	swait.ge [sflag:s17], $0x800  }
.Ltmp8:
0x9c: {  	[sflag:s17] =	ssyncset.done $0x0;
	(pc) =	sbr.rel @p0 .LBB2_10-.Ltmp8, $4  }
0x9d: {  	[sflag:s17] =	ssyncadd.s32 $0xFFFFF800  }
0x9e: {  	_ =	swait.ge [sflag:s28], $0x800  }
0x9f: {  	[sflag:s28] =	ssyncset.done $0x0  }
0xa0: {  	s11 =	sadd.s32 $0x1D680, s8;
	[sflag:s28] =	ssyncadd.s32 $0xFFFFF800  }
.Ltmp9:
0xa1: {  	(pc) =	sbr.rel .LBB2_8-.Ltmp9, $4  }
0xa2: {  	s8 =	sadd.s32 $0x1AF00, s8  }
0xa3: {  	[tilespmem:s24], [sflag:$0x1] =	stream.indirect.gather [spmem:s2], $0x10, s8, s23, $0xb8;
	[tilespmem:$0x1E700] =	vst v63  }
0xa4: {  	s1 =	sadd.s32 $0x400, s1  }
0xa5: {  	[spmem:s3] =	stream.indirect.scatter.add.f32 [tilespmem:s26], [sflag:$0x4], $0x10, s11, s23, $0xb8;
	[tilespmem:$0x1E700] =	vst v63  }
.LBB2_12:
0xa6: {  	_ =	sfence.sel $0x180000  }
0xa7: {  	[bflag:$0x0] =	sbarrier.arrive $0xFFFF  }
0xa8: {  	_ =	strace $0x90000050  }
0xa9: {  	s0 =	stileid.u32;
	[bflag:$0x2] =	sbarrier.arrive $0xFFFF  }
0xaa: {  	p0 =	sne.s32 s0, $0x0;
	s0 =	rddreg [dreg:$0x4]  }
0xab: {  	s0 =	sadd.s32 @!p0 $0x100000, s0  }
0xac: {  	[sflag:s0] =	ssyncadd.tile.s32 @!p0 $0x1;
	_ =	shalt  }
.Lfunc_end2:
_tile_overlayer_lowered:
.L_overlay_start_2:
0xad: {  	(tag) =	ssettag $0x2  }
0xae: {  	s0 =	rddreg [dreg:$0x0];
	s2 =	stileid.u32  }
0xaf: {  	s1 =	rddreg [dreg:$0x1];
	p0 =	sne.s32 s2, $0x0  }
0xb0: {  	s3 =	rddreg [dreg:$0x2];
	[bflag:$0x3] =	sbarrier.arrive $0xFFFF;
	s2 =	simm.s32 @!p0 $0x1C05  }
0xb1: {  	[timem:s3], [sflag:s2] =	dma.local @!p0 [hbm:s0], s1  }
0xb2: {  	s0 =	simm.s32 @!p0 $0x5  }
0xb3: {  	_ =	swait.ge @!p0 [sflag:s0], s1  }
0xb4: {  	s1 =	ssub.s32 @!p0 $0x0, s1;
	[sflag:s0] =	ssyncset.done @!p0 $0x0  }
0xb5: {  	[sflag:s0] =	ssyncadd.s32 @!p0 s1  }
0xb6: {  	[bflag:$0x3] =	sbarrier.arrive $0xFFFF  }
0xb7: {  	_ =	shalt  }

</sc_bundles>
